<compile_context>
chip_gen: v7x
topology: tpu7x:2x2x1
jax: 0.10.2.dev20260603
libtpu: 0.0.44.dev20260713+nightly
codegen_flags: <defaults>
</compile_context>

<pallas_src>
import functools

import jax
import jax.numpy as jnp
from jax import lax
from jax.experimental import pallas as pl
from jax.experimental.pallas import tpu as pltpu
from jax.experimental.pallas import tpu_sc as plsc

N = 10000
D = 128
DH = D // 2
E = 320000
NC = 2
NS = 16
NW = NC * NS
EPW = E // NW
K = 80
NCH = EPW // K
ZB = 624
ZREM = N - NS * ZB

_mesh = plsc.VectorSubcoreMesh(core_axis_name="c", subcore_axis_name="s")

_f32 = jnp.float32

_sc_params = pltpu.CompilerParams(use_tc_tiling_on_sc=False)


@functools.partial(
    pl.kernel,
    out_type=(jax.ShapeDtypeStruct((N,), _f32),
              jax.ShapeDtypeStruct((N,), _f32)),
    mesh=_mesh,
    scratch_types=[
        pltpu.VMEM((NCH, K), jnp.int32),
        pltpu.VMEM((K,), _f32),
        pltpu.VMEM((N,), _f32),
        pltpu.VMEM_SHARED((N,), _f32),
    ],
    compiler_params=_sc_params,
)
def _deg_kernel(dst_hbm, d0_hbm, d1_hbm, didx, ones_v, zero_v, acc):
    c = lax.axis_index("c")
    s = lax.axis_index("s")
    wid = s * NC + c

    pltpu.sync_copy(dst_hbm.at[wid], didx)

    def fill(i, _):
        ones_v[pl.ds(i * 16, 16)] = jnp.ones((16,), _f32)
        return 0
    lax.fori_loop(0, K // 16, fill, 0)

    @pl.when(s == 0)
    def _():
        def zfill(i, _):
            zero_v[pl.ds(i * 16, 16)] = jnp.zeros((16,), _f32)
            return 0
        lax.fori_loop(0, N // 16, zfill, 0)
        pltpu.sync_copy(zero_v, acc)

    plsc.subcore_barrier()

    def body(j, _):
        pltpu.sync_copy(ones_v, acc.at[didx.at[j]], add=True)
        return 0
    lax.fori_loop(0, NCH, body, 0)

    plsc.subcore_barrier()

    @pl.when((s == 0) & (c == 0))
    def _():
        pltpu.sync_copy(acc, d0_hbm)

    @pl.when((s == 0) & (c == 1))
    def _():
        pltpu.sync_copy(acc, d1_hbm)


@functools.partial(
    pl.kernel,
    out_type=tuple(jax.ShapeDtypeStruct((N, DH), _f32) for _ in range(4)),
    mesh=_mesh,
    scratch_types=[
        pltpu.VMEM((NCH, K), jnp.int32),
        pltpu.VMEM((NCH, K), jnp.int32),
        pltpu.VMEM((K, DH), _f32),
        pltpu.VMEM((K, DH), _f32),
        pltpu.VMEM((K, DH), _f32),
        pltpu.VMEM_SHARED((N, DH), _f32),
        pltpu.SemaphoreType.DMA,
        pltpu.SemaphoreType.DMA,
    ],
    compiler_params=_sc_params,
)
def _agg_kernel(tlo_hbm, thi_hbm, src_hbm, dst_hbm,
                p0lo_hbm, p1lo_hbm, p0hi_hbm, p1hi_hbm,
                sidx, didx, buf_a, buf_b, buf_z, acc, sem_a, sem_b):
    c = lax.axis_index("c")
    s = lax.axis_index("s")
    wid = s * NC + c
    base = s * ZB

    pltpu.sync_copy(src_hbm.at[wid], sidx)
    pltpu.sync_copy(dst_hbm.at[wid], didx)

    zv = jnp.zeros((16,), _f32)

    def zrow(r, _):
        for q in range(DH // 16):
            buf_z[r, pl.ds(q * 16, 16)] = zv
        return 0
    lax.fori_loop(0, K, zrow, 0)

    def zero_acc_slice():
        for z in range(ZB // K):
            pltpu.sync_copy(buf_z, acc.at[pl.ds(base + z * K, K)])
        rem = ZB % K
        pltpu.sync_copy(buf_z.at[pl.ds(0, rem)],
                        acc.at[pl.ds(base + (ZB // K) * K, rem)])

        @pl.when(s == 0)
        def _():
            pltpu.sync_copy(buf_z.at[pl.ds(0, ZREM)],
                            acc.at[pl.ds(NS * ZB, ZREM)])

    zero_acc_slice()
    plsc.subcore_barrier()

    for table_hbm, pc0_hbm, pc1_hbm, last in (
        (tlo_hbm, p0lo_hbm, p1lo_hbm, False),
        (thi_hbm, p0hi_hbm, p1hi_hbm, True),
    ):
        pltpu.async_copy(table_hbm.at[sidx.at[0]], buf_a, sem_a)

        def body(i, _):
            j0 = 2 * i
            pltpu.async_copy(table_hbm.at[sidx.at[j0 + 1]], buf_b, sem_b)
            pltpu.make_async_copy(table_hbm.at[sidx.at[j0]], buf_a, sem_a).wait()
            pltpu.sync_copy(buf_a, acc.at[didx.at[j0]], add=True)
            pltpu.async_copy(table_hbm.at[sidx.at[j0 + 2]], buf_a, sem_a)
            pltpu.make_async_copy(table_hbm.at[sidx.at[j0 + 1]], buf_b, sem_b).wait()
            pltpu.sync_copy(buf_b, acc.at[didx.at[j0 + 1]], add=True)
            return 0
        lax.fori_loop(0, (NCH - 1) // 2, body, 0)

        pltpu.make_async_copy(table_hbm.at[sidx.at[NCH - 1]], buf_a, sem_a).wait()
        pltpu.sync_copy(buf_a, acc.at[didx.at[NCH - 1]], add=True)

        plsc.subcore_barrier()

        @pl.when(c == 0)
        def _():
            pltpu.sync_copy(acc.at[pl.ds(base, ZB)],
                            pc0_hbm.at[pl.ds(base, ZB)])

        @pl.when(c == 1)
        def _():
            pltpu.sync_copy(acc.at[pl.ds(base, ZB)],
                            pc1_hbm.at[pl.ds(base, ZB)])

        @pl.when((s == 0) & (c == 0))
        def _():
            pltpu.sync_copy(acc.at[pl.ds(NS * ZB, ZREM)],
                            pc0_hbm.at[pl.ds(NS * ZB, ZREM)])

        @pl.when((s == 0) & (c == 1))
        def _():
            pltpu.sync_copy(acc.at[pl.ds(NS * ZB, ZREM)],
                            pc1_hbm.at[pl.ds(NS * ZB, ZREM)])

        if not last:
            zero_acc_slice()
            plsc.subcore_barrier()


_RB = 1000


def _prep_body(x_ref, d0_ref, d1_ref, xlo_ref, xhi_ref, dinv_ref):
    deg = jnp.maximum(d0_ref[...] + d1_ref[...], 1.0)
    di = lax.rsqrt(deg)
    dinv_ref[...] = di
    xs = x_ref[...] * di
    xlo_ref[...] = xs[:, :DH]
    xhi_ref[...] = xs[:, DH:]


_prep_call = pl.pallas_call(
    _prep_body,
    grid=(N // _RB,),
    in_specs=[
        pl.BlockSpec((_RB, D), lambda i: (i, 0)),
        pl.BlockSpec((_RB, 1), lambda i: (i, 0)),
        pl.BlockSpec((_RB, 1), lambda i: (i, 0)),
    ],
    out_specs=[
        pl.BlockSpec((_RB, DH), lambda i: (i, 0)),
        pl.BlockSpec((_RB, DH), lambda i: (i, 0)),
        pl.BlockSpec((_RB, 1), lambda i: (i, 0)),
    ],
    out_shape=[
        jax.ShapeDtypeStruct((N, DH), _f32),
        jax.ShapeDtypeStruct((N, DH), _f32),
        jax.ShapeDtypeStruct((N, 1), _f32),
    ],
)


def _dense_body(p0lo_ref, p1lo_ref, p0hi_ref, p1hi_ref, dinv_ref, w_ref,
                *out_refs, relu_scale):
    di = dinv_ref[...]
    alo = (p0lo_ref[...] + p1lo_ref[...]) * di
    ahi = (p0hi_ref[...] + p1hi_ref[...]) * di
    w = w_ref[...]
    m = (jnp.dot(alo, w[:DH, :], preferred_element_type=_f32)
         + jnp.dot(ahi, w[DH:, :], preferred_element_type=_f32))
    if relu_scale:
        v = jnp.maximum(m, 0.0) * di
        out_refs[0][...] = v[:, :DH]
        out_refs[1][...] = v[:, DH:]
    else:
        out_refs[0][...] = m


def _make_dense(relu_scale):
    if relu_scale:
        out_specs = [pl.BlockSpec((_RB, DH), lambda i: (i, 0)),
                     pl.BlockSpec((_RB, DH), lambda i: (i, 0))]
        out_shape = [jax.ShapeDtypeStruct((N, DH), _f32),
                     jax.ShapeDtypeStruct((N, DH), _f32)]
    else:
        out_specs = pl.BlockSpec((_RB, D), lambda i: (i, 0))
        out_shape = jax.ShapeDtypeStruct((N, D), _f32)
    return pl.pallas_call(
        functools.partial(_dense_body, relu_scale=relu_scale),
        grid=(N // _RB,),
        in_specs=[
            pl.BlockSpec((_RB, DH), lambda i: (i, 0)),
            pl.BlockSpec((_RB, DH), lambda i: (i, 0)),
            pl.BlockSpec((_RB, DH), lambda i: (i, 0)),
            pl.BlockSpec((_RB, DH), lambda i: (i, 0)),
            pl.BlockSpec((_RB, 1), lambda i: (i, 0)),
            pl.BlockSpec((D, D), lambda i: (0, 0)),
        ],
        out_specs=out_specs,
        out_shape=out_shape,
    )


_dense_relu = _make_dense(True)
_dense_plain = _make_dense(False)


def kernel(x, edge_index, W1, W2):
    src = edge_index[0].reshape(NW, NCH, K)
    dst = edge_index[1].reshape(NW, NCH, K)

    d0, d1 = _deg_kernel(dst)
    xlo, xhi, dinv = _prep_call(x, d0.reshape(N, 1), d1.reshape(N, 1))

    p0lo, p1lo, p0hi, p1hi = _agg_kernel(xlo, xhi, src, dst)
    h1lo, h1hi = _dense_relu(p0lo, p1lo, p0hi, p1hi, dinv, W1)

    q0lo, q1lo, q0hi, q1hi = _agg_kernel(h1lo, h1hi, src, dst)
    h2 = _dense_plain(q0lo, q1lo, q0hi, q1hi, dinv, W2)
    return h2

# --- scband reference (transcript-rebuilt; emitter-appended) ---
"""Pipeline reference for scband-lr-gae-56925496541194 (READ-ONLY COPY).

The authoritative reference and input builder live on the scoring server;
editing this copy changes nothing except your own understanding.
"""

import jax, jax.numpy as jnp
import numpy as np

N_NODES = 10000
D_FEAT = 128
N_EDGES = 320000


def setup_inputs(seed: int = 0) -> dict:
    key = jax.random.key(seed)
    k1, k2, k3, k4 = jax.random.split(key, 4)
    x = jax.random.normal(k1, (N_NODES, D_FEAT), dtype=jnp.float32)
    edge_index = jax.random.randint(k2, (2, N_EDGES), 0, N_NODES, dtype=jnp.int32)
    # encoder params: 2-layer GCN (in=128 -> hidden=128 -> out=128)
    W1 = jax.random.normal(k3, (D_FEAT, D_FEAT), dtype=jnp.float32) * (1.0 / np.sqrt(D_FEAT))
    W2 = jax.random.normal(k4, (D_FEAT, D_FEAT), dtype=jnp.float32) * (1.0 / np.sqrt(D_FEAT))
    return {"x": x, "edge_index": edge_index, "W1": W1, "W2": W2}


def _gcn_layer(h, edge_index, W, n_nodes):
    src = edge_index[0]
    dst = edge_index[1]
    # symmetric degree normalization
    ones = jnp.ones((edge_index.shape[1],), dtype=h.dtype)
    deg = jnp.zeros((n_nodes,), dtype=h.dtype).at[dst].add(ones)
    deg = jnp.maximum(deg, 1.0)
    dinv = jax.lax.rsqrt(deg)
    norm = dinv[src] * dinv[dst]
    # gather messages from source nodes, scale, scatter-add into destination nodes
    msg = jnp.take(h, src, axis=0) * norm[:, None]
    agg = jnp.zeros((n_nodes, h.shape[1]), dtype=h.dtype).at[dst].add(msg)
    return agg @ W


def reference(x, edge_index, W1, W2):
    # lrGAE.forward(x, edge_index) == self.encoder(x, edge_index)
    # encoder = 2-layer GCN; forward returns the final node embeddings
    n_nodes = x.shape[0]
    h1 = jax.nn.relu(_gcn_layer(x, edge_index, W1, n_nodes))
    h2 = _gcn_layer(h1, edge_index, W2, n_nodes)
    return h2

if __name__ == "__main__":
    import jax
    _d = setup_inputs()
    print(jax.jit(kernel)(*tuple(_d.values())))

</pallas_src>

<mosaic_0001>
#map = affine_map<(d0, d1) -> (0, 0)>
#map1 = affine_map<(d0, d1) -> (0, 0, 0)>
module attributes {stable_mosaic.version = 14 : i64} {
  func.func @_agg_kernel(%arg0: i32, %arg1: i32, %arg2: memref<10000x64xf32, #tpu.memory_space<hbm>>, %arg3: memref<10000x64xf32, #tpu.memory_space<hbm>>, %arg4: memref<32x125x80xi32, #tpu.memory_space<hbm>>, %arg5: memref<32x125x80xi32, #tpu.memory_space<hbm>>, %arg6: memref<10000x64xf32, #tpu.memory_space<hbm>>, %arg7: memref<10000x64xf32, #tpu.memory_space<hbm>>, %arg8: memref<10000x64xf32, #tpu.memory_space<hbm>>, %arg9: memref<10000x64xf32, #tpu.memory_space<hbm>>, %arg10: memref<125x80xi32, #tpu.memory_space<vmem>>, %arg11: memref<125x80xi32, #tpu.memory_space<vmem>>, %arg12: memref<80x64xf32, #tpu.memory_space<vmem>>, %arg13: memref<80x64xf32, #tpu.memory_space<vmem>>, %arg14: memref<80x64xf32, #tpu.memory_space<vmem>>, %arg15: memref<10000x64xf32, #tpu.memory_space<vmem_shared>>, %arg16: memref<!tpu.dma_semaphore, #tpu.memory_space<semaphore_mem>>, %arg17: memref<!tpu.dma_semaphore, #tpu.memory_space<semaphore_mem>>) attributes {dimension_semantics = [#tpu.dimension_semantics<core_parallel>, #tpu.dimension_semantics<subcore_parallel>], iteration_bounds = array<i64: 2, 16>, scalar_prefetch = 0 : i64, scratch_operands = 8 : i64, tpu.core_type = #tpu.core_type<sc_vector_subcore>, window_params = [{transform_indices = #map}, {transform_indices = #map}, {transform_indices = #map1}, {transform_indices = #map1}, {transform_indices = #map}, {transform_indices = #map}, {transform_indices = #map}, {transform_indices = #map}]} {
    %mul3A = arith.constant 2 : i32
    %mul3A_0 = arith.muli %arg1, %mul3A : i32
    %add3A = arith.addi %mul3A_0, %arg0 : i32
    %mul3A_1 = arith.constant 624 : i32
    %mul3A_2 = arith.muli %arg1, %mul3A_1 : i32
    "tpu.region"() ({
      %run_scoped3A_144 = tpu.sem_alloc : memref<!tpu.dma_semaphore, #tpu.memory_space<semaphore_mem>>
      %dma_start3A_145 = arith.constant 0 : i32
      %dma_start3A_146 = arith.constant 0 : i32
      %dma_start3A_147 = tpu.memref_slice %arg4[%add3A, %dma_start3A_145, %dma_start3A_146] : memref<32x125x80xi32, #tpu.memory_space<hbm>> -> memref<1x125x80xi32, #tpu.memory_space<hbm>>
      %dma_start3A_148 = tpu.memref_squeeze %dma_start3A_147 : memref<1x125x80xi32, #tpu.memory_space<hbm>> -> memref<125x80xi32, #tpu.memory_space<hbm>>
      %dma_start3A_149 = arith.constant 0 : i32
      %dma_start3A_150 = arith.constant 0 : i32
      %dma_start3A_151 = tpu.memref_slice %arg4[%add3A, %dma_start3A_149, %dma_start3A_150] : memref<32x125x80xi32, #tpu.memory_space<hbm>> -> memref<1x125x80xi32, #tpu.memory_space<hbm>>
      %dma_start3A_152 = tpu.memref_squeeze %dma_start3A_151 : memref<1x125x80xi32, #tpu.memory_space<hbm>> -> memref<125x80xi32, #tpu.memory_space<hbm>>
      tpu.enqueue_dma source(%dma_start3A_152 : memref<125x80xi32, #tpu.memory_space<hbm>>) target(%arg10 : memref<125x80xi32, #tpu.memory_space<vmem>>) target_semaphore(%run_scoped3A_144 : memref<!tpu.dma_semaphore, #tpu.memory_space<semaphore_mem>>)
      %dma_wait3A_153 = arith.constant 0 : i32
      %dma_wait3A_154 = arith.constant 0 : i32
      %dma_wait3A_155 = tpu.memref_slice %arg4[%add3A, %dma_wait3A_153, %dma_wait3A_154] : memref<32x125x80xi32, #tpu.memory_space<hbm>> -> memref<1x125x80xi32, #tpu.memory_space<hbm>>
      %dma_wait3A_156 = tpu.memref_squeeze %dma_wait3A_155 : memref<1x125x80xi32, #tpu.memory_space<hbm>> -> memref<125x80xi32, #tpu.memory_space<hbm>>
      %dma_wait3A_157 = arith.constant 0 : i32
      %dma_wait3A_158 = arith.constant 0 : i32
      %dma_wait3A_159 = tpu.memref_slice %arg4[%add3A, %dma_wait3A_157, %dma_wait3A_158] : memref<32x125x80xi32, #tpu.memory_space<hbm>> -> memref<1x125x80xi32, #tpu.memory_space<hbm>>
      %dma_wait3A_160 = tpu.memref_squeeze %dma_wait3A_159 : memref<1x125x80xi32, #tpu.memory_space<hbm>> -> memref<125x80xi32, #tpu.memory_space<hbm>>
      tpu.wait_dma2 semaphore(%run_scoped3A_144 : memref<!tpu.dma_semaphore, #tpu.memory_space<semaphore_mem>>) src(%dma_wait3A_160 : memref<125x80xi32, #tpu.memory_space<hbm>>) dst(%arg10 : memref<125x80xi32, #tpu.memory_space<vmem>>)
      tpu.yield
    }) : () -> ()
    "tpu.region"() ({
      %run_scoped3A_144 = tpu.sem_alloc : memref<!tpu.dma_semaphore, #tpu.memory_space<semaphore_mem>>
      %dma_start3A_145 = arith.constant 0 : i32
      %dma_start3A_146 = arith.constant 0 : i32
      %dma_start3A_147 = tpu.memref_slice %arg5[%add3A, %dma_start3A_145, %dma_start3A_146] : memref<32x125x80xi32, #tpu.memory_space<hbm>> -> memref<1x125x80xi32, #tpu.memory_space<hbm>>
      %dma_start3A_148 = tpu.memref_squeeze %dma_start3A_147 : memref<1x125x80xi32, #tpu.memory_space<hbm>> -> memref<125x80xi32, #tpu.memory_space<hbm>>
      %dma_start3A_149 = arith.constant 0 : i32
      %dma_start3A_150 = arith.constant 0 : i32
      %dma_start3A_151 = tpu.memref_slice %arg5[%add3A, %dma_start3A_149, %dma_start3A_150] : memref<32x125x80xi32, #tpu.memory_space<hbm>> -> memref<1x125x80xi32, #tpu.memory_space<hbm>>
      %dma_start3A_152 = tpu.memref_squeeze %dma_start3A_151 : memref<1x125x80xi32, #tpu.memory_space<hbm>> -> memref<125x80xi32, #tpu.memory_space<hbm>>
      tpu.enqueue_dma source(%dma_start3A_152 : memref<125x80xi32, #tpu.memory_space<hbm>>) target(%arg11 : memref<125x80xi32, #tpu.memory_space<vmem>>) target_semaphore(%run_scoped3A_144 : memref<!tpu.dma_semaphore, #tpu.memory_space<semaphore_mem>>)
      %dma_wait3A_153 = arith.constant 0 : i32
      %dma_wait3A_154 = arith.constant 0 : i32
      %dma_wait3A_155 = tpu.memref_slice %arg5[%add3A, %dma_wait3A_153, %dma_wait3A_154] : memref<32x125x80xi32, #tpu.memory_space<hbm>> -> memref<1x125x80xi32, #tpu.memory_space<hbm>>
      %dma_wait3A_156 = tpu.memref_squeeze %dma_wait3A_155 : memref<1x125x80xi32, #tpu.memory_space<hbm>> -> memref<125x80xi32, #tpu.memory_space<hbm>>
      %dma_wait3A_157 = arith.constant 0 : i32
      %dma_wait3A_158 = arith.constant 0 : i32
      %dma_wait3A_159 = tpu.memref_slice %arg5[%add3A, %dma_wait3A_157, %dma_wait3A_158] : memref<32x125x80xi32, #tpu.memory_space<hbm>> -> memref<1x125x80xi32, #tpu.memory_space<hbm>>
      %dma_wait3A_160 = tpu.memref_squeeze %dma_wait3A_159 : memref<1x125x80xi32, #tpu.memory_space<hbm>> -> memref<125x80xi32, #tpu.memory_space<hbm>>
      tpu.wait_dma2 semaphore(%run_scoped3A_144 : memref<!tpu.dma_semaphore, #tpu.memory_space<semaphore_mem>>) src(%dma_wait3A_160 : memref<125x80xi32, #tpu.memory_space<hbm>>) dst(%arg11 : memref<125x80xi32, #tpu.memory_space<vmem>>)
      tpu.yield
    }) : () -> ()
    %broadcast_in_dim3A = arith.constant 0.000000e+00 : f32
    %broadcast_in_dim3A_3 = vector.broadcast %broadcast_in_dim3A : f32 to vector<16xf32>
    %scan3A = arith.constant 0 : i32
    %scan3A_4 = arith.constant 0 : i32
    %scan3A_5 = arith.constant 80 : i32
    %scan3A_6 = arith.addi %scan3A_4, %scan3A_5 : i32
    %scan3A_7 = arith.constant 1 : i32
    %scan3A_8 = scf.for %scan3A_144 = %scan3A_4 to %scan3A_6 step %scan3A_7 iter_args(%scan3A_145 = %scan3A) -> (i32)  : i32 {
      %swap3A = arith.index_cast %scan3A_144 : i32 to index
      %swap3A_146 = arith.constant 0 : index
      %swap3A_147 = tpu.vector_load %arg14[%swap3A, %swap3A_146] {strides = array<i32>} : memref<80x64xf32, #tpu.memory_space<vmem>>, vector<1x16xf32>,
      %swap3A_148 = vector.shape_cast %swap3A_147 : vector<1x16xf32> to vector<16xf32>
      %swap3A_149 = vector.shape_cast %broadcast_in_dim3A_3 : vector<16xf32> to vector<1x16xf32>
      tpu.vector_store %arg14[%swap3A, %swap3A_146], %swap3A_149 {strides = array<i32>} : memref<80x64xf32, #tpu.memory_space<vmem>>, vector<1x16xf32>,
      %swap3A_150 = arith.index_cast %scan3A_144 : i32 to index
      %swap3A_151 = arith.constant 16 : index
      %swap3A_152 = tpu.vector_load %arg14[%swap3A_150, %swap3A_151] {strides = array<i32>} : memref<80x64xf32, #tpu.memory_space<vmem>>, vector<1x16xf32>,
      %swap3A_153 = vector.shape_cast %swap3A_152 : vector<1x16xf32> to vector<16xf32>
      %swap3A_154 = vector.shape_cast %broadcast_in_dim3A_3 : vector<16xf32> to vector<1x16xf32>
      tpu.vector_store %arg14[%swap3A_150, %swap3A_151], %swap3A_154 {strides = array<i32>} : memref<80x64xf32, #tpu.memory_space<vmem>>, vector<1x16xf32>,
      %swap3A_155 = arith.index_cast %scan3A_144 : i32 to index
      %swap3A_156 = arith.constant 32 : index
      %swap3A_157 = tpu.vector_load %arg14[%swap3A_155, %swap3A_156] {strides = array<i32>} : memref<80x64xf32, #tpu.memory_space<vmem>>, vector<1x16xf32>,
      %swap3A_158 = vector.shape_cast %swap3A_157 : vector<1x16xf32> to vector<16xf32>
      %swap3A_159 = vector.shape_cast %broadcast_in_dim3A_3 : vector<16xf32> to vector<1x16xf32>
      tpu.vector_store %arg14[%swap3A_155, %swap3A_156], %swap3A_159 {strides = array<i32>} : memref<80x64xf32, #tpu.memory_space<vmem>>, vector<1x16xf32>,
      %swap3A_160 = arith.index_cast %scan3A_144 : i32 to index
      %swap3A_161 = arith.constant 48 : index
      %swap3A_162 = tpu.vector_load %arg14[%swap3A_160, %swap3A_161] {strides = array<i32>} : memref<80x64xf32, #tpu.memory_space<vmem>>, vector<1x16xf32>,
      %swap3A_163 = vector.shape_cast %swap3A_162 : vector<1x16xf32> to vector<16xf32>
      %swap3A_164 = vector.shape_cast %broadcast_in_dim3A_3 : vector<16xf32> to vector<1x16xf32>
      tpu.vector_store %arg14[%swap3A_160, %swap3A_161], %swap3A_164 {strides = array<i32>} : memref<80x64xf32, #tpu.memory_space<vmem>>, vector<1x16xf32>,
      %scan3A_165 = arith.constant 0 : i32
      scf.yield %scan3A_165 : i32
    }
    %scan3A_9 = arith.constant 80 : i32
    %add3A_10 = arith.constant 0 : i32
    %add3A_11 = arith.addi %mul3A_2, %add3A_10 : i32
    "tpu.region"() ({
      %run_scoped3A_144 = tpu.sem_alloc : memref<!tpu.dma_semaphore, #tpu.memory_space<semaphore_mem>>
      %dma_start3A_145 = arith.constant 0 : i32
      %dma_start3A_146 = tpu.memref_slice %arg15[%add3A_11, %dma_start3A_145] : memref<10000x64xf32, #tpu.memory_space<vmem_shared>> -> memref<80x64xf32, #tpu.memory_space<vmem_shared>>
      %dma_start3A_147 = arith.constant 0 : i32
      %dma_start3A_148 = tpu.memref_slice %arg15[%add3A_11, %dma_start3A_147] : memref<10000x64xf32, #tpu.memory_space<vmem_shared>> -> memref<80x64xf32, #tpu.memory_space<vmem_shared>>
      tpu.enqueue_dma source(%arg14 : memref<80x64xf32, #tpu.memory_space<vmem>>) target(%dma_start3A_148 : memref<80x64xf32, #tpu.memory_space<vmem_shared>>) target_semaphore(%run_scoped3A_144 : memref<!tpu.dma_semaphore, #tpu.memory_space<semaphore_mem>>)
      %dma_wait3A_149 = arith.constant 0 : i32
      %dma_wait3A_150 = tpu.memref_slice %arg15[%add3A_11, %dma_wait3A_149] : memref<10000x64xf32, #tpu.memory_space<vmem_shared>> -> memref<80x64xf32, #tpu.memory_space<vmem_shared>>
      %dma_wait3A_151 = arith.constant 0 : i32
      %dma_wait3A_152 = tpu.memref_slice %arg15[%add3A_11, %dma_wait3A_151] : memref<10000x64xf32, #tpu.memory_space<vmem_shared>> -> memref<80x64xf32, #tpu.memory_space<vmem_shared>>
      tpu.wait_dma2 semaphore(%run_scoped3A_144 : memref<!tpu.dma_semaphore, #tpu.memory_space<semaphore_mem>>) src(%arg14 : memref<80x64xf32, #tpu.memory_space<vmem>>) dst(%dma_wait3A_152 : memref<80x64xf32, #tpu.memory_space<vmem_shared>>)
      tpu.yield
    }) : () -> ()
    %add3A_12 = arith.constant 80 : i32
    %add3A_13 = arith.addi %mul3A_2, %add3A_12 : i32
    "tpu.region"() ({
      %run_scoped3A_144 = tpu.sem_alloc : memref<!tpu.dma_semaphore, #tpu.memory_space<semaphore_mem>>
      %dma_start3A_145 = arith.constant 0 : i32
      %dma_start3A_146 = tpu.memref_slice %arg15[%add3A_13, %dma_start3A_145] : memref<10000x64xf32, #tpu.memory_space<vmem_shared>> -> memref<80x64xf32, #tpu.memory_space<vmem_shared>>
      %dma_start3A_147 = arith.constant 0 : i32
      %dma_start3A_148 = tpu.memref_slice %arg15[%add3A_13, %dma_start3A_147] : memref<10000x64xf32, #tpu.memory_space<vmem_shared>> -> memref<80x64xf32, #tpu.memory_space<vmem_shared>>
      tpu.enqueue_dma source(%arg14 : memref<80x64xf32, #tpu.memory_space<vmem>>) target(%dma_start3A_148 : memref<80x64xf32, #tpu.memory_space<vmem_shared>>) target_semaphore(%run_scoped3A_144 : memref<!tpu.dma_semaphore, #tpu.memory_space<semaphore_mem>>)
      %dma_wait3A_149 = arith.constant 0 : i32
      %dma_wait3A_150 = tpu.memref_slice %arg15[%add3A_13, %dma_wait3A_149] : memref<10000x64xf32, #tpu.memory_space<vmem_shared>> -> memref<80x64xf32, #tpu.memory_space<vmem_shared>>
      %dma_wait3A_151 = arith.constant 0 : i32
      %dma_wait3A_152 = tpu.memref_slice %arg15[%add3A_13, %dma_wait3A_151] : memref<10000x64xf32, #tpu.memory_space<vmem_shared>> -> memref<80x64xf32, #tpu.memory_space<vmem_shared>>
      tpu.wait_dma2 semaphore(%run_scoped3A_144 : memref<!tpu.dma_semaphore, #tpu.memory_space<semaphore_mem>>) src(%arg14 : memref<80x64xf32, #tpu.memory_space<vmem>>) dst(%dma_wait3A_152 : memref<80x64xf32, #tpu.memory_space<vmem_shared>>)
      tpu.yield
    }) : () -> ()
    %add3A_14 = arith.constant 160 : i32
    %add3A_15 = arith.addi %mul3A_2, %add3A_14 : i32
    "tpu.region"() ({
      %run_scoped3A_144 = tpu.sem_alloc : memref<!tpu.dma_semaphore, #tpu.memory_space<semaphore_mem>>
      %dma_start3A_145 = arith.constant 0 : i32
      %dma_start3A_146 = tpu.memref_slice %arg15[%add3A_15, %dma_start3A_145] : memref<10000x64xf32, #tpu.memory_space<vmem_shared>> -> memref<80x64xf32, #tpu.memory_space<vmem_shared>>
      %dma_start3A_147 = arith.constant 0 : i32
      %dma_start3A_148 = tpu.memref_slice %arg15[%add3A_15, %dma_start3A_147] : memref<10000x64xf32, #tpu.memory_space<vmem_shared>> -> memref<80x64xf32, #tpu.memory_space<vmem_shared>>
      tpu.enqueue_dma source(%arg14 : memref<80x64xf32, #tpu.memory_space<vmem>>) target(%dma_start3A_148 : memref<80x64xf32, #tpu.memory_space<vmem_shared>>) target_semaphore(%run_scoped3A_144 : memref<!tpu.dma_semaphore, #tpu.memory_space<semaphore_mem>>)
      %dma_wait3A_149 = arith.constant 0 : i32
      %dma_wait3A_150 = tpu.memref_slice %arg15[%add3A_15, %dma_wait3A_149] : memref<10000x64xf32, #tpu.memory_space<vmem_shared>> -> memref<80x64xf32, #tpu.memory_space<vmem_shared>>
      %dma_wait3A_151 = arith.constant 0 : i32
      %dma_wait3A_152 = tpu.memref_slice %arg15[%add3A_15, %dma_wait3A_151] : memref<10000x64xf32, #tpu.memory_space<vmem_shared>> -> memref<80x64xf32, #tpu.memory_space<vmem_shared>>
      tpu.wait_dma2 semaphore(%run_scoped3A_144 : memref<!tpu.dma_semaphore, #tpu.memory_space<semaphore_mem>>) src(%arg14 : memref<80x64xf32, #tpu.memory_space<vmem>>) dst(%dma_wait3A_152 : memref<80x64xf32, #tpu.memory_space<vmem_shared>>)
      tpu.yield
    }) : () -> ()
    %add3A_16 = arith.constant 240 : i32
    %add3A_17 = arith.addi %mul3A_2, %add3A_16 : i32
    "tpu.region"() ({
      %run_scoped3A_144 = tpu.sem_alloc : memref<!tpu.dma_semaphore, #tpu.memory_space<semaphore_mem>>
      %dma_start3A_145 = arith.constant 0 : i32
      %dma_start3A_146 = tpu.memref_slice %arg15[%add3A_17, %dma_start3A_145] : memref<10000x64xf32, #tpu.memory_space<vmem_shared>> -> memref<80x64xf32, #tpu.memory_space<vmem_shared>>
      %dma_start3A_147 = arith.constant 0 : i32
      %dma_start3A_148 = tpu.memref_slice %arg15[%add3A_17, %dma_start3A_147] : memref<10000x64xf32, #tpu.memory_space<vmem_shared>> -> memref<80x64xf32, #tpu.memory_space<vmem_shared>>
      tpu.enqueue_dma source(%arg14 : memref<80x64xf32, #tpu.memory_space<vmem>>) target(%dma_start3A_148 : memref<80x64xf32, #tpu.memory_space<vmem_shared>>) target_semaphore(%run_scoped3A_144 : memref<!tpu.dma_semaphore, #tpu.memory_space<semaphore_mem>>)
      %dma_wait3A_149 = arith.constant 0 : i32
      %dma_wait3A_150 = tpu.memref_slice %arg15[%add3A_17, %dma_wait3A_149] : memref<10000x64xf32, #tpu.memory_space<vmem_shared>> -> memref<80x64xf32, #tpu.memory_space<vmem_shared>>
      %dma_wait3A_151 = arith.constant 0 : i32
      %dma_wait3A_152 = tpu.memref_slice %arg15[%add3A_17, %dma_wait3A_151] : memref<10000x64xf32, #tpu.memory_space<vmem_shared>> -> memref<80x64xf32, #tpu.memory_space<vmem_shared>>
      tpu.wait_dma2 semaphore(%run_scoped3A_144 : memref<!tpu.dma_semaphore, #tpu.memory_space<semaphore_mem>>) src(%arg14 : memref<80x64xf32, #tpu.memory_space<vmem>>) dst(%dma_wait3A_152 : memref<80x64xf32, #tpu.memory_space<vmem_shared>>)
      tpu.yield
    }) : () -> ()
    %add3A_18 = arith.constant 320 : i32
    %add3A_19 = arith.addi %mul3A_2, %add3A_18 : i32
    "tpu.region"() ({
      %run_scoped3A_144 = tpu.sem_alloc : memref<!tpu.dma_semaphore, #tpu.memory_space<semaphore_mem>>
      %dma_start3A_145 = arith.constant 0 : i32
      %dma_start3A_146 = tpu.memref_slice %arg15[%add3A_19, %dma_start3A_145] : memref<10000x64xf32, #tpu.memory_space<vmem_shared>> -> memref<80x64xf32, #tpu.memory_space<vmem_shared>>
      %dma_start3A_147 = arith.constant 0 : i32
      %dma_start3A_148 = tpu.memref_slice %arg15[%add3A_19, %dma_start3A_147] : memref<10000x64xf32, #tpu.memory_space<vmem_shared>> -> memref<80x64xf32, #tpu.memory_space<vmem_shared>>
      tpu.enqueue_dma source(%arg14 : memref<80x64xf32, #tpu.memory_space<vmem>>) target(%dma_start3A_148 : memref<80x64xf32, #tpu.memory_space<vmem_shared>>) target_semaphore(%run_scoped3A_144 : memref<!tpu.dma_semaphore, #tpu.memory_space<semaphore_mem>>)
      %dma_wait3A_149 = arith.constant 0 : i32
      %dma_wait3A_150 = tpu.memref_slice %arg15[%add3A_19, %dma_wait3A_149] : memref<10000x64xf32, #tpu.memory_space<vmem_shared>> -> memref<80x64xf32, #tpu.memory_space<vmem_shared>>
      %dma_wait3A_151 = arith.constant 0 : i32
      %dma_wait3A_152 = tpu.memref_slice %arg15[%add3A_19, %dma_wait3A_151] : memref<10000x64xf32, #tpu.memory_space<vmem_shared>> -> memref<80x64xf32, #tpu.memory_space<vmem_shared>>
      tpu.wait_dma2 semaphore(%run_scoped3A_144 : memref<!tpu.dma_semaphore, #tpu.memory_space<semaphore_mem>>) src(%arg14 : memref<80x64xf32, #tpu.memory_space<vmem>>) dst(%dma_wait3A_152 : memref<80x64xf32, #tpu.memory_space<vmem_shared>>)
      tpu.yield
    }) : () -> ()
    %add3A_20 = arith.constant 400 : i32
    %add3A_21 = arith.addi %mul3A_2, %add3A_20 : i32
    "tpu.region"() ({
      %run_scoped3A_144 = tpu.sem_alloc : memref<!tpu.dma_semaphore, #tpu.memory_space<semaphore_mem>>
      %dma_start3A_145 = arith.constant 0 : i32
      %dma_start3A_146 = tpu.memref_slice %arg15[%add3A_21, %dma_start3A_145] : memref<10000x64xf32, #tpu.memory_space<vmem_shared>> -> memref<80x64xf32, #tpu.memory_space<vmem_shared>>
      %dma_start3A_147 = arith.constant 0 : i32
      %dma_start3A_148 = tpu.memref_slice %arg15[%add3A_21, %dma_start3A_147] : memref<10000x64xf32, #tpu.memory_space<vmem_shared>> -> memref<80x64xf32, #tpu.memory_space<vmem_shared>>
      tpu.enqueue_dma source(%arg14 : memref<80x64xf32, #tpu.memory_space<vmem>>) target(%dma_start3A_148 : memref<80x64xf32, #tpu.memory_space<vmem_shared>>) target_semaphore(%run_scoped3A_144 : memref<!tpu.dma_semaphore, #tpu.memory_space<semaphore_mem>>)
      %dma_wait3A_149 = arith.constant 0 : i32
      %dma_wait3A_150 = tpu.memref_slice %arg15[%add3A_21, %dma_wait3A_149] : memref<10000x64xf32, #tpu.memory_space<vmem_shared>> -> memref<80x64xf32, #tpu.memory_space<vmem_shared>>
      %dma_wait3A_151 = arith.constant 0 : i32
      %dma_wait3A_152 = tpu.memref_slice %arg15[%add3A_21, %dma_wait3A_151] : memref<10000x64xf32, #tpu.memory_space<vmem_shared>> -> memref<80x64xf32, #tpu.memory_space<vmem_shared>>
      tpu.wait_dma2 semaphore(%run_scoped3A_144 : memref<!tpu.dma_semaphore, #tpu.memory_space<semaphore_mem>>) src(%arg14 : memref<80x64xf32, #tpu.memory_space<vmem>>) dst(%dma_wait3A_152 : memref<80x64xf32, #tpu.memory_space<vmem_shared>>)
      tpu.yield
    }) : () -> ()
    %add3A_22 = arith.constant 480 : i32
    %add3A_23 = arith.addi %mul3A_2, %add3A_22 : i32
    "tpu.region"() ({
      %run_scoped3A_144 = tpu.sem_alloc : memref<!tpu.dma_semaphore, #tpu.memory_space<semaphore_mem>>
      %dma_start3A_145 = arith.constant 0 : i32
      %dma_start3A_146 = tpu.memref_slice %arg15[%add3A_23, %dma_start3A_145] : memref<10000x64xf32, #tpu.memory_space<vmem_shared>> -> memref<80x64xf32, #tpu.memory_space<vmem_shared>>
      %dma_start3A_147 = arith.constant 0 : i32
      %dma_start3A_148 = tpu.memref_slice %arg15[%add3A_23, %dma_start3A_147] : memref<10000x64xf32, #tpu.memory_space<vmem_shared>> -> memref<80x64xf32, #tpu.memory_space<vmem_shared>>
      tpu.enqueue_dma source(%arg14 : memref<80x64xf32, #tpu.memory_space<vmem>>) target(%dma_start3A_148 : memref<80x64xf32, #tpu.memory_space<vmem_shared>>) target_semaphore(%run_scoped3A_144 : memref<!tpu.dma_semaphore, #tpu.memory_space<semaphore_mem>>)
      %dma_wait3A_149 = arith.constant 0 : i32
      %dma_wait3A_150 = tpu.memref_slice %arg15[%add3A_23, %dma_wait3A_149] : memref<10000x64xf32, #tpu.memory_space<vmem_shared>> -> memref<80x64xf32, #tpu.memory_space<vmem_shared>>
      %dma_wait3A_151 = arith.constant 0 : i32
      %dma_wait3A_152 = tpu.memref_slice %arg15[%add3A_23, %dma_wait3A_151] : memref<10000x64xf32, #tpu.memory_space<vmem_shared>> -> memref<80x64xf32, #tpu.memory_space<vmem_shared>>
      tpu.wait_dma2 semaphore(%run_scoped3A_144 : memref<!tpu.dma_semaphore, #tpu.memory_space<semaphore_mem>>) src(%arg14 : memref<80x64xf32, #tpu.memory_space<vmem>>) dst(%dma_wait3A_152 : memref<80x64xf32, #tpu.memory_space<vmem_shared>>)
      tpu.yield
    }) : () -> ()
    %add3A_24 = arith.constant 560 : i32
    %add3A_25 = arith.addi %mul3A_2, %add3A_24 : i32
    "tpu.region"() ({
      %run_scoped3A_144 = tpu.sem_alloc : memref<!tpu.dma_semaphore, #tpu.memory_space<semaphore_mem>>
      %dma_start3A_145 = arith.constant 0 : i32
      %dma_start3A_146 = arith.constant 0 : i32
      %dma_start3A_147 = tpu.memref_slice %arg14[%dma_start3A_145, %dma_start3A_146] : memref<80x64xf32, #tpu.memory_space<vmem>> -> memref<64x64xf32, #tpu.memory_space<vmem>>
      %dma_start3A_148 = arith.constant 0 : i32
      %dma_start3A_149 = tpu.memref_slice %arg15[%add3A_25, %dma_start3A_148] : memref<10000x64xf32, #tpu.memory_space<vmem_shared>> -> memref<64x64xf32, #tpu.memory_space<vmem_shared>>
      %dma_start3A_150 = arith.constant 0 : i32
      %dma_start3A_151 = tpu.memref_slice %arg15[%add3A_25, %dma_start3A_150] : memref<10000x64xf32, #tpu.memory_space<vmem_shared>> -> memref<64x64xf32, #tpu.memory_space<vmem_shared>>
      %dma_start3A_152 = arith.constant 0 : i32
      %dma_start3A_153 = arith.constant 0 : i32
      %dma_start3A_154 = tpu.memref_slice %arg14[%dma_start3A_152, %dma_start3A_153] : memref<80x64xf32, #tpu.memory_space<vmem>> -> memref<64x64xf32, #tpu.memory_space<vmem>>
      tpu.enqueue_dma source(%dma_start3A_154 : memref<64x64xf32, #tpu.memory_space<vmem>>) target(%dma_start3A_151 : memref<64x64xf32, #tpu.memory_space<vmem_shared>>) target_semaphore(%run_scoped3A_144 : memref<!tpu.dma_semaphore, #tpu.memory_space<semaphore_mem>>)
      %dma_wait3A_155 = arith.constant 0 : i32
      %dma_wait3A_156 = arith.constant 0 : i32
      %dma_wait3A_157 = tpu.memref_slice %arg14[%dma_wait3A_155, %dma_wait3A_156] : memref<80x64xf32, #tpu.memory_space<vmem>> -> memref<64x64xf32, #tpu.memory_space<vmem>>
      %dma_wait3A_158 = arith.constant 0 : i32
      %dma_wait3A_159 = tpu.memref_slice %arg15[%add3A_25, %dma_wait3A_158] : memref<10000x64xf32, #tpu.memory_space<vmem_shared>> -> memref<64x64xf32, #tpu.memory_space<vmem_shared>>
      %dma_wait3A_160 = arith.constant 0 : i32
      %dma_wait3A_161 = tpu.memref_slice %arg15[%add3A_25, %dma_wait3A_160] : memref<10000x64xf32, #tpu.memory_space<vmem_shared>> -> memref<64x64xf32, #tpu.memory_space<vmem_shared>>
      %dma_wait3A_162 = arith.constant 0 : i32
      %dma_wait3A_163 = arith.constant 0 : i32
      %dma_wait3A_164 = tpu.memref_slice %arg14[%dma_wait3A_162, %dma_wait3A_163] : memref<80x64xf32, #tpu.memory_space<vmem>> -> memref<64x64xf32, #tpu.memory_space<vmem>>
      tpu.wait_dma2 semaphore(%run_scoped3A_144 : memref<!tpu.dma_semaphore, #tpu.memory_space<semaphore_mem>>) src(%dma_wait3A_164 : memref<64x64xf32, #tpu.memory_space<vmem>>) dst(%dma_wait3A_161 : memref<64x64xf32, #tpu.memory_space<vmem_shared>>)
      tpu.yield
    }) : () -> ()
    %eq3A = arith.constant 0 : i32
    %eq3A_26 = arith.cmpi eq, %arg1, %eq3A : i32
    %convert_element_type3A = arith.extui %eq3A_26 : i1 to i32
    %cond3A = arith.constant 0 : i32
    %cond3A_27 = arith.cmpi ne, %convert_element_type3A, %cond3A : i32
    scf.if %cond3A_27 {
      "tpu.region"() ({
        %run_scoped3A_144 = tpu.sem_alloc : memref<!tpu.dma_semaphore, #tpu.memory_space<semaphore_mem>>
        %dma_start3A_145 = arith.constant 0 : i32
        %dma_start3A_146 = arith.constant 0 : i32
        %dma_start3A_147 = tpu.memref_slice %arg14[%dma_start3A_145, %dma_start3A_146] : memref<80x64xf32, #tpu.memory_space<vmem>> -> memref<16x64xf32, #tpu.memory_space<vmem>>
        %dma_start3A_148 = arith.constant 9984 : i32
        %dma_start3A_149 = arith.constant 0 : i32
        %dma_start3A_150 = tpu.memref_slice %arg15[%dma_start3A_148, %dma_start3A_149] : memref<10000x64xf32, #tpu.memory_space<vmem_shared>> -> memref<16x64xf32, #tpu.memory_space<vmem_shared>>
        %dma_start3A_151 = arith.constant 9984 : i32
        %dma_start3A_152 = arith.constant 0 : i32
        %dma_start3A_153 = tpu.memref_slice %arg15[%dma_start3A_151, %dma_start3A_152] : memref<10000x64xf32, #tpu.memory_space<vmem_shared>> -> memref<16x64xf32, #tpu.memory_space<vmem_shared>>
        %dma_start3A_154 = arith.constant 0 : i32
        %dma_start3A_155 = arith.constant 0 : i32
        %dma_start3A_156 = tpu.memref_slice %arg14[%dma_start3A_154, %dma_start3A_155] : memref<80x64xf32, #tpu.memory_space<vmem>> -> memref<16x64xf32, #tpu.memory_space<vmem>>
        tpu.enqueue_dma source(%dma_start3A_156 : memref<16x64xf32, #tpu.memory_space<vmem>>) target(%dma_start3A_153 : memref<16x64xf32, #tpu.memory_space<vmem_shared>>) target_semaphore(%run_scoped3A_144 : memref<!tpu.dma_semaphore, #tpu.memory_space<semaphore_mem>>)
        %dma_wait3A_157 = arith.constant 0 : i32
        %dma_wait3A_158 = arith.constant 0 : i32
        %dma_wait3A_159 = tpu.memref_slice %arg14[%dma_wait3A_157, %dma_wait3A_158] : memref<80x64xf32, #tpu.memory_space<vmem>> -> memref<16x64xf32, #tpu.memory_space<vmem>>
        %dma_wait3A_160 = arith.constant 9984 : i32
        %dma_wait3A_161 = arith.constant 0 : i32
        %dma_wait3A_162 = tpu.memref_slice %arg15[%dma_wait3A_160, %dma_wait3A_161] : memref<10000x64xf32, #tpu.memory_space<vmem_shared>> -> memref<16x64xf32, #tpu.memory_space<vmem_shared>>
        %dma_wait3A_163 = arith.constant 9984 : i32
        %dma_wait3A_164 = arith.constant 0 : i32
        %dma_wait3A_165 = tpu.memref_slice %arg15[%dma_wait3A_163, %dma_wait3A_164] : memref<10000x64xf32, #tpu.memory_space<vmem_shared>> -> memref<16x64xf32, #tpu.memory_space<vmem_shared>>
        %dma_wait3A_166 = arith.constant 0 : i32
        %dma_wait3A_167 = arith.constant 0 : i32
        %dma_wait3A_168 = tpu.memref_slice %arg14[%dma_wait3A_166, %dma_wait3A_167] : memref<80x64xf32, #tpu.memory_space<vmem>> -> memref<16x64xf32, #tpu.memory_space<vmem>>
        tpu.wait_dma2 semaphore(%run_scoped3A_144 : memref<!tpu.dma_semaphore, #tpu.memory_space<semaphore_mem>>) src(%dma_wait3A_168 : memref<16x64xf32, #tpu.memory_space<vmem>>) dst(%dma_wait3A_165 : memref<16x64xf32, #tpu.memory_space<vmem_shared>>)
        tpu.yield
      }) : () -> ()
    } else {
    }
    %barrier3A = arith.constant 0 : index
    tpu.barrier barrier_id(%barrier3A)
    %dma_start3A = arith.constant 0 : i32
    %dma_start3A_28 = arith.constant 0 : i32
    %dma_start3A_29 = tpu.memref_slice %arg10[%dma_start3A, %dma_start3A_28] : memref<125x80xi32, #tpu.memory_space<vmem>> -> memref<1x80xi32, #tpu.memory_space<vmem>>
    %dma_start3A_30 = tpu.memref_squeeze %dma_start3A_29 : memref<1x80xi32, #tpu.memory_space<vmem>> -> memref<80xi32, #tpu.memory_space<vmem>>
    %dma_start3A_31 = arith.constant 0 : i32
    %dma_start3A_32 = arith.constant 0 : i32
    %dma_start3A_33 = tpu.memref_slice %arg2[%dma_start3A_31, %dma_start3A_32] : memref<10000x64xf32, #tpu.memory_space<hbm>> -> memref<10000x64xf32, #tpu.memory_space<hbm>>
    tpu.enqueue_indirect_dma source(%dma_start3A_33 : memref<10000x64xf32, #tpu.memory_space<hbm>>) target(%arg12 : memref<80x64xf32, #tpu.memory_space<vmem>>) offsets(%dma_start3A_30 : memref<80xi32, #tpu.memory_space<vmem>>) semaphore(%arg16 : memref<!tpu.dma_semaphore, #tpu.memory_space<semaphore_mem>>)
    %scan3A_34 = arith.constant 0 : i32
    %scan3A_35 = arith.constant 0 : i32
    %scan3A_36 = arith.constant 62 : i32
    %scan3A_37 = arith.addi %scan3A_35, %scan3A_36 : i32
    %scan3A_38 = arith.constant 1 : i32
    %scan3A_39 = scf.for %scan3A_144 = %scan3A_35 to %scan3A_37 step %scan3A_38 iter_args(%scan3A_145 = %scan3A_34) -> (i32)  : i32 {
      %mul3A_146 = arith.constant 2 : i32
      %mul3A_147 = arith.muli %mul3A_146, %scan3A_144 : i32
      %add3A_148 = arith.constant 1 : i32
      %add3A_149 = arith.addi %mul3A_147, %add3A_148 : i32
      %dma_start3A_150 = arith.constant 0 : i32
      %dma_start3A_151 = tpu.memref_slice %arg10[%add3A_149, %dma_start3A_150] : memref<125x80xi32, #tpu.memory_space<vmem>> -> memref<1x80xi32, #tpu.memory_space<vmem>>
      %dma_start3A_152 = tpu.memref_squeeze %dma_start3A_151 : memref<1x80xi32, #tpu.memory_space<vmem>> -> memref<80xi32, #tpu.memory_space<vmem>>
      %dma_start3A_153 = arith.constant 0 : i32
      %dma_start3A_154 = arith.constant 0 : i32
      %dma_start3A_155 = tpu.memref_slice %arg2[%dma_start3A_153, %dma_start3A_154] : memref<10000x64xf32, #tpu.memory_space<hbm>> -> memref<10000x64xf32, #tpu.memory_space<hbm>>
      tpu.enqueue_indirect_dma source(%dma_start3A_155 : memref<10000x64xf32, #tpu.memory_space<hbm>>) target(%arg13 : memref<80x64xf32, #tpu.memory_space<vmem>>) offsets(%dma_start3A_152 : memref<80xi32, #tpu.memory_space<vmem>>) semaphore(%arg17 : memref<!tpu.dma_semaphore, #tpu.memory_space<semaphore_mem>>)
      %dma_wait3A_156 = arith.constant 0 : i32
      %dma_wait3A_157 = tpu.memref_slice %arg10[%mul3A_147, %dma_wait3A_156] : memref<125x80xi32, #tpu.memory_space<vmem>> -> memref<1x80xi32, #tpu.memory_space<vmem>>
      %dma_wait3A_158 = tpu.memref_squeeze %dma_wait3A_157 : memref<1x80xi32, #tpu.memory_space<vmem>> -> memref<80xi32, #tpu.memory_space<vmem>>
      %dma_wait3A_159 = arith.constant 0 : i32
      %dma_wait3A_160 = arith.constant 0 : i32
      %dma_wait3A_161 = tpu.memref_slice %arg2[%dma_wait3A_159, %dma_wait3A_160] : memref<10000x64xf32, #tpu.memory_space<hbm>> -> memref<10000x64xf32, #tpu.memory_space<hbm>>
      tpu.wait_indirect_dma semaphore(%arg16 : memref<!tpu.dma_semaphore, #tpu.memory_space<semaphore_mem>>) src(%dma_wait3A_161 : memref<10000x64xf32, #tpu.memory_space<hbm>>) dst(%arg12 : memref<80x64xf32, #tpu.memory_space<vmem>>)
      "tpu.region"() ({
        %run_scoped3A_181 = tpu.sem_alloc : memref<!tpu.dma_semaphore, #tpu.memory_space<semaphore_mem>>
        %dma_start3A_182 = arith.constant 0 : i32
        %dma_start3A_183 = tpu.memref_slice %arg11[%mul3A_147, %dma_start3A_182] : memref<125x80xi32, #tpu.memory_space<vmem>> -> memref<1x80xi32, #tpu.memory_space<vmem>>
        %dma_start3A_184 = tpu.memref_squeeze %dma_start3A_183 : memref<1x80xi32, #tpu.memory_space<vmem>> -> memref<80xi32, #tpu.memory_space<vmem>>
        %dma_start3A_185 = arith.constant 0 : i32
        %dma_start3A_186 = arith.constant 0 : i32
        %dma_start3A_187 = tpu.memref_slice %arg15[%dma_start3A_185, %dma_start3A_186] : memref<10000x64xf32, #tpu.memory_space<vmem_shared>> -> memref<10000x64xf32, #tpu.memory_space<vmem_shared>>
        tpu.enqueue_indirect_dma source(%arg12 : memref<80x64xf32, #tpu.memory_space<vmem>>) target(%dma_start3A_187 : memref<10000x64xf32, #tpu.memory_space<vmem_shared>>) offsets(%dma_start3A_184 : memref<80xi32, #tpu.memory_space<vmem>>) semaphore(%run_scoped3A_181 : memref<!tpu.dma_semaphore, #tpu.memory_space<semaphore_mem>>) {add = true}
        %dma_wait3A_188 = arith.constant 0 : i32
        %dma_wait3A_189 = tpu.memref_slice %arg11[%mul3A_147, %dma_wait3A_188] : memref<125x80xi32, #tpu.memory_space<vmem>> -> memref<1x80xi32, #tpu.memory_space<vmem>>
        %dma_wait3A_190 = tpu.memref_squeeze %dma_wait3A_189 : memref<1x80xi32, #tpu.memory_space<vmem>> -> memref<80xi32, #tpu.memory_space<vmem>>
        %dma_wait3A_191 = arith.constant 0 : i32
        %dma_wait3A_192 = arith.constant 0 : i32
        %dma_wait3A_193 = tpu.memref_slice %arg15[%dma_wait3A_191, %dma_wait3A_192] : memref<10000x64xf32, #tpu.memory_space<vmem_shared>> -> memref<10000x64xf32, #tpu.memory_space<vmem_shared>>
        tpu.wait_indirect_dma semaphore(%run_scoped3A_181 : memref<!tpu.dma_semaphore, #tpu.memory_space<semaphore_mem>>) src(%arg12 : memref<80x64xf32, #tpu.memory_space<vmem>>) dst(%dma_wait3A_193 : memref<10000x64xf32, #tpu.memory_space<vmem_shared>>)
        tpu.yield
      }) : () -> ()
      %add3A_162 = arith.constant 2 : i32
      %add3A_163 = arith.addi %mul3A_147, %add3A_162 : i32
      %dma_start3A_164 = arith.constant 0 : i32
      %dma_start3A_165 = tpu.memref_slice %arg10[%add3A_163, %dma_start3A_164] : memref<125x80xi32, #tpu.memory_space<vmem>> -> memref<1x80xi32, #tpu.memory_space<vmem>>
      %dma_start3A_166 = tpu.memref_squeeze %dma_start3A_165 : memref<1x80xi32, #tpu.memory_space<vmem>> -> memref<80xi32, #tpu.memory_space<vmem>>
      %dma_start3A_167 = arith.constant 0 : i32
      %dma_start3A_168 = arith.constant 0 : i32
      %dma_start3A_169 = tpu.memref_slice %arg2[%dma_start3A_167, %dma_start3A_168] : memref<10000x64xf32, #tpu.memory_space<hbm>> -> memref<10000x64xf32, #tpu.memory_space<hbm>>
      tpu.enqueue_indirect_dma source(%dma_start3A_169 : memref<10000x64xf32, #tpu.memory_space<hbm>>) target(%arg12 : memref<80x64xf32, #tpu.memory_space<vmem>>) offsets(%dma_start3A_166 : memref<80xi32, #tpu.memory_space<vmem>>) semaphore(%arg16 : memref<!tpu.dma_semaphore, #tpu.memory_space<semaphore_mem>>)
      %add3A_170 = arith.constant 1 : i32
      %add3A_171 = arith.addi %mul3A_147, %add3A_170 : i32
      %dma_wait3A_172 = arith.constant 0 : i32
      %dma_wait3A_173 = tpu.memref_slice %arg10[%add3A_171, %dma_wait3A_172] : memref<125x80xi32, #tpu.memory_space<vmem>> -> memref<1x80xi32, #tpu.memory_space<vmem>>
      %dma_wait3A_174 = tpu.memref_squeeze %dma_wait3A_173 : memref<1x80xi32, #tpu.memory_space<vmem>> -> memref<80xi32, #tpu.memory_space<vmem>>
      %dma_wait3A_175 = arith.constant 0 : i32
      %dma_wait3A_176 = arith.constant 0 : i32
      %dma_wait3A_177 = tpu.memref_slice %arg2[%dma_wait3A_175, %dma_wait3A_176] : memref<10000x64xf32, #tpu.memory_space<hbm>> -> memref<10000x64xf32, #tpu.memory_space<hbm>>
      tpu.wait_indirect_dma semaphore(%arg17 : memref<!tpu.dma_semaphore, #tpu.memory_space<semaphore_mem>>) src(%dma_wait3A_177 : memref<10000x64xf32, #tpu.memory_space<hbm>>) dst(%arg13 : memref<80x64xf32, #tpu.memory_space<vmem>>)
      %add3A_178 = arith.constant 1 : i32
      %add3A_179 = arith.addi %mul3A_147, %add3A_178 : i32
      "tpu.region"() ({
        %run_scoped3A_181 = tpu.sem_alloc : memref<!tpu.dma_semaphore, #tpu.memory_space<semaphore_mem>>
        %dma_start3A_182 = arith.constant 0 : i32
        %dma_start3A_183 = tpu.memref_slice %arg11[%add3A_179, %dma_start3A_182] : memref<125x80xi32, #tpu.memory_space<vmem>> -> memref<1x80xi32, #tpu.memory_space<vmem>>
        %dma_start3A_184 = tpu.memref_squeeze %dma_start3A_183 : memref<1x80xi32, #tpu.memory_space<vmem>> -> memref<80xi32, #tpu.memory_space<vmem>>
        %dma_start3A_185 = arith.constant 0 : i32
        %dma_start3A_186 = arith.constant 0 : i32
        %dma_start3A_187 = tpu.memref_slice %arg15[%dma_start3A_185, %dma_start3A_186] : memref<10000x64xf32, #tpu.memory_space<vmem_shared>> -> memref<10000x64xf32, #tpu.memory_space<vmem_shared>>
        tpu.enqueue_indirect_dma source(%arg13 : memref<80x64xf32, #tpu.memory_space<vmem>>) target(%dma_start3A_187 : memref<10000x64xf32, #tpu.memory_space<vmem_shared>>) offsets(%dma_start3A_184 : memref<80xi32, #tpu.memory_space<vmem>>) semaphore(%run_scoped3A_181 : memref<!tpu.dma_semaphore, #tpu.memory_space<semaphore_mem>>) {add = true}
        %dma_wait3A_188 = arith.constant 0 : i32
        %dma_wait3A_189 = tpu.memref_slice %arg11[%add3A_179, %dma_wait3A_188] : memref<125x80xi32, #tpu.memory_space<vmem>> -> memref<1x80xi32, #tpu.memory_space<vmem>>
        %dma_wait3A_190 = tpu.memref_squeeze %dma_wait3A_189 : memref<1x80xi32, #tpu.memory_space<vmem>> -> memref<80xi32, #tpu.memory_space<vmem>>
        %dma_wait3A_191 = arith.constant 0 : i32
        %dma_wait3A_192 = arith.constant 0 : i32
        %dma_wait3A_193 = tpu.memref_slice %arg15[%dma_wait3A_191, %dma_wait3A_192] : memref<10000x64xf32, #tpu.memory_space<vmem_shared>> -> memref<10000x64xf32, #tpu.memory_space<vmem_shared>>
        tpu.wait_indirect_dma semaphore(%run_scoped3A_181 : memref<!tpu.dma_semaphore, #tpu.memory_space<semaphore_mem>>) src(%arg13 : memref<80x64xf32, #tpu.memory_space<vmem>>) dst(%dma_wait3A_193 : memref<10000x64xf32, #tpu.memory_space<vmem_shared>>)
        tpu.yield
      }) : () -> ()
      %scan3A_180 = arith.constant 0 : i32
      scf.yield %scan3A_180 : i32
    }
    %scan3A_40 = arith.constant 62 : i32
    %dma_wait3A = arith.constant 124 : i32
    %dma_wait3A_41 = arith.constant 0 : i32
    %dma_wait3A_42 = tpu.memref_slice %arg10[%dma_wait3A, %dma_wait3A_41] : memref<125x80xi32, #tpu.memory_space<vmem>> -> memref<1x80xi32, #tpu.memory_space<vmem>>
    %dma_wait3A_43 = tpu.memref_squeeze %dma_wait3A_42 : memref<1x80xi32, #tpu.memory_space<vmem>> -> memref<80xi32, #tpu.memory_space<vmem>>
    %dma_wait3A_44 = arith.constant 0 : i32
    %dma_wait3A_45 = arith.constant 0 : i32
    %dma_wait3A_46 = tpu.memref_slice %arg2[%dma_wait3A_44, %dma_wait3A_45] : memref<10000x64xf32, #tpu.memory_space<hbm>> -> memref<10000x64xf32, #tpu.memory_space<hbm>>
    tpu.wait_indirect_dma semaphore(%arg16 : memref<!tpu.dma_semaphore, #tpu.memory_space<semaphore_mem>>) src(%dma_wait3A_46 : memref<10000x64xf32, #tpu.memory_space<hbm>>) dst(%arg12 : memref<80x64xf32, #tpu.memory_space<vmem>>)
    %run_scoped3A = arith.constant 124 : i32
    "tpu.region"() ({
      %run_scoped3A_144 = tpu.sem_alloc : memref<!tpu.dma_semaphore, #tpu.memory_space<semaphore_mem>>
      %dma_start3A_145 = arith.constant 0 : i32
      %dma_start3A_146 = tpu.memref_slice %arg11[%run_scoped3A, %dma_start3A_145] : memref<125x80xi32, #tpu.memory_space<vmem>> -> memref<1x80xi32, #tpu.memory_space<vmem>>
      %dma_start3A_147 = tpu.memref_squeeze %dma_start3A_146 : memref<1x80xi32, #tpu.memory_space<vmem>> -> memref<80xi32, #tpu.memory_space<vmem>>
      %dma_start3A_148 = arith.constant 0 : i32
      %dma_start3A_149 = arith.constant 0 : i32
      %dma_start3A_150 = tpu.memref_slice %arg15[%dma_start3A_148, %dma_start3A_149] : memref<10000x64xf32, #tpu.memory_space<vmem_shared>> -> memref<10000x64xf32, #tpu.memory_space<vmem_shared>>
      tpu.enqueue_indirect_dma source(%arg12 : memref<80x64xf32, #tpu.memory_space<vmem>>) target(%dma_start3A_150 : memref<10000x64xf32, #tpu.memory_space<vmem_shared>>) offsets(%dma_start3A_147 : memref<80xi32, #tpu.memory_space<vmem>>) semaphore(%run_scoped3A_144 : memref<!tpu.dma_semaphore, #tpu.memory_space<semaphore_mem>>) {add = true}
      %dma_wait3A_151 = arith.constant 0 : i32
      %dma_wait3A_152 = tpu.memref_slice %arg11[%run_scoped3A, %dma_wait3A_151] : memref<125x80xi32, #tpu.memory_space<vmem>> -> memref<1x80xi32, #tpu.memory_space<vmem>>
      %dma_wait3A_153 = tpu.memref_squeeze %dma_wait3A_152 : memref<1x80xi32, #tpu.memory_space<vmem>> -> memref<80xi32, #tpu.memory_space<vmem>>
      %dma_wait3A_154 = arith.constant 0 : i32
      %dma_wait3A_155 = arith.constant 0 : i32
      %dma_wait3A_156 = tpu.memref_slice %arg15[%dma_wait3A_154, %dma_wait3A_155] : memref<10000x64xf32, #tpu.memory_space<vmem_shared>> -> memref<10000x64xf32, #tpu.memory_space<vmem_shared>>
      tpu.wait_indirect_dma semaphore(%run_scoped3A_144 : memref<!tpu.dma_semaphore, #tpu.memory_space<semaphore_mem>>) src(%arg12 : memref<80x64xf32, #tpu.memory_space<vmem>>) dst(%dma_wait3A_156 : memref<10000x64xf32, #tpu.memory_space<vmem_shared>>)
      tpu.yield
    }) : () -> ()
    %barrier3A_47 = arith.constant 0 : index
    tpu.barrier barrier_id(%barrier3A_47)
    %eq3A_48 = arith.constant 0 : i32
    %eq3A_49 = arith.cmpi eq, %arg0, %eq3A_48 : i32
    %convert_element_type3A_50 = arith.extui %eq3A_49 : i1 to i32
    %cond3A_51 = arith.constant 0 : i32
    %cond3A_52 = arith.cmpi ne, %convert_element_type3A_50, %cond3A_51 : i32
    scf.if %cond3A_52 {
      "tpu.region"() ({
        %run_scoped3A_144 = tpu.sem_alloc : memref<!tpu.dma_semaphore, #tpu.memory_space<semaphore_mem>>
        %dma_start3A_145 = arith.constant 0 : i32
        %dma_start3A_146 = tpu.memref_slice %arg6[%mul3A_2, %dma_start3A_145] : memref<10000x64xf32, #tpu.memory_space<hbm>> -> memref<624x64xf32, #tpu.memory_space<hbm>>
        %dma_start3A_147 = arith.constant 0 : i32
        %dma_start3A_148 = tpu.memref_slice %arg15[%mul3A_2, %dma_start3A_147] : memref<10000x64xf32, #tpu.memory_space<vmem_shared>> -> memref<624x64xf32, #tpu.memory_space<vmem_shared>>
        tpu.enqueue_dma source(%dma_start3A_148 : memref<624x64xf32, #tpu.memory_space<vmem_shared>>) target(%dma_start3A_146 : memref<624x64xf32, #tpu.memory_space<hbm>>) target_semaphore(%run_scoped3A_144 : memref<!tpu.dma_semaphore, #tpu.memory_space<semaphore_mem>>)
        %dma_wait3A_149 = arith.constant 0 : i32
        %dma_wait3A_150 = tpu.memref_slice %arg6[%mul3A_2, %dma_wait3A_149] : memref<10000x64xf32, #tpu.memory_space<hbm>> -> memref<624x64xf32, #tpu.memory_space<hbm>>
        %dma_wait3A_151 = arith.constant 0 : i32
        %dma_wait3A_152 = tpu.memref_slice %arg15[%mul3A_2, %dma_wait3A_151] : memref<10000x64xf32, #tpu.memory_space<vmem_shared>> -> memref<624x64xf32, #tpu.memory_space<vmem_shared>>
        tpu.wait_dma2 semaphore(%run_scoped3A_144 : memref<!tpu.dma_semaphore, #tpu.memory_space<semaphore_mem>>) src(%dma_wait3A_152 : memref<624x64xf32, #tpu.memory_space<vmem_shared>>) dst(%dma_wait3A_150 : memref<624x64xf32, #tpu.memory_space<hbm>>)
        tpu.yield
      }) : () -> ()
    } else {
    }
    %eq3A_53 = arith.constant 1 : i32
    %eq3A_54 = arith.cmpi eq, %arg0, %eq3A_53 : i32
    %convert_element_type3A_55 = arith.extui %eq3A_54 : i1 to i32
    %cond3A_56 = arith.constant 0 : i32
    %cond3A_57 = arith.cmpi ne, %convert_element_type3A_55, %cond3A_56 : i32
    scf.if %cond3A_57 {
      "tpu.region"() ({
        %run_scoped3A_144 = tpu.sem_alloc : memref<!tpu.dma_semaphore, #tpu.memory_space<semaphore_mem>>
        %dma_start3A_145 = arith.constant 0 : i32
        %dma_start3A_146 = tpu.memref_slice %arg7[%mul3A_2, %dma_start3A_145] : memref<10000x64xf32, #tpu.memory_space<hbm>> -> memref<624x64xf32, #tpu.memory_space<hbm>>
        %dma_start3A_147 = arith.constant 0 : i32
        %dma_start3A_148 = tpu.memref_slice %arg15[%mul3A_2, %dma_start3A_147] : memref<10000x64xf32, #tpu.memory_space<vmem_shared>> -> memref<624x64xf32, #tpu.memory_space<vmem_shared>>
        tpu.enqueue_dma source(%dma_start3A_148 : memref<624x64xf32, #tpu.memory_space<vmem_shared>>) target(%dma_start3A_146 : memref<624x64xf32, #tpu.memory_space<hbm>>) target_semaphore(%run_scoped3A_144 : memref<!tpu.dma_semaphore, #tpu.memory_space<semaphore_mem>>)
        %dma_wait3A_149 = arith.constant 0 : i32
        %dma_wait3A_150 = tpu.memref_slice %arg7[%mul3A_2, %dma_wait3A_149] : memref<10000x64xf32, #tpu.memory_space<hbm>> -> memref<624x64xf32, #tpu.memory_space<hbm>>
        %dma_wait3A_151 = arith.constant 0 : i32
        %dma_wait3A_152 = tpu.memref_slice %arg15[%mul3A_2, %dma_wait3A_151] : memref<10000x64xf32, #tpu.memory_space<vmem_shared>> -> memref<624x64xf32, #tpu.memory_space<vmem_shared>>
        tpu.wait_dma2 semaphore(%run_scoped3A_144 : memref<!tpu.dma_semaphore, #tpu.memory_space<semaphore_mem>>) src(%dma_wait3A_152 : memref<624x64xf32, #tpu.memory_space<vmem_shared>>) dst(%dma_wait3A_150 : memref<624x64xf32, #tpu.memory_space<hbm>>)
        tpu.yield
      }) : () -> ()
    } else {
    }
    %eq3A_58 = arith.constant 0 : i32
    %eq3A_59 = arith.cmpi eq, %arg1, %eq3A_58 : i32
    %eq3A_60 = arith.constant 0 : i32
    %eq3A_61 = arith.cmpi eq, %arg0, %eq3A_60 : i32
    %and3A = arith.andi %eq3A_59, %eq3A_61 : i1
    %convert_element_type3A_62 = arith.extui %and3A : i1 to i32
    %cond3A_63 = arith.constant 0 : i32
    %cond3A_64 = arith.cmpi ne, %convert_element_type3A_62, %cond3A_63 : i32
    scf.if %cond3A_64 {
      "tpu.region"() ({
        %run_scoped3A_144 = tpu.sem_alloc : memref<!tpu.dma_semaphore, #tpu.memory_space<semaphore_mem>>
        %dma_start3A_145 = arith.constant 9984 : i32
        %dma_start3A_146 = arith.constant 0 : i32
        %dma_start3A_147 = tpu.memref_slice %arg6[%dma_start3A_145, %dma_start3A_146] : memref<10000x64xf32, #tpu.memory_space<hbm>> -> memref<16x64xf32, #tpu.memory_space<hbm>>
        %dma_start3A_148 = arith.constant 9984 : i32
        %dma_start3A_149 = arith.constant 0 : i32
        %dma_start3A_150 = tpu.memref_slice %arg15[%dma_start3A_148, %dma_start3A_149] : memref<10000x64xf32, #tpu.memory_space<vmem_shared>> -> memref<16x64xf32, #tpu.memory_space<vmem_shared>>
        tpu.enqueue_dma source(%dma_start3A_150 : memref<16x64xf32, #tpu.memory_space<vmem_shared>>) target(%dma_start3A_147 : memref<16x64xf32, #tpu.memory_space<hbm>>) target_semaphore(%run_scoped3A_144 : memref<!tpu.dma_semaphore, #tpu.memory_space<semaphore_mem>>)
        %dma_wait3A_151 = arith.constant 9984 : i32
        %dma_wait3A_152 = arith.constant 0 : i32
        %dma_wait3A_153 = tpu.memref_slice %arg6[%dma_wait3A_151, %dma_wait3A_152] : memref<10000x64xf32, #tpu.memory_space<hbm>> -> memref<16x64xf32, #tpu.memory_space<hbm>>
        %dma_wait3A_154 = arith.constant 9984 : i32
        %dma_wait3A_155 = arith.constant 0 : i32
        %dma_wait3A_156 = tpu.memref_slice %arg15[%dma_wait3A_154, %dma_wait3A_155] : memref<10000x64xf32, #tpu.memory_space<vmem_shared>> -> memref<16x64xf32, #tpu.memory_space<vmem_shared>>
        tpu.wait_dma2 semaphore(%run_scoped3A_144 : memref<!tpu.dma_semaphore, #tpu.memory_space<semaphore_mem>>) src(%dma_wait3A_156 : memref<16x64xf32, #tpu.memory_space<vmem_shared>>) dst(%dma_wait3A_153 : memref<16x64xf32, #tpu.memory_space<hbm>>)
        tpu.yield
      }) : () -> ()
    } else {
    }
    %eq3A_65 = arith.constant 0 : i32
    %eq3A_66 = arith.cmpi eq, %arg1, %eq3A_65 : i32
    %eq3A_67 = arith.constant 1 : i32
    %eq3A_68 = arith.cmpi eq, %arg0, %eq3A_67 : i32
    %and3A_69 = arith.andi %eq3A_66, %eq3A_68 : i1
    %convert_element_type3A_70 = arith.extui %and3A_69 : i1 to i32
    %cond3A_71 = arith.constant 0 : i32
    %cond3A_72 = arith.cmpi ne, %convert_element_type3A_70, %cond3A_71 : i32
    scf.if %cond3A_72 {
      "tpu.region"() ({
        %run_scoped3A_144 = tpu.sem_alloc : memref<!tpu.dma_semaphore, #tpu.memory_space<semaphore_mem>>
        %dma_start3A_145 = arith.constant 9984 : i32
        %dma_start3A_146 = arith.constant 0 : i32
        %dma_start3A_147 = tpu.memref_slice %arg7[%dma_start3A_145, %dma_start3A_146] : memref<10000x64xf32, #tpu.memory_space<hbm>> -> memref<16x64xf32, #tpu.memory_space<hbm>>
        %dma_start3A_148 = arith.constant 9984 : i32
        %dma_start3A_149 = arith.constant 0 : i32
        %dma_start3A_150 = tpu.memref_slice %arg15[%dma_start3A_148, %dma_start3A_149] : memref<10000x64xf32, #tpu.memory_space<vmem_shared>> -> memref<16x64xf32, #tpu.memory_space<vmem_shared>>
        tpu.enqueue_dma source(%dma_start3A_150 : memref<16x64xf32, #tpu.memory_space<vmem_shared>>) target(%dma_start3A_147 : memref<16x64xf32, #tpu.memory_space<hbm>>) target_semaphore(%run_scoped3A_144 : memref<!tpu.dma_semaphore, #tpu.memory_space<semaphore_mem>>)
        %dma_wait3A_151 = arith.constant 9984 : i32
        %dma_wait3A_152 = arith.constant 0 : i32
        %dma_wait3A_153 = tpu.memref_slice %arg7[%dma_wait3A_151, %dma_wait3A_152] : memref<10000x64xf32, #tpu.memory_space<hbm>> -> memref<16x64xf32, #tpu.memory_space<hbm>>
        %dma_wait3A_154 = arith.constant 9984 : i32
        %dma_wait3A_155 = arith.constant 0 : i32
        %dma_wait3A_156 = tpu.memref_slice %arg15[%dma_wait3A_154, %dma_wait3A_155] : memref<10000x64xf32, #tpu.memory_space<vmem_shared>> -> memref<16x64xf32, #tpu.memory_space<vmem_shared>>
        tpu.wait_dma2 semaphore(%run_scoped3A_144 : memref<!tpu.dma_semaphore, #tpu.memory_space<semaphore_mem>>) src(%dma_wait3A_156 : memref<16x64xf32, #tpu.memory_space<vmem_shared>>) dst(%dma_wait3A_153 : memref<16x64xf32, #tpu.memory_space<hbm>>)
        tpu.yield
      }) : () -> ()
    } else {
    }
    %add3A_73 = arith.constant 0 : i32
    %add3A_74 = arith.addi %mul3A_2, %add3A_73 : i32
    "tpu.region"() ({
      %run_scoped3A_144 = tpu.sem_alloc : memref<!tpu.dma_semaphore, #tpu.memory_space<semaphore_mem>>
      %dma_start3A_145 = arith.constant 0 : i32
      %dma_start3A_146 = tpu.memref_slice %arg15[%add3A_74, %dma_start3A_145] : memref<10000x64xf32, #tpu.memory_space<vmem_shared>> -> memref<80x64xf32, #tpu.memory_space<vmem_shared>>
      %dma_start3A_147 = arith.constant 0 : i32
      %dma_start3A_148 = tpu.memref_slice %arg15[%add3A_74, %dma_start3A_147] : memref<10000x64xf32, #tpu.memory_space<vmem_shared>> -> memref<80x64xf32, #tpu.memory_space<vmem_shared>>
      tpu.enqueue_dma source(%arg14 : memref<80x64xf32, #tpu.memory_space<vmem>>) target(%dma_start3A_148 : memref<80x64xf32, #tpu.memory_space<vmem_shared>>) target_semaphore(%run_scoped3A_144 : memref<!tpu.dma_semaphore, #tpu.memory_space<semaphore_mem>>)
      %dma_wait3A_149 = arith.constant 0 : i32
      %dma_wait3A_150 = tpu.memref_slice %arg15[%add3A_74, %dma_wait3A_149] : memref<10000x64xf32, #tpu.memory_space<vmem_shared>> -> memref<80x64xf32, #tpu.memory_space<vmem_shared>>
      %dma_wait3A_151 = arith.constant 0 : i32
      %dma_wait3A_152 = tpu.memref_slice %arg15[%add3A_74, %dma_wait3A_151] : memref<10000x64xf32, #tpu.memory_space<vmem_shared>> -> memref<80x64xf32, #tpu.memory_space<vmem_shared>>
      tpu.wait_dma2 semaphore(%run_scoped3A_144 : memref<!tpu.dma_semaphore, #tpu.memory_space<semaphore_mem>>) src(%arg14 : memref<80x64xf32, #tpu.memory_space<vmem>>) dst(%dma_wait3A_152 : memref<80x64xf32, #tpu.memory_space<vmem_shared>>)
      tpu.yield
    }) : () -> ()
    %add3A_75 = arith.constant 80 : i32
    %add3A_76 = arith.addi %mul3A_2, %add3A_75 : i32
    "tpu.region"() ({
      %run_scoped3A_144 = tpu.sem_alloc : memref<!tpu.dma_semaphore, #tpu.memory_space<semaphore_mem>>
      %dma_start3A_145 = arith.constant 0 : i32
      %dma_start3A_146 = tpu.memref_slice %arg15[%add3A_76, %dma_start3A_145] : memref<10000x64xf32, #tpu.memory_space<vmem_shared>> -> memref<80x64xf32, #tpu.memory_space<vmem_shared>>
      %dma_start3A_147 = arith.constant 0 : i32
      %dma_start3A_148 = tpu.memref_slice %arg15[%add3A_76, %dma_start3A_147] : memref<10000x64xf32, #tpu.memory_space<vmem_shared>> -> memref<80x64xf32, #tpu.memory_space<vmem_shared>>
      tpu.enqueue_dma source(%arg14 : memref<80x64xf32, #tpu.memory_space<vmem>>) target(%dma_start3A_148 : memref<80x64xf32, #tpu.memory_space<vmem_shared>>) target_semaphore(%run_scoped3A_144 : memref<!tpu.dma_semaphore, #tpu.memory_space<semaphore_mem>>)
      %dma_wait3A_149 = arith.constant 0 : i32
      %dma_wait3A_150 = tpu.memref_slice %arg15[%add3A_76, %dma_wait3A_149] : memref<10000x64xf32, #tpu.memory_space<vmem_shared>> -> memref<80x64xf32, #tpu.memory_space<vmem_shared>>
      %dma_wait3A_151 = arith.constant 0 : i32
      %dma_wait3A_152 = tpu.memref_slice %arg15[%add3A_76, %dma_wait3A_151] : memref<10000x64xf32, #tpu.memory_space<vmem_shared>> -> memref<80x64xf32, #tpu.memory_space<vmem_shared>>
      tpu.wait_dma2 semaphore(%run_scoped3A_144 : memref<!tpu.dma_semaphore, #tpu.memory_space<semaphore_mem>>) src(%arg14 : memref<80x64xf32, #tpu.memory_space<vmem>>) dst(%dma_wait3A_152 : memref<80x64xf32, #tpu.memory_space<vmem_shared>>)
      tpu.yield
    }) : () -> ()
    %add3A_77 = arith.constant 160 : i32
    %add3A_78 = arith.addi %mul3A_2, %add3A_77 : i32
    "tpu.region"() ({
      %run_scoped3A_144 = tpu.sem_alloc : memref<!tpu.dma_semaphore, #tpu.memory_space<semaphore_mem>>
      %dma_start3A_145 = arith.constant 0 : i32
      %dma_start3A_146 = tpu.memref_slice %arg15[%add3A_78, %dma_start3A_145] : memref<10000x64xf32, #tpu.memory_space<vmem_shared>> -> memref<80x64xf32, #tpu.memory_space<vmem_shared>>
      %dma_start3A_147 = arith.constant 0 : i32
      %dma_start3A_148 = tpu.memref_slice %arg15[%add3A_78, %dma_start3A_147] : memref<10000x64xf32, #tpu.memory_space<vmem_shared>> -> memref<80x64xf32, #tpu.memory_space<vmem_shared>>
      tpu.enqueue_dma source(%arg14 : memref<80x64xf32, #tpu.memory_space<vmem>>) target(%dma_start3A_148 : memref<80x64xf32, #tpu.memory_space<vmem_shared>>) target_semaphore(%run_scoped3A_144 : memref<!tpu.dma_semaphore, #tpu.memory_space<semaphore_mem>>)
      %dma_wait3A_149 = arith.constant 0 : i32
      %dma_wait3A_150 = tpu.memref_slice %arg15[%add3A_78, %dma_wait3A_149] : memref<10000x64xf32, #tpu.memory_space<vmem_shared>> -> memref<80x64xf32, #tpu.memory_space<vmem_shared>>
      %dma_wait3A_151 = arith.constant 0 : i32
      %dma_wait3A_152 = tpu.memref_slice %arg15[%add3A_78, %dma_wait3A_151] : memref<10000x64xf32, #tpu.memory_space<vmem_shared>> -> memref<80x64xf32, #tpu.memory_space<vmem_shared>>
      tpu.wait_dma2 semaphore(%run_scoped3A_144 : memref<!tpu.dma_semaphore, #tpu.memory_space<semaphore_mem>>) src(%arg14 : memref<80x64xf32, #tpu.memory_space<vmem>>) dst(%dma_wait3A_152 : memref<80x64xf32, #tpu.memory_space<vmem_shared>>)
      tpu.yield
    }) : () -> ()
    %add3A_79 = arith.constant 240 : i32
    %add3A_80 = arith.addi %mul3A_2, %add3A_79 : i32
    "tpu.region"() ({
      %run_scoped3A_144 = tpu.sem_alloc : memref<!tpu.dma_semaphore, #tpu.memory_space<semaphore_mem>>
      %dma_start3A_145 = arith.constant 0 : i32
      %dma_start3A_146 = tpu.memref_slice %arg15[%add3A_80, %dma_start3A_145] : memref<10000x64xf32, #tpu.memory_space<vmem_shared>> -> memref<80x64xf32, #tpu.memory_space<vmem_shared>>
      %dma_start3A_147 = arith.constant 0 : i32
      %dma_start3A_148 = tpu.memref_slice %arg15[%add3A_80, %dma_start3A_147] : memref<10000x64xf32, #tpu.memory_space<vmem_shared>> -> memref<80x64xf32, #tpu.memory_space<vmem_shared>>
      tpu.enqueue_dma source(%arg14 : memref<80x64xf32, #tpu.memory_space<vmem>>) target(%dma_start3A_148 : memref<80x64xf32, #tpu.memory_space<vmem_shared>>) target_semaphore(%run_scoped3A_144 : memref<!tpu.dma_semaphore, #tpu.memory_space<semaphore_mem>>)
      %dma_wait3A_149 = arith.constant 0 : i32
      %dma_wait3A_150 = tpu.memref_slice %arg15[%add3A_80, %dma_wait3A_149] : memref<10000x64xf32, #tpu.memory_space<vmem_shared>> -> memref<80x64xf32, #tpu.memory_space<vmem_shared>>
      %dma_wait3A_151 = arith.constant 0 : i32
      %dma_wait3A_152 = tpu.memref_slice %arg15[%add3A_80, %dma_wait3A_151] : memref<10000x64xf32, #tpu.memory_space<vmem_shared>> -> memref<80x64xf32, #tpu.memory_space<vmem_shared>>
      tpu.wait_dma2 semaphore(%run_scoped3A_144 : memref<!tpu.dma_semaphore, #tpu.memory_space<semaphore_mem>>) src(%arg14 : memref<80x64xf32, #tpu.memory_space<vmem>>) dst(%dma_wait3A_152 : memref<80x64xf32, #tpu.memory_space<vmem_shared>>)
      tpu.yield
    }) : () -> ()
    %add3A_81 = arith.constant 320 : i32
    %add3A_82 = arith.addi %mul3A_2, %add3A_81 : i32
    "tpu.region"() ({
      %run_scoped3A_144 = tpu.sem_alloc : memref<!tpu.dma_semaphore, #tpu.memory_space<semaphore_mem>>
      %dma_start3A_145 = arith.constant 0 : i32
      %dma_start3A_146 = tpu.memref_slice %arg15[%add3A_82, %dma_start3A_145] : memref<10000x64xf32, #tpu.memory_space<vmem_shared>> -> memref<80x64xf32, #tpu.memory_space<vmem_shared>>
      %dma_start3A_147 = arith.constant 0 : i32
      %dma_start3A_148 = tpu.memref_slice %arg15[%add3A_82, %dma_start3A_147] : memref<10000x64xf32, #tpu.memory_space<vmem_shared>> -> memref<80x64xf32, #tpu.memory_space<vmem_shared>>
      tpu.enqueue_dma source(%arg14 : memref<80x64xf32, #tpu.memory_space<vmem>>) target(%dma_start3A_148 : memref<80x64xf32, #tpu.memory_space<vmem_shared>>) target_semaphore(%run_scoped3A_144 : memref<!tpu.dma_semaphore, #tpu.memory_space<semaphore_mem>>)
      %dma_wait3A_149 = arith.constant 0 : i32
      %dma_wait3A_150 = tpu.memref_slice %arg15[%add3A_82, %dma_wait3A_149] : memref<10000x64xf32, #tpu.memory_space<vmem_shared>> -> memref<80x64xf32, #tpu.memory_space<vmem_shared>>
      %dma_wait3A_151 = arith.constant 0 : i32
      %dma_wait3A_152 = tpu.memref_slice %arg15[%add3A_82, %dma_wait3A_151] : memref<10000x64xf32, #tpu.memory_space<vmem_shared>> -> memref<80x64xf32, #tpu.memory_space<vmem_shared>>
      tpu.wait_dma2 semaphore(%run_scoped3A_144 : memref<!tpu.dma_semaphore, #tpu.memory_space<semaphore_mem>>) src(%arg14 : memref<80x64xf32, #tpu.memory_space<vmem>>) dst(%dma_wait3A_152 : memref<80x64xf32, #tpu.memory_space<vmem_shared>>)
      tpu.yield
    }) : () -> ()
    %add3A_83 = arith.constant 400 : i32
    %add3A_84 = arith.addi %mul3A_2, %add3A_83 : i32
    "tpu.region"() ({
      %run_scoped3A_144 = tpu.sem_alloc : memref<!tpu.dma_semaphore, #tpu.memory_space<semaphore_mem>>
      %dma_start3A_145 = arith.constant 0 : i32
      %dma_start3A_146 = tpu.memref_slice %arg15[%add3A_84, %dma_start3A_145] : memref<10000x64xf32, #tpu.memory_space<vmem_shared>> -> memref<80x64xf32, #tpu.memory_space<vmem_shared>>
      %dma_start3A_147 = arith.constant 0 : i32
      %dma_start3A_148 = tpu.memref_slice %arg15[%add3A_84, %dma_start3A_147] : memref<10000x64xf32, #tpu.memory_space<vmem_shared>> -> memref<80x64xf32, #tpu.memory_space<vmem_shared>>
      tpu.enqueue_dma source(%arg14 : memref<80x64xf32, #tpu.memory_space<vmem>>) target(%dma_start3A_148 : memref<80x64xf32, #tpu.memory_space<vmem_shared>>) target_semaphore(%run_scoped3A_144 : memref<!tpu.dma_semaphore, #tpu.memory_space<semaphore_mem>>)
      %dma_wait3A_149 = arith.constant 0 : i32
      %dma_wait3A_150 = tpu.memref_slice %arg15[%add3A_84, %dma_wait3A_149] : memref<10000x64xf32, #tpu.memory_space<vmem_shared>> -> memref<80x64xf32, #tpu.memory_space<vmem_shared>>
      %dma_wait3A_151 = arith.constant 0 : i32
      %dma_wait3A_152 = tpu.memref_slice %arg15[%add3A_84, %dma_wait3A_151] : memref<10000x64xf32, #tpu.memory_space<vmem_shared>> -> memref<80x64xf32, #tpu.memory_space<vmem_shared>>
      tpu.wait_dma2 semaphore(%run_scoped3A_144 : memref<!tpu.dma_semaphore, #tpu.memory_space<semaphore_mem>>) src(%arg14 : memref<80x64xf32, #tpu.memory_space<vmem>>) dst(%dma_wait3A_152 : memref<80x64xf32, #tpu.memory_space<vmem_shared>>)
      tpu.yield
    }) : () -> ()
    %add3A_85 = arith.constant 480 : i32
    %add3A_86 = arith.addi %mul3A_2, %add3A_85 : i32
    "tpu.region"() ({
      %run_scoped3A_144 = tpu.sem_alloc : memref<!tpu.dma_semaphore, #tpu.memory_space<semaphore_mem>>
      %dma_start3A_145 = arith.constant 0 : i32
      %dma_start3A_146 = tpu.memref_slice %arg15[%add3A_86, %dma_start3A_145] : memref<10000x64xf32, #tpu.memory_space<vmem_shared>> -> memref<80x64xf32, #tpu.memory_space<vmem_shared>>
      %dma_start3A_147 = arith.constant 0 : i32
      %dma_start3A_148 = tpu.memref_slice %arg15[%add3A_86, %dma_start3A_147] : memref<10000x64xf32, #tpu.memory_space<vmem_shared>> -> memref<80x64xf32, #tpu.memory_space<vmem_shared>>
      tpu.enqueue_dma source(%arg14 : memref<80x64xf32, #tpu.memory_space<vmem>>) target(%dma_start3A_148 : memref<80x64xf32, #tpu.memory_space<vmem_shared>>) target_semaphore(%run_scoped3A_144 : memref<!tpu.dma_semaphore, #tpu.memory_space<semaphore_mem>>)
      %dma_wait3A_149 = arith.constant 0 : i32
      %dma_wait3A_150 = tpu.memref_slice %arg15[%add3A_86, %dma_wait3A_149] : memref<10000x64xf32, #tpu.memory_space<vmem_shared>> -> memref<80x64xf32, #tpu.memory_space<vmem_shared>>
      %dma_wait3A_151 = arith.constant 0 : i32
      %dma_wait3A_152 = tpu.memref_slice %arg15[%add3A_86, %dma_wait3A_151] : memref<10000x64xf32, #tpu.memory_space<vmem_shared>> -> memref<80x64xf32, #tpu.memory_space<vmem_shared>>
      tpu.wait_dma2 semaphore(%run_scoped3A_144 : memref<!tpu.dma_semaphore, #tpu.memory_space<semaphore_mem>>) src(%arg14 : memref<80x64xf32, #tpu.memory_space<vmem>>) dst(%dma_wait3A_152 : memref<80x64xf32, #tpu.memory_space<vmem_shared>>)
      tpu.yield
    }) : () -> ()
    %add3A_87 = arith.constant 560 : i32
    %add3A_88 = arith.addi %mul3A_2, %add3A_87 : i32
    "tpu.region"() ({
      %run_scoped3A_144 = tpu.sem_alloc : memref<!tpu.dma_semaphore, #tpu.memory_space<semaphore_mem>>
      %dma_start3A_145 = arith.constant 0 : i32
      %dma_start3A_146 = arith.constant 0 : i32
      %dma_start3A_147 = tpu.memref_slice %arg14[%dma_start3A_145, %dma_start3A_146] : memref<80x64xf32, #tpu.memory_space<vmem>> -> memref<64x64xf32, #tpu.memory_space<vmem>>
      %dma_start3A_148 = arith.constant 0 : i32
      %dma_start3A_149 = tpu.memref_slice %arg15[%add3A_88, %dma_start3A_148] : memref<10000x64xf32, #tpu.memory_space<vmem_shared>> -> memref<64x64xf32, #tpu.memory_space<vmem_shared>>
      %dma_start3A_150 = arith.constant 0 : i32
      %dma_start3A_151 = tpu.memref_slice %arg15[%add3A_88, %dma_start3A_150] : memref<10000x64xf32, #tpu.memory_space<vmem_shared>> -> memref<64x64xf32, #tpu.memory_space<vmem_shared>>
      %dma_start3A_152 = arith.constant 0 : i32
      %dma_start3A_153 = arith.constant 0 : i32
      %dma_start3A_154 = tpu.memref_slice %arg14[%dma_start3A_152, %dma_start3A_153] : memref<80x64xf32, #tpu.memory_space<vmem>> -> memref<64x64xf32, #tpu.memory_space<vmem>>
      tpu.enqueue_dma source(%dma_start3A_154 : memref<64x64xf32, #tpu.memory_space<vmem>>) target(%dma_start3A_151 : memref<64x64xf32, #tpu.memory_space<vmem_shared>>) target_semaphore(%run_scoped3A_144 : memref<!tpu.dma_semaphore, #tpu.memory_space<semaphore_mem>>)
      %dma_wait3A_155 = arith.constant 0 : i32
      %dma_wait3A_156 = arith.constant 0 : i32
      %dma_wait3A_157 = tpu.memref_slice %arg14[%dma_wait3A_155, %dma_wait3A_156] : memref<80x64xf32, #tpu.memory_space<vmem>> -> memref<64x64xf32, #tpu.memory_space<vmem>>
      %dma_wait3A_158 = arith.constant 0 : i32
      %dma_wait3A_159 = tpu.memref_slice %arg15[%add3A_88, %dma_wait3A_158] : memref<10000x64xf32, #tpu.memory_space<vmem_shared>> -> memref<64x64xf32, #tpu.memory_space<vmem_shared>>
      %dma_wait3A_160 = arith.constant 0 : i32
      %dma_wait3A_161 = tpu.memref_slice %arg15[%add3A_88, %dma_wait3A_160] : memref<10000x64xf32, #tpu.memory_space<vmem_shared>> -> memref<64x64xf32, #tpu.memory_space<vmem_shared>>
      %dma_wait3A_162 = arith.constant 0 : i32
      %dma_wait3A_163 = arith.constant 0 : i32
      %dma_wait3A_164 = tpu.memref_slice %arg14[%dma_wait3A_162, %dma_wait3A_163] : memref<80x64xf32, #tpu.memory_space<vmem>> -> memref<64x64xf32, #tpu.memory_space<vmem>>
      tpu.wait_dma2 semaphore(%run_scoped3A_144 : memref<!tpu.dma_semaphore, #tpu.memory_space<semaphore_mem>>) src(%dma_wait3A_164 : memref<64x64xf32, #tpu.memory_space<vmem>>) dst(%dma_wait3A_161 : memref<64x64xf32, #tpu.memory_space<vmem_shared>>)
      tpu.yield
    }) : () -> ()
    %eq3A_89 = arith.constant 0 : i32
    %eq3A_90 = arith.cmpi eq, %arg1, %eq3A_89 : i32
    %convert_element_type3A_91 = arith.extui %eq3A_90 : i1 to i32
    %cond3A_92 = arith.constant 0 : i32
    %cond3A_93 = arith.cmpi ne, %convert_element_type3A_91, %cond3A_92 : i32
    scf.if %cond3A_93 {
      "tpu.region"() ({
        %run_scoped3A_144 = tpu.sem_alloc : memref<!tpu.dma_semaphore, #tpu.memory_space<semaphore_mem>>
        %dma_start3A_145 = arith.constant 0 : i32
        %dma_start3A_146 = arith.constant 0 : i32
        %dma_start3A_147 = tpu.memref_slice %arg14[%dma_start3A_145, %dma_start3A_146] : memref<80x64xf32, #tpu.memory_space<vmem>> -> memref<16x64xf32, #tpu.memory_space<vmem>>
        %dma_start3A_148 = arith.constant 9984 : i32
        %dma_start3A_149 = arith.constant 0 : i32
        %dma_start3A_150 = tpu.memref_slice %arg15[%dma_start3A_148, %dma_start3A_149] : memref<10000x64xf32, #tpu.memory_space<vmem_shared>> -> memref<16x64xf32, #tpu.memory_space<vmem_shared>>
        %dma_start3A_151 = arith.constant 9984 : i32
        %dma_start3A_152 = arith.constant 0 : i32
        %dma_start3A_153 = tpu.memref_slice %arg15[%dma_start3A_151, %dma_start3A_152] : memref<10000x64xf32, #tpu.memory_space<vmem_shared>> -> memref<16x64xf32, #tpu.memory_space<vmem_shared>>
        %dma_start3A_154 = arith.constant 0 : i32
        %dma_start3A_155 = arith.constant 0 : i32
        %dma_start3A_156 = tpu.memref_slice %arg14[%dma_start3A_154, %dma_start3A_155] : memref<80x64xf32, #tpu.memory_space<vmem>> -> memref<16x64xf32, #tpu.memory_space<vmem>>
        tpu.enqueue_dma source(%dma_start3A_156 : memref<16x64xf32, #tpu.memory_space<vmem>>) target(%dma_start3A_153 : memref<16x64xf32, #tpu.memory_space<vmem_shared>>) target_semaphore(%run_scoped3A_144 : memref<!tpu.dma_semaphore, #tpu.memory_space<semaphore_mem>>)
        %dma_wait3A_157 = arith.constant 0 : i32
        %dma_wait3A_158 = arith.constant 0 : i32
        %dma_wait3A_159 = tpu.memref_slice %arg14[%dma_wait3A_157, %dma_wait3A_158] : memref<80x64xf32, #tpu.memory_space<vmem>> -> memref<16x64xf32, #tpu.memory_space<vmem>>
        %dma_wait3A_160 = arith.constant 9984 : i32
        %dma_wait3A_161 = arith.constant 0 : i32
        %dma_wait3A_162 = tpu.memref_slice %arg15[%dma_wait3A_160, %dma_wait3A_161] : memref<10000x64xf32, #tpu.memory_space<vmem_shared>> -> memref<16x64xf32, #tpu.memory_space<vmem_shared>>
        %dma_wait3A_163 = arith.constant 9984 : i32
        %dma_wait3A_164 = arith.constant 0 : i32
        %dma_wait3A_165 = tpu.memref_slice %arg15[%dma_wait3A_163, %dma_wait3A_164] : memref<10000x64xf32, #tpu.memory_space<vmem_shared>> -> memref<16x64xf32, #tpu.memory_space<vmem_shared>>
        %dma_wait3A_166 = arith.constant 0 : i32
        %dma_wait3A_167 = arith.constant 0 : i32
        %dma_wait3A_168 = tpu.memref_slice %arg14[%dma_wait3A_166, %dma_wait3A_167] : memref<80x64xf32, #tpu.memory_space<vmem>> -> memref<16x64xf32, #tpu.memory_space<vmem>>
        tpu.wait_dma2 semaphore(%run_scoped3A_144 : memref<!tpu.dma_semaphore, #tpu.memory_space<semaphore_mem>>) src(%dma_wait3A_168 : memref<16x64xf32, #tpu.memory_space<vmem>>) dst(%dma_wait3A_165 : memref<16x64xf32, #tpu.memory_space<vmem_shared>>)
        tpu.yield
      }) : () -> ()
    } else {
    }
    %barrier3A_94 = arith.constant 0 : index
    tpu.barrier barrier_id(%barrier3A_94)
    %dma_start3A_95 = arith.constant 0 : i32
    %dma_start3A_96 = arith.constant 0 : i32
    %dma_start3A_97 = tpu.memref_slice %arg10[%dma_start3A_95, %dma_start3A_96] : memref<125x80xi32, #tpu.memory_space<vmem>> -> memref<1x80xi32, #tpu.memory_space<vmem>>
    %dma_start3A_98 = tpu.memref_squeeze %dma_start3A_97 : memref<1x80xi32, #tpu.memory_space<vmem>> -> memref<80xi32, #tpu.memory_space<vmem>>
    %dma_start3A_99 = arith.constant 0 : i32
    %dma_start3A_100 = arith.constant 0 : i32
    %dma_start3A_101 = tpu.memref_slice %arg3[%dma_start3A_99, %dma_start3A_100] : memref<10000x64xf32, #tpu.memory_space<hbm>> -> memref<10000x64xf32, #tpu.memory_space<hbm>>
    tpu.enqueue_indirect_dma source(%dma_start3A_101 : memref<10000x64xf32, #tpu.memory_space<hbm>>) target(%arg12 : memref<80x64xf32, #tpu.memory_space<vmem>>) offsets(%dma_start3A_98 : memref<80xi32, #tpu.memory_space<vmem>>) semaphore(%arg16 : memref<!tpu.dma_semaphore, #tpu.memory_space<semaphore_mem>>)
    %scan3A_102 = arith.constant 0 : i32
    %scan3A_103 = arith.constant 0 : i32
    %scan3A_104 = arith.constant 62 : i32
    %scan3A_105 = arith.addi %scan3A_103, %scan3A_104 : i32
    %scan3A_106 = arith.constant 1 : i32
    %scan3A_107 = scf.for %scan3A_144 = %scan3A_103 to %scan3A_105 step %scan3A_106 iter_args(%scan3A_145 = %scan3A_102) -> (i32)  : i32 {
      %mul3A_146 = arith.constant 2 : i32
      %mul3A_147 = arith.muli %mul3A_146, %scan3A_144 : i32
      %add3A_148 = arith.constant 1 : i32
      %add3A_149 = arith.addi %mul3A_147, %add3A_148 : i32
      %dma_start3A_150 = arith.constant 0 : i32
      %dma_start3A_151 = tpu.memref_slice %arg10[%add3A_149, %dma_start3A_150] : memref<125x80xi32, #tpu.memory_space<vmem>> -> memref<1x80xi32, #tpu.memory_space<vmem>>
      %dma_start3A_152 = tpu.memref_squeeze %dma_start3A_151 : memref<1x80xi32, #tpu.memory_space<vmem>> -> memref<80xi32, #tpu.memory_space<vmem>>
      %dma_start3A_153 = arith.constant 0 : i32
      %dma_start3A_154 = arith.constant 0 : i32
      %dma_start3A_155 = tpu.memref_slice %arg3[%dma_start3A_153, %dma_start3A_154] : memref<10000x64xf32, #tpu.memory_space<hbm>> -> memref<10000x64xf32, #tpu.memory_space<hbm>>
      tpu.enqueue_indirect_dma source(%dma_start3A_155 : memref<10000x64xf32, #tpu.memory_space<hbm>>) target(%arg13 : memref<80x64xf32, #tpu.memory_space<vmem>>) offsets(%dma_start3A_152 : memref<80xi32, #tpu.memory_space<vmem>>) semaphore(%arg17 : memref<!tpu.dma_semaphore, #tpu.memory_space<semaphore_mem>>)
      %dma_wait3A_156 = arith.constant 0 : i32
      %dma_wait3A_157 = tpu.memref_slice %arg10[%mul3A_147, %dma_wait3A_156] : memref<125x80xi32, #tpu.memory_space<vmem>> -> memref<1x80xi32, #tpu.memory_space<vmem>>
      %dma_wait3A_158 = tpu.memref_squeeze %dma_wait3A_157 : memref<1x80xi32, #tpu.memory_space<vmem>> -> memref<80xi32, #tpu.memory_space<vmem>>
      %dma_wait3A_159 = arith.constant 0 : i32
      %dma_wait3A_160 = arith.constant 0 : i32
      %dma_wait3A_161 = tpu.memref_slice %arg3[%dma_wait3A_159, %dma_wait3A_160] : memref<10000x64xf32, #tpu.memory_space<hbm>> -> memref<10000x64xf32, #tpu.memory_space<hbm>>
      tpu.wait_indirect_dma semaphore(%arg16 : memref<!tpu.dma_semaphore, #tpu.memory_space<semaphore_mem>>) src(%dma_wait3A_161 : memref<10000x64xf32, #tpu.memory_space<hbm>>) dst(%arg12 : memref<80x64xf32, #tpu.memory_space<vmem>>)
      "tpu.region"() ({
        %run_scoped3A_181 = tpu.sem_alloc : memref<!tpu.dma_semaphore, #tpu.memory_space<semaphore_mem>>
        %dma_start3A_182 = arith.constant 0 : i32
        %dma_start3A_183 = tpu.memref_slice %arg11[%mul3A_147, %dma_start3A_182] : memref<125x80xi32, #tpu.memory_space<vmem>> -> memref<1x80xi32, #tpu.memory_space<vmem>>
        %dma_start3A_184 = tpu.memref_squeeze %dma_start3A_183 : memref<1x80xi32, #tpu.memory_space<vmem>> -> memref<80xi32, #tpu.memory_space<vmem>>
        %dma_start3A_185 = arith.constant 0 : i32
        %dma_start3A_186 = arith.constant 0 : i32
        %dma_start3A_187 = tpu.memref_slice %arg15[%dma_start3A_185, %dma_start3A_186] : memref<10000x64xf32, #tpu.memory_space<vmem_shared>> -> memref<10000x64xf32, #tpu.memory_space<vmem_shared>>
        tpu.enqueue_indirect_dma source(%arg12 : memref<80x64xf32, #tpu.memory_space<vmem>>) target(%dma_start3A_187 : memref<10000x64xf32, #tpu.memory_space<vmem_shared>>) offsets(%dma_start3A_184 : memref<80xi32, #tpu.memory_space<vmem>>) semaphore(%run_scoped3A_181 : memref<!tpu.dma_semaphore, #tpu.memory_space<semaphore_mem>>) {add = true}
        %dma_wait3A_188 = arith.constant 0 : i32
        %dma_wait3A_189 = tpu.memref_slice %arg11[%mul3A_147, %dma_wait3A_188] : memref<125x80xi32, #tpu.memory_space<vmem>> -> memref<1x80xi32, #tpu.memory_space<vmem>>
        %dma_wait3A_190 = tpu.memref_squeeze %dma_wait3A_189 : memref<1x80xi32, #tpu.memory_space<vmem>> -> memref<80xi32, #tpu.memory_space<vmem>>
        %dma_wait3A_191 = arith.constant 0 : i32
        %dma_wait3A_192 = arith.constant 0 : i32
        %dma_wait3A_193 = tpu.memref_slice %arg15[%dma_wait3A_191, %dma_wait3A_192] : memref<10000x64xf32, #tpu.memory_space<vmem_shared>> -> memref<10000x64xf32, #tpu.memory_space<vmem_shared>>
        tpu.wait_indirect_dma semaphore(%run_scoped3A_181 : memref<!tpu.dma_semaphore, #tpu.memory_space<semaphore_mem>>) src(%arg12 : memref<80x64xf32, #tpu.memory_space<vmem>>) dst(%dma_wait3A_193 : memref<10000x64xf32, #tpu.memory_space<vmem_shared>>)
        tpu.yield
      }) : () -> ()
      %add3A_162 = arith.constant 2 : i32
      %add3A_163 = arith.addi %mul3A_147, %add3A_162 : i32
      %dma_start3A_164 = arith.constant 0 : i32
      %dma_start3A_165 = tpu.memref_slice %arg10[%add3A_163, %dma_start3A_164] : memref<125x80xi32, #tpu.memory_space<vmem>> -> memref<1x80xi32, #tpu.memory_space<vmem>>
      %dma_start3A_166 = tpu.memref_squeeze %dma_start3A_165 : memref<1x80xi32, #tpu.memory_space<vmem>> -> memref<80xi32, #tpu.memory_space<vmem>>
      %dma_start3A_167 = arith.constant 0 : i32
      %dma_start3A_168 = arith.constant 0 : i32
      %dma_start3A_169 = tpu.memref_slice %arg3[%dma_start3A_167, %dma_start3A_168] : memref<10000x64xf32, #tpu.memory_space<hbm>> -> memref<10000x64xf32, #tpu.memory_space<hbm>>
      tpu.enqueue_indirect_dma source(%dma_start3A_169 : memref<10000x64xf32, #tpu.memory_space<hbm>>) target(%arg12 : memref<80x64xf32, #tpu.memory_space<vmem>>) offsets(%dma_start3A_166 : memref<80xi32, #tpu.memory_space<vmem>>) semaphore(%arg16 : memref<!tpu.dma_semaphore, #tpu.memory_space<semaphore_mem>>)
      %add3A_170 = arith.constant 1 : i32
      %add3A_171 = arith.addi %mul3A_147, %add3A_170 : i32
      %dma_wait3A_172 = arith.constant 0 : i32
      %dma_wait3A_173 = tpu.memref_slice %arg10[%add3A_171, %dma_wait3A_172] : memref<125x80xi32, #tpu.memory_space<vmem>> -> memref<1x80xi32, #tpu.memory_space<vmem>>
      %dma_wait3A_174 = tpu.memref_squeeze %dma_wait3A_173 : memref<1x80xi32, #tpu.memory_space<vmem>> -> memref<80xi32, #tpu.memory_space<vmem>>
      %dma_wait3A_175 = arith.constant 0 : i32
      %dma_wait3A_176 = arith.constant 0 : i32
      %dma_wait3A_177 = tpu.memref_slice %arg3[%dma_wait3A_175, %dma_wait3A_176] : memref<10000x64xf32, #tpu.memory_space<hbm>> -> memref<10000x64xf32, #tpu.memory_space<hbm>>
      tpu.wait_indirect_dma semaphore(%arg17 : memref<!tpu.dma_semaphore, #tpu.memory_space<semaphore_mem>>) src(%dma_wait3A_177 : memref<10000x64xf32, #tpu.memory_space<hbm>>) dst(%arg13 : memref<80x64xf32, #tpu.memory_space<vmem>>)
      %add3A_178 = arith.constant 1 : i32
      %add3A_179 = arith.addi %mul3A_147, %add3A_178 : i32
      "tpu.region"() ({
        %run_scoped3A_181 = tpu.sem_alloc : memref<!tpu.dma_semaphore, #tpu.memory_space<semaphore_mem>>
        %dma_start3A_182 = arith.constant 0 : i32
        %dma_start3A_183 = tpu.memref_slice %arg11[%add3A_179, %dma_start3A_182] : memref<125x80xi32, #tpu.memory_space<vmem>> -> memref<1x80xi32, #tpu.memory_space<vmem>>
        %dma_start3A_184 = tpu.memref_squeeze %dma_start3A_183 : memref<1x80xi32, #tpu.memory_space<vmem>> -> memref<80xi32, #tpu.memory_space<vmem>>
        %dma_start3A_185 = arith.constant 0 : i32
        %dma_start3A_186 = arith.constant 0 : i32
        %dma_start3A_187 = tpu.memref_slice %arg15[%dma_start3A_185, %dma_start3A_186] : memref<10000x64xf32, #tpu.memory_space<vmem_shared>> -> memref<10000x64xf32, #tpu.memory_space<vmem_shared>>
        tpu.enqueue_indirect_dma source(%arg13 : memref<80x64xf32, #tpu.memory_space<vmem>>) target(%dma_start3A_187 : memref<10000x64xf32, #tpu.memory_space<vmem_shared>>) offsets(%dma_start3A_184 : memref<80xi32, #tpu.memory_space<vmem>>) semaphore(%run_scoped3A_181 : memref<!tpu.dma_semaphore, #tpu.memory_space<semaphore_mem>>) {add = true}
        %dma_wait3A_188 = arith.constant 0 : i32
        %dma_wait3A_189 = tpu.memref_slice %arg11[%add3A_179, %dma_wait3A_188] : memref<125x80xi32, #tpu.memory_space<vmem>> -> memref<1x80xi32, #tpu.memory_space<vmem>>
        %dma_wait3A_190 = tpu.memref_squeeze %dma_wait3A_189 : memref<1x80xi32, #tpu.memory_space<vmem>> -> memref<80xi32, #tpu.memory_space<vmem>>
        %dma_wait3A_191 = arith.constant 0 : i32
        %dma_wait3A_192 = arith.constant 0 : i32
        %dma_wait3A_193 = tpu.memref_slice %arg15[%dma_wait3A_191, %dma_wait3A_192] : memref<10000x64xf32, #tpu.memory_space<vmem_shared>> -> memref<10000x64xf32, #tpu.memory_space<vmem_shared>>
        tpu.wait_indirect_dma semaphore(%run_scoped3A_181 : memref<!tpu.dma_semaphore, #tpu.memory_space<semaphore_mem>>) src(%arg13 : memref<80x64xf32, #tpu.memory_space<vmem>>) dst(%dma_wait3A_193 : memref<10000x64xf32, #tpu.memory_space<vmem_shared>>)
        tpu.yield
      }) : () -> ()
      %scan3A_180 = arith.constant 0 : i32
      scf.yield %scan3A_180 : i32
    }
    %scan3A_108 = arith.constant 62 : i32
    %dma_wait3A_109 = arith.constant 124 : i32
    %dma_wait3A_110 = arith.constant 0 : i32
    %dma_wait3A_111 = tpu.memref_slice %arg10[%dma_wait3A_109, %dma_wait3A_110] : memref<125x80xi32, #tpu.memory_space<vmem>> -> memref<1x80xi32, #tpu.memory_space<vmem>>
    %dma_wait3A_112 = tpu.memref_squeeze %dma_wait3A_111 : memref<1x80xi32, #tpu.memory_space<vmem>> -> memref<80xi32, #tpu.memory_space<vmem>>
    %dma_wait3A_113 = arith.constant 0 : i32
    %dma_wait3A_114 = arith.constant 0 : i32
    %dma_wait3A_115 = tpu.memref_slice %arg3[%dma_wait3A_113, %dma_wait3A_114] : memref<10000x64xf32, #tpu.memory_space<hbm>> -> memref<10000x64xf32, #tpu.memory_space<hbm>>
    tpu.wait_indirect_dma semaphore(%arg16 : memref<!tpu.dma_semaphore, #tpu.memory_space<semaphore_mem>>) src(%dma_wait3A_115 : memref<10000x64xf32, #tpu.memory_space<hbm>>) dst(%arg12 : memref<80x64xf32, #tpu.memory_space<vmem>>)
    %run_scoped3A_116 = arith.constant 124 : i32
    "tpu.region"() ({
      %run_scoped3A_144 = tpu.sem_alloc : memref<!tpu.dma_semaphore, #tpu.memory_space<semaphore_mem>>
      %dma_start3A_145 = arith.constant 0 : i32
      %dma_start3A_146 = tpu.memref_slice %arg11[%run_scoped3A_116, %dma_start3A_145] : memref<125x80xi32, #tpu.memory_space<vmem>> -> memref<1x80xi32, #tpu.memory_space<vmem>>
      %dma_start3A_147 = tpu.memref_squeeze %dma_start3A_146 : memref<1x80xi32, #tpu.memory_space<vmem>> -> memref<80xi32, #tpu.memory_space<vmem>>
      %dma_start3A_148 = arith.constant 0 : i32
      %dma_start3A_149 = arith.constant 0 : i32
      %dma_start3A_150 = tpu.memref_slice %arg15[%dma_start3A_148, %dma_start3A_149] : memref<10000x64xf32, #tpu.memory_space<vmem_shared>> -> memref<10000x64xf32, #tpu.memory_space<vmem_shared>>
      tpu.enqueue_indirect_dma source(%arg12 : memref<80x64xf32, #tpu.memory_space<vmem>>) target(%dma_start3A_150 : memref<10000x64xf32, #tpu.memory_space<vmem_shared>>) offsets(%dma_start3A_147 : memref<80xi32, #tpu.memory_space<vmem>>) semaphore(%run_scoped3A_144 : memref<!tpu.dma_semaphore, #tpu.memory_space<semaphore_mem>>) {add = true}
      %dma_wait3A_151 = arith.constant 0 : i32
      %dma_wait3A_152 = tpu.memref_slice %arg11[%run_scoped3A_116, %dma_wait3A_151] : memref<125x80xi32, #tpu.memory_space<vmem>> -> memref<1x80xi32, #tpu.memory_space<vmem>>
      %dma_wait3A_153 = tpu.memref_squeeze %dma_wait3A_152 : memref<1x80xi32, #tpu.memory_space<vmem>> -> memref<80xi32, #tpu.memory_space<vmem>>
      %dma_wait3A_154 = arith.constant 0 : i32
      %dma_wait3A_155 = arith.constant 0 : i32
      %dma_wait3A_156 = tpu.memref_slice %arg15[%dma_wait3A_154, %dma_wait3A_155] : memref<10000x64xf32, #tpu.memory_space<vmem_shared>> -> memref<10000x64xf32, #tpu.memory_space<vmem_shared>>
      tpu.wait_indirect_dma semaphore(%run_scoped3A_144 : memref<!tpu.dma_semaphore, #tpu.memory_space<semaphore_mem>>) src(%arg12 : memref<80x64xf32, #tpu.memory_space<vmem>>) dst(%dma_wait3A_156 : memref<10000x64xf32, #tpu.memory_space<vmem_shared>>)
      tpu.yield
    }) : () -> ()
    %barrier3A_117 = arith.constant 0 : index
    tpu.barrier barrier_id(%barrier3A_117)
    %eq3A_118 = arith.constant 0 : i32
    %eq3A_119 = arith.cmpi eq, %arg0, %eq3A_118 : i32
    %convert_element_type3A_120 = arith.extui %eq3A_119 : i1 to i32
    %cond3A_121 = arith.constant 0 : i32
    %cond3A_122 = arith.cmpi ne, %convert_element_type3A_120, %cond3A_121 : i32
    scf.if %cond3A_122 {
      "tpu.region"() ({
        %run_scoped3A_144 = tpu.sem_alloc : memref<!tpu.dma_semaphore, #tpu.memory_space<semaphore_mem>>
        %dma_start3A_145 = arith.constant 0 : i32
        %dma_start3A_146 = tpu.memref_slice %arg8[%mul3A_2, %dma_start3A_145] : memref<10000x64xf32, #tpu.memory_space<hbm>> -> memref<624x64xf32, #tpu.memory_space<hbm>>
        %dma_start3A_147 = arith.constant 0 : i32
        %dma_start3A_148 = tpu.memref_slice %arg15[%mul3A_2, %dma_start3A_147] : memref<10000x64xf32, #tpu.memory_space<vmem_shared>> -> memref<624x64xf32, #tpu.memory_space<vmem_shared>>
        tpu.enqueue_dma source(%dma_start3A_148 : memref<624x64xf32, #tpu.memory_space<vmem_shared>>) target(%dma_start3A_146 : memref<624x64xf32, #tpu.memory_space<hbm>>) target_semaphore(%run_scoped3A_144 : memref<!tpu.dma_semaphore, #tpu.memory_space<semaphore_mem>>)
        %dma_wait3A_149 = arith.constant 0 : i32
        %dma_wait3A_150 = tpu.memref_slice %arg8[%mul3A_2, %dma_wait3A_149] : memref<10000x64xf32, #tpu.memory_space<hbm>> -> memref<624x64xf32, #tpu.memory_space<hbm>>
        %dma_wait3A_151 = arith.constant 0 : i32
        %dma_wait3A_152 = tpu.memref_slice %arg15[%mul3A_2, %dma_wait3A_151] : memref<10000x64xf32, #tpu.memory_space<vmem_shared>> -> memref<624x64xf32, #tpu.memory_space<vmem_shared>>
        tpu.wait_dma2 semaphore(%run_scoped3A_144 : memref<!tpu.dma_semaphore, #tpu.memory_space<semaphore_mem>>) src(%dma_wait3A_152 : memref<624x64xf32, #tpu.memory_space<vmem_shared>>) dst(%dma_wait3A_150 : memref<624x64xf32, #tpu.memory_space<hbm>>)
        tpu.yield
      }) : () -> ()
    } else {
    }
    %eq3A_123 = arith.constant 1 : i32
    %eq3A_124 = arith.cmpi eq, %arg0, %eq3A_123 : i32
    %convert_element_type3A_125 = arith.extui %eq3A_124 : i1 to i32
    %cond3A_126 = arith.constant 0 : i32
    %cond3A_127 = arith.cmpi ne, %convert_element_type3A_125, %cond3A_126 : i32
    scf.if %cond3A_127 {
      "tpu.region"() ({
        %run_scoped3A_144 = tpu.sem_alloc : memref<!tpu.dma_semaphore, #tpu.memory_space<semaphore_mem>>
        %dma_start3A_145 = arith.constant 0 : i32
        %dma_start3A_146 = tpu.memref_slice %arg9[%mul3A_2, %dma_start3A_145] : memref<10000x64xf32, #tpu.memory_space<hbm>> -> memref<624x64xf32, #tpu.memory_space<hbm>>
        %dma_start3A_147 = arith.constant 0 : i32
        %dma_start3A_148 = tpu.memref_slice %arg15[%mul3A_2, %dma_start3A_147] : memref<10000x64xf32, #tpu.memory_space<vmem_shared>> -> memref<624x64xf32, #tpu.memory_space<vmem_shared>>
        tpu.enqueue_dma source(%dma_start3A_148 : memref<624x64xf32, #tpu.memory_space<vmem_shared>>) target(%dma_start3A_146 : memref<624x64xf32, #tpu.memory_space<hbm>>) target_semaphore(%run_scoped3A_144 : memref<!tpu.dma_semaphore, #tpu.memory_space<semaphore_mem>>)
        %dma_wait3A_149 = arith.constant 0 : i32
        %dma_wait3A_150 = tpu.memref_slice %arg9[%mul3A_2, %dma_wait3A_149] : memref<10000x64xf32, #tpu.memory_space<hbm>> -> memref<624x64xf32, #tpu.memory_space<hbm>>
        %dma_wait3A_151 = arith.constant 0 : i32
        %dma_wait3A_152 = tpu.memref_slice %arg15[%mul3A_2, %dma_wait3A_151] : memref<10000x64xf32, #tpu.memory_space<vmem_shared>> -> memref<624x64xf32, #tpu.memory_space<vmem_shared>>
        tpu.wait_dma2 semaphore(%run_scoped3A_144 : memref<!tpu.dma_semaphore, #tpu.memory_space<semaphore_mem>>) src(%dma_wait3A_152 : memref<624x64xf32, #tpu.memory_space<vmem_shared>>) dst(%dma_wait3A_150 : memref<624x64xf32, #tpu.memory_space<hbm>>)
        tpu.yield
      }) : () -> ()
    } else {
    }
    %eq3A_128 = arith.constant 0 : i32
    %eq3A_129 = arith.cmpi eq, %arg1, %eq3A_128 : i32
    %eq3A_130 = arith.constant 0 : i32
    %eq3A_131 = arith.cmpi eq, %arg0, %eq3A_130 : i32
    %and3A_132 = arith.andi %eq3A_129, %eq3A_131 : i1
    %convert_element_type3A_133 = arith.extui %and3A_132 : i1 to i32
    %cond3A_134 = arith.constant 0 : i32
    %cond3A_135 = arith.cmpi ne, %convert_element_type3A_133, %cond3A_134 : i32
    scf.if %cond3A_135 {
      "tpu.region"() ({
        %run_scoped3A_144 = tpu.sem_alloc : memref<!tpu.dma_semaphore, #tpu.memory_space<semaphore_mem>>
        %dma_start3A_145 = arith.constant 9984 : i32
        %dma_start3A_146 = arith.constant 0 : i32
        %dma_start3A_147 = tpu.memref_slice %arg8[%dma_start3A_145, %dma_start3A_146] : memref<10000x64xf32, #tpu.memory_space<hbm>> -> memref<16x64xf32, #tpu.memory_space<hbm>>
        %dma_start3A_148 = arith.constant 9984 : i32
        %dma_start3A_149 = arith.constant 0 : i32
        %dma_start3A_150 = tpu.memref_slice %arg15[%dma_start3A_148, %dma_start3A_149] : memref<10000x64xf32, #tpu.memory_space<vmem_shared>> -> memref<16x64xf32, #tpu.memory_space<vmem_shared>>
        tpu.enqueue_dma source(%dma_start3A_150 : memref<16x64xf32, #tpu.memory_space<vmem_shared>>) target(%dma_start3A_147 : memref<16x64xf32, #tpu.memory_space<hbm>>) target_semaphore(%run_scoped3A_144 : memref<!tpu.dma_semaphore, #tpu.memory_space<semaphore_mem>>)
        %dma_wait3A_151 = arith.constant 9984 : i32
        %dma_wait3A_152 = arith.constant 0 : i32
        %dma_wait3A_153 = tpu.memref_slice %arg8[%dma_wait3A_151, %dma_wait3A_152] : memref<10000x64xf32, #tpu.memory_space<hbm>> -> memref<16x64xf32, #tpu.memory_space<hbm>>
        %dma_wait3A_154 = arith.constant 9984 : i32
        %dma_wait3A_155 = arith.constant 0 : i32
        %dma_wait3A_156 = tpu.memref_slice %arg15[%dma_wait3A_154, %dma_wait3A_155] : memref<10000x64xf32, #tpu.memory_space<vmem_shared>> -> memref<16x64xf32, #tpu.memory_space<vmem_shared>>
        tpu.wait_dma2 semaphore(%run_scoped3A_144 : memref<!tpu.dma_semaphore, #tpu.memory_space<semaphore_mem>>) src(%dma_wait3A_156 : memref<16x64xf32, #tpu.memory_space<vmem_shared>>) dst(%dma_wait3A_153 : memref<16x64xf32, #tpu.memory_space<hbm>>)
        tpu.yield
      }) : () -> ()
    } else {
    }
    %eq3A_136 = arith.constant 0 : i32
    %eq3A_137 = arith.cmpi eq, %arg1, %eq3A_136 : i32
    %eq3A_138 = arith.constant 1 : i32
    %eq3A_139 = arith.cmpi eq, %arg0, %eq3A_138 : i32
    %and3A_140 = arith.andi %eq3A_137, %eq3A_139 : i1
    %convert_element_type3A_141 = arith.extui %and3A_140 : i1 to i32
    %cond3A_142 = arith.constant 0 : i32
    %cond3A_143 = arith.cmpi ne, %convert_element_type3A_141, %cond3A_142 : i32
    scf.if %cond3A_143 {
      "tpu.region"() ({
        %run_scoped3A_144 = tpu.sem_alloc : memref<!tpu.dma_semaphore, #tpu.memory_space<semaphore_mem>>
        %dma_start3A_145 = arith.constant 9984 : i32
        %dma_start3A_146 = arith.constant 0 : i32
        %dma_start3A_147 = tpu.memref_slice %arg9[%dma_start3A_145, %dma_start3A_146] : memref<10000x64xf32, #tpu.memory_space<hbm>> -> memref<16x64xf32, #tpu.memory_space<hbm>>
        %dma_start3A_148 = arith.constant 9984 : i32
        %dma_start3A_149 = arith.constant 0 : i32
        %dma_start3A_150 = tpu.memref_slice %arg15[%dma_start3A_148, %dma_start3A_149] : memref<10000x64xf32, #tpu.memory_space<vmem_shared>> -> memref<16x64xf32, #tpu.memory_space<vmem_shared>>
        tpu.enqueue_dma source(%dma_start3A_150 : memref<16x64xf32, #tpu.memory_space<vmem_shared>>) target(%dma_start3A_147 : memref<16x64xf32, #tpu.memory_space<hbm>>) target_semaphore(%run_scoped3A_144 : memref<!tpu.dma_semaphore, #tpu.memory_space<semaphore_mem>>)
        %dma_wait3A_151 = arith.constant 9984 : i32
        %dma_wait3A_152 = arith.constant 0 : i32
        %dma_wait3A_153 = tpu.memref_slice %arg9[%dma_wait3A_151, %dma_wait3A_152] : memref<10000x64xf32, #tpu.memory_space<hbm>> -> memref<16x64xf32, #tpu.memory_space<hbm>>
        %dma_wait3A_154 = arith.constant 9984 : i32
        %dma_wait3A_155 = arith.constant 0 : i32
        %dma_wait3A_156 = tpu.memref_slice %arg15[%dma_wait3A_154, %dma_wait3A_155] : memref<10000x64xf32, #tpu.memory_space<vmem_shared>> -> memref<16x64xf32, #tpu.memory_space<vmem_shared>>
        tpu.wait_dma2 semaphore(%run_scoped3A_144 : memref<!tpu.dma_semaphore, #tpu.memory_space<semaphore_mem>>) src(%dma_wait3A_156 : memref<16x64xf32, #tpu.memory_space<vmem_shared>>) dst(%dma_wait3A_153 : memref<16x64xf32, #tpu.memory_space<hbm>>)
        tpu.yield
      }) : () -> ()
    } else {
    }
    return
  }
}

#map = affine_map<(d0, d1) -> (0, 0)>
#map1 = affine_map<(d0, d1) -> (0, 0, 0)>
module attributes {stable_mosaic.version = 14 : i64} {
  func.func @_agg_kernel(%arg0: i32, %arg1: i32, %arg2: memref<10000x64xf32, #tpu.memory_space<hbm>>, %arg3: memref<10000x64xf32, #tpu.memory_space<hbm>>, %arg4: memref<32x125x80xi32, #tpu.memory_space<hbm>>, %arg5: memref<32x125x80xi32, #tpu.memory_space<hbm>>, %arg6: memref<10000x64xf32, #tpu.memory_space<hbm>>, %arg7: memref<10000x64xf32, #tpu.memory_space<hbm>>, %arg8: memref<10000x64xf32, #tpu.memory_space<hbm>>, %arg9: memref<10000x64xf32, #tpu.memory_space<hbm>>, %arg10: memref<125x80xi32, #tpu.memory_space<vmem>>, %arg11: memref<125x80xi32, #tpu.memory_space<vmem>>, %arg12: memref<80x64xf32, #tpu.memory_space<vmem>>, %arg13: memref<80x64xf32, #tpu.memory_space<vmem>>, %arg14: memref<80x64xf32, #tpu.memory_space<vmem>>, %arg15: memref<10000x64xf32, #tpu.memory_space<vmem_shared>>, %arg16: memref<!tpu.dma_semaphore, #tpu.memory_space<semaphore_mem>>, %arg17: memref<!tpu.dma_semaphore, #tpu.memory_space<semaphore_mem>>) attributes {dimension_semantics = [#tpu.dimension_semantics<core_parallel>, #tpu.dimension_semantics<subcore_parallel>], iteration_bounds = array<i64: 2, 16>, scalar_prefetch = 0 : i64, scratch_operands = 8 : i64, tpu.core_type = #tpu.core_type<sc_vector_subcore>, window_params = [{transform_indices = #map}, {transform_indices = #map}, {transform_indices = #map1}, {transform_indices = #map1}, {transform_indices = #map}, {transform_indices = #map}, {transform_indices = #map}, {transform_indices = #map}]} {
    %mul3A = arith.constant 2 : i32
    %mul3A_0 = arith.muli %arg1, %mul3A : i32
    %add3A = arith.addi %mul3A_0, %arg0 : i32
    %mul3A_1 = arith.constant 624 : i32
    %mul3A_2 = arith.muli %arg1, %mul3A_1 : i32
    "tpu.region"() ({
      %run_scoped3A_144 = tpu.sem_alloc : memref<!tpu.dma_semaphore, #tpu.memory_space<semaphore_mem>>
      %dma_start3A_145 = arith.constant 0 : i32
      %dma_start3A_146 = arith.constant 0 : i32
      %dma_start3A_147 = tpu.memref_slice %arg4[%add3A, %dma_start3A_145, %dma_start3A_146] : memref<32x125x80xi32, #tpu.memory_space<hbm>> -> memref<1x125x80xi32, #tpu.memory_space<hbm>>
      %dma_start3A_148 = tpu.memref_squeeze %dma_start3A_147 : memref<1x125x80xi32, #tpu.memory_space<hbm>> -> memref<125x80xi32, #tpu.memory_space<hbm>>
      %dma_start3A_149 = arith.constant 0 : i32
      %dma_start3A_150 = arith.constant 0 : i32
      %dma_start3A_151 = tpu.memref_slice %arg4[%add3A, %dma_start3A_149, %dma_start3A_150] : memref<32x125x80xi32, #tpu.memory_space<hbm>> -> memref<1x125x80xi32, #tpu.memory_space<hbm>>
      %dma_start3A_152 = tpu.memref_squeeze %dma_start3A_151 : memref<1x125x80xi32, #tpu.memory_space<hbm>> -> memref<125x80xi32, #tpu.memory_space<hbm>>
      tpu.enqueue_dma source(%dma_start3A_152 : memref<125x80xi32, #tpu.memory_space<hbm>>) target(%arg10 : memref<125x80xi32, #tpu.memory_space<vmem>>) target_semaphore(%run_scoped3A_144 : memref<!tpu.dma_semaphore, #tpu.memory_space<semaphore_mem>>)
      %dma_wait3A_153 = arith.constant 0 : i32
      %dma_wait3A_154 = arith.constant 0 : i32
      %dma_wait3A_155 = tpu.memref_slice %arg4[%add3A, %dma_wait3A_153, %dma_wait3A_154] : memref<32x125x80xi32, #tpu.memory_space<hbm>> -> memref<1x125x80xi32, #tpu.memory_space<hbm>>
      %dma_wait3A_156 = tpu.memref_squeeze %dma_wait3A_155 : memref<1x125x80xi32, #tpu.memory_space<hbm>> -> memref<125x80xi32, #tpu.memory_space<hbm>>
      %dma_wait3A_157 = arith.constant 0 : i32
      %dma_wait3A_158 = arith.constant 0 : i32
      %dma_wait3A_159 = tpu.memref_slice %arg4[%add3A, %dma_wait3A_157, %dma_wait3A_158] : memref<32x125x80xi32, #tpu.memory_space<hbm>> -> memref<1x125x80xi32, #tpu.memory_space<hbm>>
      %dma_wait3A_160 = tpu.memref_squeeze %dma_wait3A_159 : memref<1x125x80xi32, #tpu.memory_space<hbm>> -> memref<125x80xi32, #tpu.memory_space<hbm>>
      tpu.wait_dma2 semaphore(%run_scoped3A_144 : memref<!tpu.dma_semaphore, #tpu.memory_space<semaphore_mem>>) src(%dma_wait3A_160 : memref<125x80xi32, #tpu.memory_space<hbm>>) dst(%arg10 : memref<125x80xi32, #tpu.memory_space<vmem>>)
      tpu.yield
    }) : () -> ()
    "tpu.region"() ({
      %run_scoped3A_144 = tpu.sem_alloc : memref<!tpu.dma_semaphore, #tpu.memory_space<semaphore_mem>>
      %dma_start3A_145 = arith.constant 0 : i32
      %dma_start3A_146 = arith.constant 0 : i32
      %dma_start3A_147 = tpu.memref_slice %arg5[%add3A, %dma_start3A_145, %dma_start3A_146] : memref<32x125x80xi32, #tpu.memory_space<hbm>> -> memref<1x125x80xi32, #tpu.memory_space<hbm>>
      %dma_start3A_148 = tpu.memref_squeeze %dma_start3A_147 : memref<1x125x80xi32, #tpu.memory_space<hbm>> -> memref<125x80xi32, #tpu.memory_space<hbm>>
      %dma_start3A_149 = arith.constant 0 : i32
      %dma_start3A_150 = arith.constant 0 : i32
      %dma_start3A_151 = tpu.memref_slice %arg5[%add3A, %dma_start3A_149, %dma_start3A_150] : memref<32x125x80xi32, #tpu.memory_space<hbm>> -> memref<1x125x80xi32, #tpu.memory_space<hbm>>
      %dma_start3A_152 = tpu.memref_squeeze %dma_start3A_151 : memref<1x125x80xi32, #tpu.memory_space<hbm>> -> memref<125x80xi32, #tpu.memory_space<hbm>>
      tpu.enqueue_dma source(%dma_start3A_152 : memref<125x80xi32, #tpu.memory_space<hbm>>) target(%arg11 : memref<125x80xi32, #tpu.memory_space<vmem>>) target_semaphore(%run_scoped3A_144 : memref<!tpu.dma_semaphore, #tpu.memory_space<semaphore_mem>>)
      %dma_wait3A_153 = arith.constant 0 : i32
      %dma_wait3A_154 = arith.constant 0 : i32
      %dma_wait3A_155 = tpu.memref_slice %arg5[%add3A, %dma_wait3A_153, %dma_wait3A_154] : memref<32x125x80xi32, #tpu.memory_space<hbm>> -> memref<1x125x80xi32, #tpu.memory_space<hbm>>
      %dma_wait3A_156 = tpu.memref_squeeze %dma_wait3A_155 : memref<1x125x80xi32, #tpu.memory_space<hbm>> -> memref<125x80xi32, #tpu.memory_space<hbm>>
      %dma_wait3A_157 = arith.constant 0 : i32
      %dma_wait3A_158 = arith.constant 0 : i32
      %dma_wait3A_159 = tpu.memref_slice %arg5[%add3A, %dma_wait3A_157, %dma_wait3A_158] : memref<32x125x80xi32, #tpu.memory_space<hbm>> -> memref<1x125x80xi32, #tpu.memory_space<hbm>>
      %dma_wait3A_160 = tpu.memref_squeeze %dma_wait3A_159 : memref<1x125x80xi32, #tpu.memory_space<hbm>> -> memref<125x80xi32, #tpu.memory_space<hbm>>
      tpu.wait_dma2 semaphore(%run_scoped3A_144 : memref<!tpu.dma_semaphore, #tpu.memory_space<semaphore_mem>>) src(%dma_wait3A_160 : memref<125x80xi32, #tpu.memory_space<hbm>>) dst(%arg11 : memref<125x80xi32, #tpu.memory_space<vmem>>)
      tpu.yield
    }) : () -> ()
    %broadcast_in_dim3A = arith.constant 0.000000e+00 : f32
    %broadcast_in_dim3A_3 = vector.broadcast %broadcast_in_dim3A : f32 to vector<16xf32>
    %scan3A = arith.constant 0 : i32
    %scan3A_4 = arith.constant 0 : i32
    %scan3A_5 = arith.constant 80 : i32
    %scan3A_6 = arith.addi %scan3A_4, %scan3A_5 : i32
    %scan3A_7 = arith.constant 1 : i32
    %scan3A_8 = scf.for %scan3A_144 = %scan3A_4 to %scan3A_6 step %scan3A_7 iter_args(%scan3A_145 = %scan3A) -> (i32)  : i32 {
      %swap3A = arith.index_cast %scan3A_144 : i32 to index
      %swap3A_146 = arith.constant 0 : index
      %swap3A_147 = tpu.vector_load %arg14[%swap3A, %swap3A_146] {strides = array<i32>} : memref<80x64xf32, #tpu.memory_space<vmem>>, vector<1x16xf32>,
      %swap3A_148 = vector.shape_cast %swap3A_147 : vector<1x16xf32> to vector<16xf32>
      %swap3A_149 = vector.shape_cast %broadcast_in_dim3A_3 : vector<16xf32> to vector<1x16xf32>
      tpu.vector_store %arg14[%swap3A, %swap3A_146], %swap3A_149 {strides = array<i32>} : memref<80x64xf32, #tpu.memory_space<vmem>>, vector<1x16xf32>,
      %swap3A_150 = arith.index_cast %scan3A_144 : i32 to index
      %swap3A_151 = arith.constant 16 : index
      %swap3A_152 = tpu.vector_load %arg14[%swap3A_150, %swap3A_151] {strides = array<i32>} : memref<80x64xf32, #tpu.memory_space<vmem>>, vector<1x16xf32>,
      %swap3A_153 = vector.shape_cast %swap3A_152 : vector<1x16xf32> to vector<16xf32>
      %swap3A_154 = vector.shape_cast %broadcast_in_dim3A_3 : vector<16xf32> to vector<1x16xf32>
      tpu.vector_store %arg14[%swap3A_150, %swap3A_151], %swap3A_154 {strides = array<i32>} : memref<80x64xf32, #tpu.memory_space<vmem>>, vector<1x16xf32>,
      %swap3A_155 = arith.index_cast %scan3A_144 : i32 to index
      %swap3A_156 = arith.constant 32 : index
      %swap3A_157 = tpu.vector_load %arg14[%swap3A_155, %swap3A_156] {strides = array<i32>} : memref<80x64xf32, #tpu.memory_space<vmem>>, vector<1x16xf32>,
      %swap3A_158 = vector.shape_cast %swap3A_157 : vector<1x16xf32> to vector<16xf32>
      %swap3A_159 = vector.shape_cast %broadcast_in_dim3A_3 : vector<16xf32> to vector<1x16xf32>
      tpu.vector_store %arg14[%swap3A_155, %swap3A_156], %swap3A_159 {strides = array<i32>} : memref<80x64xf32, #tpu.memory_space<vmem>>, vector<1x16xf32>,
      %swap3A_160 = arith.index_cast %scan3A_144 : i32 to index
      %swap3A_161 = arith.constant 48 : index
      %swap3A_162 = tpu.vector_load %arg14[%swap3A_160, %swap3A_161] {strides = array<i32>} : memref<80x64xf32, #tpu.memory_space<vmem>>, vector<1x16xf32>,
      %swap3A_163 = vector.shape_cast %swap3A_162 : vector<1x16xf32> to vector<16xf32>
      %swap3A_164 = vector.shape_cast %broadcast_in_dim3A_3 : vector<16xf32> to vector<1x16xf32>
      tpu.vector_store %arg14[%swap3A_160, %swap3A_161], %swap3A_164 {strides = array<i32>} : memref<80x64xf32, #tpu.memory_space<vmem>>, vector<1x16xf32>,
      %scan3A_165 = arith.constant 0 : i32
      scf.yield %scan3A_165 : i32
    }
    %scan3A_9 = arith.constant 80 : i32
    %add3A_10 = arith.constant 0 : i32
    %add3A_11 = arith.addi %mul3A_2, %add3A_10 : i32
    "tpu.region"() ({
      %run_scoped3A_144 = tpu.sem_alloc : memref<!tpu.dma_semaphore, #tpu.memory_space<semaphore_mem>>
      %dma_start3A_145 = arith.constant 0 : i32
      %dma_start3A_146 = tpu.memref_slice %arg15[%add3A_11, %dma_start3A_145] : memref<10000x64xf32, #tpu.memory_space<vmem_shared>> -> memref<80x64xf32, #tpu.memory_space<vmem_shared>>
      %dma_start3A_147 = arith.constant 0 : i32
      %dma_start3A_148 = tpu.memref_slice %arg15[%add3A_11, %dma_start3A_147] : memref<10000x64xf32, #tpu.memory_space<vmem_shared>> -> memref<80x64xf32, #tpu.memory_space<vmem_shared>>
      tpu.enqueue_dma source(%arg14 : memref<80x64xf32, #tpu.memory_space<vmem>>) target(%dma_start3A_148 : memref<80x64xf32, #tpu.memory_space<vmem_shared>>) target_semaphore(%run_scoped3A_144 : memref<!tpu.dma_semaphore, #tpu.memory_space<semaphore_mem>>)
      %dma_wait3A_149 = arith.constant 0 : i32
      %dma_wait3A_150 = tpu.memref_slice %arg15[%add3A_11, %dma_wait3A_149] : memref<10000x64xf32, #tpu.memory_space<vmem_shared>> -> memref<80x64xf32, #tpu.memory_space<vmem_shared>>
      %dma_wait3A_151 = arith.constant 0 : i32
      %dma_wait3A_152 = tpu.memref_slice %arg15[%add3A_11, %dma_wait3A_151] : memref<10000x64xf32, #tpu.memory_space<vmem_shared>> -> memref<80x64xf32, #tpu.memory_space<vmem_shared>>
      tpu.wait_dma2 semaphore(%run_scoped3A_144 : memref<!tpu.dma_semaphore, #tpu.memory_space<semaphore_mem>>) src(%arg14 : memref<80x64xf32, #tpu.memory_space<vmem>>) dst(%dma_wait3A_152 : memref<80x64xf32, #tpu.memory_space<vmem_shared>>)
      tpu.yield
    }) : () -> ()
    %add3A_12 = arith.constant 80 : i32
    %add3A_13 = arith.addi %mul3A_2, %add3A_12 : i32
    "tpu.region"() ({
      %run_scoped3A_144 = tpu.sem_alloc : memref<!tpu.dma_semaphore, #tpu.memory_space<semaphore_mem>>
      %dma_start3A_145 = arith.constant 0 : i32
      %dma_start3A_146 = tpu.memref_slice %arg15[%add3A_13, %dma_start3A_145] : memref<10000x64xf32, #tpu.memory_space<vmem_shared>> -> memref<80x64xf32, #tpu.memory_space<vmem_shared>>
      %dma_start3A_147 = arith.constant 0 : i32
      %dma_start3A_148 = tpu.memref_slice %arg15[%add3A_13, %dma_start3A_147] : memref<10000x64xf32, #tpu.memory_space<vmem_shared>> -> memref<80x64xf32, #tpu.memory_space<vmem_shared>>
      tpu.enqueue_dma source(%arg14 : memref<80x64xf32, #tpu.memory_space<vmem>>) target(%dma_start3A_148 : memref<80x64xf32, #tpu.memory_space<vmem_shared>>) target_semaphore(%run_scoped3A_144 : memref<!tpu.dma_semaphore, #tpu.memory_space<semaphore_mem>>)
      %dma_wait3A_149 = arith.constant 0 : i32
      %dma_wait3A_150 = tpu.memref_slice %arg15[%add3A_13, %dma_wait3A_149] : memref<10000x64xf32, #tpu.memory_space<vmem_shared>> -> memref<80x64xf32, #tpu.memory_space<vmem_shared>>
      %dma_wait3A_151 = arith.constant 0 : i32
      %dma_wait3A_152 = tpu.memref_slice %arg15[%add3A_13, %dma_wait3A_151] : memref<10000x64xf32, #tpu.memory_space<vmem_shared>> -> memref<80x64xf32, #tpu.memory_space<vmem_shared>>
      tpu.wait_dma2 semaphore(%run_scoped3A_144 : memref<!tpu.dma_semaphore, #tpu.memory_space<semaphore_mem>>) src(%arg14 : memref<80x64xf32, #tpu.memory_space<vmem>>) dst(%dma_wait3A_152 : memref<80x64xf32, #tpu.memory_space<vmem_shared>>)
      tpu.yield
    }) : () -> ()
    %add3A_14 = arith.constant 160 : i32
    %add3A_15 = arith.addi %mul3A_2, %add3A_14 : i32
    "tpu.region"() ({
      %run_scoped3A_144 = tpu.sem_alloc : memref<!tpu.dma_semaphore, #tpu.memory_space<semaphore_mem>>
      %dma_start3A_145 = arith.constant 0 : i32
      %dma_start3A_146 = tpu.memref_slice %arg15[%add3A_15, %dma_start3A_145] : memref<10000x64xf32, #tpu.memory_space<vmem_shared>> -> memref<80x64xf32, #tpu.memory_space<vmem_shared>>
      %dma_start3A_147 = arith.constant 0 : i32
      %dma_start3A_148 = tpu.memref_slice %arg15[%add3A_15, %dma_start3A_147] : memref<10000x64xf32, #tpu.memory_space<vmem_shared>> -> memref<80x64xf32, #tpu.memory_space<vmem_shared>>
      tpu.enqueue_dma source(%arg14 : memref<80x64xf32, #tpu.memory_space<vmem>>) target(%dma_start3A_148 : memref<80x64xf32, #tpu.memory_space<vmem_shared>>) target_semaphore(%run_scoped3A_144 : memref<!tpu.dma_semaphore, #tpu.memory_space<semaphore_mem>>)
      %dma_wait3A_149 = arith.constant 0 : i32
      %dma_wait3A_150 = tpu.memref_slice %arg15[%add3A_15, %dma_wait3A_149] : memref<10000x64xf32, #tpu.memory_space<vmem_shared>> -> memref<80x64xf32, #tpu.memory_space<vmem_shared>>
      %dma_wait3A_151 = arith.constant 0 : i32
      %dma_wait3A_152 = tpu.memref_slice %arg15[%add3A_15, %dma_wait3A_151] : memref<10000x64xf32, #tpu.memory_space<vmem_shared>> -> memref<80x64xf32, #tpu.memory_space<vmem_shared>>
      tpu.wait_dma2 semaphore(%run_scoped3A_144 : memref<!tpu.dma_semaphore, #tpu.memory_space<semaphore_mem>>) src(%arg14 : memref<80x64xf32, #tpu.memory_space<vmem>>) dst(%dma_wait3A_152 : memref<80x64xf32, #tpu.memory_space<vmem_shared>>)
      tpu.yield
    }) : () -> ()
    %add3A_16 = arith.constant 240 : i32
    %add3A_17 = arith.addi %mul3A_2, %add3A_16 : i32
    "tpu.region"() ({
      %run_scoped3A_144 = tpu.sem_alloc : memref<!tpu.dma_semaphore, #tpu.memory_space<semaphore_mem>>
      %dma_start3A_145 = arith.constant 0 : i32
      %dma_start3A_146 = tpu.memref_slice %arg15[%add3A_17, %dma_start3A_145] : memref<10000x64xf32, #tpu.memory_space<vmem_shared>> -> memref<80x64xf32, #tpu.memory_space<vmem_shared>>
      %dma_start3A_147 = arith.constant 0 : i32
      %dma_start3A_148 = tpu.memref_slice %arg15[%add3A_17, %dma_start3A_147] : memref<10000x64xf32, #tpu.memory_space<vmem_shared>> -> memref<80x64xf32, #tpu.memory_space<vmem_shared>>
      tpu.enqueue_dma source(%arg14 : memref<80x64xf32, #tpu.memory_space<vmem>>) target(%dma_start3A_148 : memref<80x64xf32, #tpu.memory_space<vmem_shared>>) target_semaphore(%run_scoped3A_144 : memref<!tpu.dma_semaphore, #tpu.memory_space<semaphore_mem>>)
      %dma_wait3A_149 = arith.constant 0 : i32
      %dma_wait3A_150 = tpu.memref_slice %arg15[%add3A_17, %dma_wait3A_149] : memref<10000x64xf32, #tpu.memory_space<vmem_shared>> -> memref<80x64xf32, #tpu.memory_space<vmem_shared>>
      %dma_wait3A_151 = arith.constant 0 : i32
      %dma_wait3A_152 = tpu.memref_slice %arg15[%add3A_17, %dma_wait3A_151] : memref<10000x64xf32, #tpu.memory_space<vmem_shared>> -> memref<80x64xf32, #tpu.memory_space<vmem_shared>>
      tpu.wait_dma2 semaphore(%run_scoped3A_144 : memref<!tpu.dma_semaphore, #tpu.memory_space<semaphore_mem>>) src(%arg14 : memref<80x64xf32, #tpu.memory_space<vmem>>) dst(%dma_wait3A_152 : memref<80x64xf32, #tpu.memory_space<vmem_shared>>)
      tpu.yield
    }) : () -> ()
    %add3A_18 = arith.constant 320 : i32
    %add3A_19 = arith.addi %mul3A_2, %add3A_18 : i32
    "tpu.region"() ({
      %run_scoped3A_144 = tpu.sem_alloc : memref<!tpu.dma_semaphore, #tpu.memory_space<semaphore_mem>>
      %dma_start3A_145 = arith.constant 0 : i32
      %dma_start3A_146 = tpu.memref_slice %arg15[%add3A_19, %dma_start3A_145] : memref<10000x64xf32, #tpu.memory_space<vmem_shared>> -> memref<80x64xf32, #tpu.memory_space<vmem_shared>>
      %dma_start3A_147 = arith.constant 0 : i32
      %dma_start3A_148 = tpu.memref_slice %arg15[%add3A_19, %dma_start3A_147] : memref<10000x64xf32, #tpu.memory_space<vmem_shared>> -> memref<80x64xf32, #tpu.memory_space<vmem_shared>>
      tpu.enqueue_dma source(%arg14 : memref<80x64xf32, #tpu.memory_space<vmem>>) target(%dma_start3A_148 : memref<80x64xf32, #tpu.memory_space<vmem_shared>>) target_semaphore(%run_scoped3A_144 : memref<!tpu.dma_semaphore, #tpu.memory_space<semaphore_mem>>)
      %dma_wait3A_149 = arith.constant 0 : i32
      %dma_wait3A_150 = tpu.memref_slice %arg15[%add3A_19, %dma_wait3A_149] : memref<10000x64xf32, #tpu.memory_space<vmem_shared>> -> memref<80x64xf32, #tpu.memory_space<vmem_shared>>
      %dma_wait3A_151 = arith.constant 0 : i32
      %dma_wait3A_152 = tpu.memref_slice %arg15[%add3A_19, %dma_wait3A_151] : memref<10000x64xf32, #tpu.memory_space<vmem_shared>> -> memref<80x64xf32, #tpu.memory_space<vmem_shared>>
      tpu.wait_dma2 semaphore(%run_scoped3A_144 : memref<!tpu.dma_semaphore, #tpu.memory_space<semaphore_mem>>) src(%arg14 : memref<80x64xf32, #tpu.memory_space<vmem>>) dst(%dma_wait3A_152 : memref<80x64xf32, #tpu.memory_space<vmem_shared>>)
      tpu.yield
    }) : () -> ()
    %add3A_20 = arith.constant 400 : i32
    %add3A_21 = arith.addi %mul3A_2, %add3A_20 : i32
    "tpu.region"() ({
      %run_scoped3A_144 = tpu.sem_alloc : memref<!tpu.dma_semaphore, #tpu.memory_space<semaphore_mem>>
      %dma_start3A_145 = arith.constant 0 : i32
      %dma_start3A_146 = tpu.memref_slice %arg15[%add3A_21, %dma_start3A_145] : memref<10000x64xf32, #tpu.memory_space<vmem_shared>> -> memref<80x64xf32, #tpu.memory_space<vmem_shared>>
      %dma_start3A_147 = arith.constant 0 : i32
      %dma_start3A_148 = tpu.memref_slice %arg15[%add3A_21, %dma_start3A_147] : memref<10000x64xf32, #tpu.memory_space<vmem_shared>> -> memref<80x64xf32, #tpu.memory_space<vmem_shared>>
      tpu.enqueue_dma source(%arg14 : memref<80x64xf32, #tpu.memory_space<vmem>>) target(%dma_start3A_148 : memref<80x64xf32, #tpu.memory_space<vmem_shared>>) target_semaphore(%run_scoped3A_144 : memref<!tpu.dma_semaphore, #tpu.memory_space<semaphore_mem>>)
      %dma_wait3A_149 = arith.constant 0 : i32
      %dma_wait3A_150 = tpu.memref_slice %arg15[%add3A_21, %dma_wait3A_149] : memref<10000x64xf32, #tpu.memory_space<vmem_shared>> -> memref<80x64xf32, #tpu.memory_space<vmem_shared>>
      %dma_wait3A_151 = arith.constant 0 : i32
      %dma_wait3A_152 = tpu.memref_slice %arg15[%add3A_21, %dma_wait3A_151] : memref<10000x64xf32, #tpu.memory_space<vmem_shared>> -> memref<80x64xf32, #tpu.memory_space<vmem_shared>>
      tpu.wait_dma2 semaphore(%run_scoped3A_144 : memref<!tpu.dma_semaphore, #tpu.memory_space<semaphore_mem>>) src(%arg14 : memref<80x64xf32, #tpu.memory_space<vmem>>) dst(%dma_wait3A_152 : memref<80x64xf32, #tpu.memory_space<vmem_shared>>)
      tpu.yield
    }) : () -> ()
    %add3A_22 = arith.constant 480 : i32
    %add3A_23 = arith.addi %mul3A_2, %add3A_22 : i32
    "tpu.region"() ({
      %run_scoped3A_144 = tpu.sem_alloc : memref<!tpu.dma_semaphore, #tpu.memory_space<semaphore_mem>>
      %dma_start3A_145 = arith.constant 0 : i32
      %dma_start3A_146 = tpu.memref_slice %arg15[%add3A_23, %dma_start3A_145] : memref<10000x64xf32, #tpu.memory_space<vmem_shared>> -> memref<80x64xf32, #tpu.memory_space<vmem_shared>>
      %dma_start3A_147 = arith.constant 0 : i32
      %dma_start3A_148 = tpu.memref_slice %arg15[%add3A_23, %dma_start3A_147] : memref<10000x64xf32, #tpu.memory_space<vmem_shared>> -> memref<80x64xf32, #tpu.memory_space<vmem_shared>>
      tpu.enqueue_dma source(%arg14 : memref<80x64xf32, #tpu.memory_space<vmem>>) target(%dma_start3A_148 : memref<80x64xf32, #tpu.memory_space<vmem_shared>>) target_semaphore(%run_scoped3A_144 : memref<!tpu.dma_semaphore, #tpu.memory_space<semaphore_mem>>)
      %dma_wait3A_149 = arith.constant 0 : i32
      %dma_wait3A_150 = tpu.memref_slice %arg15[%add3A_23, %dma_wait3A_149] : memref<10000x64xf32, #tpu.memory_space<vmem_shared>> -> memref<80x64xf32, #tpu.memory_space<vmem_shared>>
      %dma_wait3A_151 = arith.constant 0 : i32
      %dma_wait3A_152 = tpu.memref_slice %arg15[%add3A_23, %dma_wait3A_151] : memref<10000x64xf32, #tpu.memory_space<vmem_shared>> -> memref<80x64xf32, #tpu.memory_space<vmem_shared>>
      tpu.wait_dma2 semaphore(%run_scoped3A_144 : memref<!tpu.dma_semaphore, #tpu.memory_space<semaphore_mem>>) src(%arg14 : memref<80x64xf32, #tpu.memory_space<vmem>>) dst(%dma_wait3A_152 : memref<80x64xf32, #tpu.memory_space<vmem_shared>>)
      tpu.yield
    }) : () -> ()
    %add3A_24 = arith.constant 560 : i32
    %add3A_25 = arith.addi %mul3A_2, %add3A_24 : i32
    "tpu.region"() ({
      %run_scoped3A_144 = tpu.sem_alloc : memref<!tpu.dma_semaphore, #tpu.memory_space<semaphore_mem>>
      %dma_start3A_145 = arith.constant 0 : i32
      %dma_start3A_146 = arith.constant 0 : i32
      %dma_start3A_147 = tpu.memref_slice %arg14[%dma_start3A_145, %dma_start3A_146] : memref<80x64xf32, #tpu.memory_space<vmem>> -> memref<64x64xf32, #tpu.memory_space<vmem>>
      %dma_start3A_148 = arith.constant 0 : i32
      %dma_start3A_149 = tpu.memref_slice %arg15[%add3A_25, %dma_start3A_148] : memref<10000x64xf32, #tpu.memory_space<vmem_shared>> -> memref<64x64xf32, #tpu.memory_space<vmem_shared>>
      %dma_start3A_150 = arith.constant 0 : i32
      %dma_start3A_151 = tpu.memref_slice %arg15[%add3A_25, %dma_start3A_150] : memref<10000x64xf32, #tpu.memory_space<vmem_shared>> -> memref<64x64xf32, #tpu.memory_space<vmem_shared>>
      %dma_start3A_152 = arith.constant 0 : i32
      %dma_start3A_153 = arith.constant 0 : i32
      %dma_start3A_154 = tpu.memref_slice %arg14[%dma_start3A_152, %dma_start3A_153] : memref<80x64xf32, #tpu.memory_space<vmem>> -> memref<64x64xf32, #tpu.memory_space<vmem>>
      tpu.enqueue_dma source(%dma_start3A_154 : memref<64x64xf32, #tpu.memory_space<vmem>>) target(%dma_start3A_151 : memref<64x64xf32, #tpu.memory_space<vmem_shared>>) target_semaphore(%run_scoped3A_144 : memref<!tpu.dma_semaphore, #tpu.memory_space<semaphore_mem>>)
      %dma_wait3A_155 = arith.constant 0 : i32
      %dma_wait3A_156 = arith.constant 0 : i32
      %dma_wait3A_157 = tpu.memref_slice %arg14[%dma_wait3A_155, %dma_wait3A_156] : memref<80x64xf32, #tpu.memory_space<vmem>> -> memref<64x64xf32, #tpu.memory_space<vmem>>
      %dma_wait3A_158 = arith.constant 0 : i32
      %dma_wait3A_159 = tpu.memref_slice %arg15[%add3A_25, %dma_wait3A_158] : memref<10000x64xf32, #tpu.memory_space<vmem_shared>> -> memref<64x64xf32, #tpu.memory_space<vmem_shared>>
      %dma_wait3A_160 = arith.constant 0 : i32
      %dma_wait3A_161 = tpu.memref_slice %arg15[%add3A_25, %dma_wait3A_160] : memref<10000x64xf32, #tpu.memory_space<vmem_shared>> -> memref<64x64xf32, #tpu.memory_space<vmem_shared>>
      %dma_wait3A_162 = arith.constant 0 : i32
      %dma_wait3A_163 = arith.constant 0 : i32
      %dma_wait3A_164 = tpu.memref_slice %arg14[%dma_wait3A_162, %dma_wait3A_163] : memref<80x64xf32, #tpu.memory_space<vmem>> -> memref<64x64xf32, #tpu.memory_space<vmem>>
      tpu.wait_dma2 semaphore(%run_scoped3A_144 : memref<!tpu.dma_semaphore, #tpu.memory_space<semaphore_mem>>) src(%dma_wait3A_164 : memref<64x64xf32, #tpu.memory_space<vmem>>) dst(%dma_wait3A_161 : memref<64x64xf32, #tpu.memory_space<vmem_shared>>)
      tpu.yield
    }) : () -> ()
    %eq3A = arith.constant 0 : i32
    %eq3A_26 = arith.cmpi eq, %arg1, %eq3A : i32
    %convert_element_type3A = arith.extui %eq3A_26 : i1 to i32
    %cond3A = arith.constant 0 : i32
    %cond3A_27 = arith.cmpi ne, %convert_element_type3A, %cond3A : i32
    scf.if %cond3A_27 {
      "tpu.region"() ({
        %run_scoped3A_144 = tpu.sem_alloc : memref<!tpu.dma_semaphore, #tpu.memory_space<semaphore_mem>>
        %dma_start3A_145 = arith.constant 0 : i32
        %dma_start3A_146 = arith.constant 0 : i32
        %dma_start3A_147 = tpu.memref_slice %arg14[%dma_start3A_145, %dma_start3A_146] : memref<80x64xf32, #tpu.memory_space<vmem>> -> memref<16x64xf32, #tpu.memory_space<vmem>>
        %dma_start3A_148 = arith.constant 9984 : i32
        %dma_start3A_149 = arith.constant 0 : i32
        %dma_start3A_150 = tpu.memref_slice %arg15[%dma_start3A_148, %dma_start3A_149] : memref<10000x64xf32, #tpu.memory_space<vmem_shared>> -> memref<16x64xf32, #tpu.memory_space<vmem_shared>>
        %dma_start3A_151 = arith.constant 9984 : i32
        %dma_start3A_152 = arith.constant 0 : i32
        %dma_start3A_153 = tpu.memref_slice %arg15[%dma_start3A_151, %dma_start3A_152] : memref<10000x64xf32, #tpu.memory_space<vmem_shared>> -> memref<16x64xf32, #tpu.memory_space<vmem_shared>>
        %dma_start3A_154 = arith.constant 0 : i32
        %dma_start3A_155 = arith.constant 0 : i32
        %dma_start3A_156 = tpu.memref_slice %arg14[%dma_start3A_154, %dma_start3A_155] : memref<80x64xf32, #tpu.memory_space<vmem>> -> memref<16x64xf32, #tpu.memory_space<vmem>>
        tpu.enqueue_dma source(%dma_start3A_156 : memref<16x64xf32, #tpu.memory_space<vmem>>) target(%dma_start3A_153 : memref<16x64xf32, #tpu.memory_space<vmem_shared>>) target_semaphore(%run_scoped3A_144 : memref<!tpu.dma_semaphore, #tpu.memory_space<semaphore_mem>>)
        %dma_wait3A_157 = arith.constant 0 : i32
        %dma_wait3A_158 = arith.constant 0 : i32
        %dma_wait3A_159 = tpu.memref_slice %arg14[%dma_wait3A_157, %dma_wait3A_158] : memref<80x64xf32, #tpu.memory_space<vmem>> -> memref<16x64xf32, #tpu.memory_space<vmem>>
        %dma_wait3A_160 = arith.constant 9984 : i32
        %dma_wait3A_161 = arith.constant 0 : i32
        %dma_wait3A_162 = tpu.memref_slice %arg15[%dma_wait3A_160, %dma_wait3A_161] : memref<10000x64xf32, #tpu.memory_space<vmem_shared>> -> memref<16x64xf32, #tpu.memory_space<vmem_shared>>
        %dma_wait3A_163 = arith.constant 9984 : i32
        %dma_wait3A_164 = arith.constant 0 : i32
        %dma_wait3A_165 = tpu.memref_slice %arg15[%dma_wait3A_163, %dma_wait3A_164] : memref<10000x64xf32, #tpu.memory_space<vmem_shared>> -> memref<16x64xf32, #tpu.memory_space<vmem_shared>>
        %dma_wait3A_166 = arith.constant 0 : i32
        %dma_wait3A_167 = arith.constant 0 : i32
        %dma_wait3A_168 = tpu.memref_slice %arg14[%dma_wait3A_166, %dma_wait3A_167] : memref<80x64xf32, #tpu.memory_space<vmem>> -> memref<16x64xf32, #tpu.memory_space<vmem>>
        tpu.wait_dma2 semaphore(%run_scoped3A_144 : memref<!tpu.dma_semaphore, #tpu.memory_space<semaphore_mem>>) src(%dma_wait3A_168 : memref<16x64xf32, #tpu.memory_space<vmem>>) dst(%dma_wait3A_165 : memref<16x64xf32, #tpu.memory_space<vmem_shared>>)
        tpu.yield
      }) : () -> ()
    } else {
    }
    %barrier3A = arith.constant 0 : index
    tpu.barrier barrier_id(%barrier3A)
    %dma_start3A = arith.constant 0 : i32
    %dma_start3A_28 = arith.constant 0 : i32
    %dma_start3A_29 = tpu.memref_slice %arg10[%dma_start3A, %dma_start3A_28] : memref<125x80xi32, #tpu.memory_space<vmem>> -> memref<1x80xi32, #tpu.memory_space<vmem>>
    %dma_start3A_30 = tpu.memref_squeeze %dma_start3A_29 : memref<1x80xi32, #tpu.memory_space<vmem>> -> memref<80xi32, #tpu.memory_space<vmem>>
    %dma_start3A_31 = arith.constant 0 : i32
    %dma_start3A_32 = arith.constant 0 : i32
    %dma_start3A_33 = tpu.memref_slice %arg2[%dma_start3A_31, %dma_start3A_32] : memref<10000x64xf32, #tpu.memory_space<hbm>> -> memref<10000x64xf32, #tpu.memory_space<hbm>>
    tpu.enqueue_indirect_dma source(%dma_start3A_33 : memref<10000x64xf32, #tpu.memory_space<hbm>>) target(%arg12 : memref<80x64xf32, #tpu.memory_space<vmem>>) offsets(%dma_start3A_30 : memref<80xi32, #tpu.memory_space<vmem>>) semaphore(%arg16 : memref<!tpu.dma_semaphore, #tpu.memory_space<semaphore_mem>>)
    %scan3A_34 = arith.constant 0 : i32
    %scan3A_35 = arith.constant 0 : i32
    %scan3A_36 = arith.constant 62 : i32
    %scan3A_37 = arith.addi %scan3A_35, %scan3A_36 : i32
    %scan3A_38 = arith.constant 1 : i32
    %scan3A_39 = scf.for %scan3A_144 = %scan3A_35 to %scan3A_37 step %scan3A_38 iter_args(%scan3A_145 = %scan3A_34) -> (i32)  : i32 {
      %mul3A_146 = arith.constant 2 : i32
      %mul3A_147 = arith.muli %mul3A_146, %scan3A_144 : i32
      %add3A_148 = arith.constant 1 : i32
      %add3A_149 = arith.addi %mul3A_147, %add3A_148 : i32
      %dma_start3A_150 = arith.constant 0 : i32
      %dma_start3A_151 = tpu.memref_slice %arg10[%add3A_149, %dma_start3A_150] : memref<125x80xi32, #tpu.memory_space<vmem>> -> memref<1x80xi32, #tpu.memory_space<vmem>>
      %dma_start3A_152 = tpu.memref_squeeze %dma_start3A_151 : memref<1x80xi32, #tpu.memory_space<vmem>> -> memref<80xi32, #tpu.memory_space<vmem>>
      %dma_start3A_153 = arith.constant 0 : i32
      %dma_start3A_154 = arith.constant 0 : i32
      %dma_start3A_155 = tpu.memref_slice %arg2[%dma_start3A_153, %dma_start3A_154] : memref<10000x64xf32, #tpu.memory_space<hbm>> -> memref<10000x64xf32, #tpu.memory_space<hbm>>
      tpu.enqueue_indirect_dma source(%dma_start3A_155 : memref<10000x64xf32, #tpu.memory_space<hbm>>) target(%arg13 : memref<80x64xf32, #tpu.memory_space<vmem>>) offsets(%dma_start3A_152 : memref<80xi32, #tpu.memory_space<vmem>>) semaphore(%arg17 : memref<!tpu.dma_semaphore, #tpu.memory_space<semaphore_mem>>)
      %dma_wait3A_156 = arith.constant 0 : i32
      %dma_wait3A_157 = tpu.memref_slice %arg10[%mul3A_147, %dma_wait3A_156] : memref<125x80xi32, #tpu.memory_space<vmem>> -> memref<1x80xi32, #tpu.memory_space<vmem>>
      %dma_wait3A_158 = tpu.memref_squeeze %dma_wait3A_157 : memref<1x80xi32, #tpu.memory_space<vmem>> -> memref<80xi32, #tpu.memory_space<vmem>>
      %dma_wait3A_159 = arith.constant 0 : i32
      %dma_wait3A_160 = arith.constant 0 : i32
      %dma_wait3A_161 = tpu.memref_slice %arg2[%dma_wait3A_159, %dma_wait3A_160] : memref<10000x64xf32, #tpu.memory_space<hbm>> -> memref<10000x64xf32, #tpu.memory_space<hbm>>
      tpu.wait_indirect_dma semaphore(%arg16 : memref<!tpu.dma_semaphore, #tpu.memory_space<semaphore_mem>>) src(%dma_wait3A_161 : memref<10000x64xf32, #tpu.memory_space<hbm>>) dst(%arg12 : memref<80x64xf32, #tpu.memory_space<vmem>>)
      "tpu.region"() ({
        %run_scoped3A_181 = tpu.sem_alloc : memref<!tpu.dma_semaphore, #tpu.memory_space<semaphore_mem>>
        %dma_start3A_182 = arith.constant 0 : i32
        %dma_start3A_183 = tpu.memref_slice %arg11[%mul3A_147, %dma_start3A_182] : memref<125x80xi32, #tpu.memory_space<vmem>> -> memref<1x80xi32, #tpu.memory_space<vmem>>
        %dma_start3A_184 = tpu.memref_squeeze %dma_start3A_183 : memref<1x80xi32, #tpu.memory_space<vmem>> -> memref<80xi32, #tpu.memory_space<vmem>>
        %dma_start3A_185 = arith.constant 0 : i32
        %dma_start3A_186 = arith.constant 0 : i32
        %dma_start3A_187 = tpu.memref_slice %arg15[%dma_start3A_185, %dma_start3A_186] : memref<10000x64xf32, #tpu.memory_space<vmem_shared>> -> memref<10000x64xf32, #tpu.memory_space<vmem_shared>>
        tpu.enqueue_indirect_dma source(%arg12 : memref<80x64xf32, #tpu.memory_space<vmem>>) target(%dma_start3A_187 : memref<10000x64xf32, #tpu.memory_space<vmem_shared>>) offsets(%dma_start3A_184 : memref<80xi32, #tpu.memory_space<vmem>>) semaphore(%run_scoped3A_181 : memref<!tpu.dma_semaphore, #tpu.memory_space<semaphore_mem>>) {add = true}
        %dma_wait3A_188 = arith.constant 0 : i32
        %dma_wait3A_189 = tpu.memref_slice %arg11[%mul3A_147, %dma_wait3A_188] : memref<125x80xi32, #tpu.memory_space<vmem>> -> memref<1x80xi32, #tpu.memory_space<vmem>>
        %dma_wait3A_190 = tpu.memref_squeeze %dma_wait3A_189 : memref<1x80xi32, #tpu.memory_space<vmem>> -> memref<80xi32, #tpu.memory_space<vmem>>
        %dma_wait3A_191 = arith.constant 0 : i32
        %dma_wait3A_192 = arith.constant 0 : i32
        %dma_wait3A_193 = tpu.memref_slice %arg15[%dma_wait3A_191, %dma_wait3A_192] : memref<10000x64xf32, #tpu.memory_space<vmem_shared>> -> memref<10000x64xf32, #tpu.memory_space<vmem_shared>>
        tpu.wait_indirect_dma semaphore(%run_scoped3A_181 : memref<!tpu.dma_semaphore, #tpu.memory_space<semaphore_mem>>) src(%arg12 : memref<80x64xf32, #tpu.memory_space<vmem>>) dst(%dma_wait3A_193 : memref<10000x64xf32, #tpu.memory_space<vmem_shared>>)
        tpu.yield
      }) : () -> ()
      %add3A_162 = arith.constant 2 : i32
      %add3A_163 = arith.addi %mul3A_147, %add3A_162 : i32
      %dma_start3A_164 = arith.constant 0 : i32
      %dma_start3A_165 = tpu.memref_slice %arg10[%add3A_163, %dma_start3A_164] : memref<125x80xi32, #tpu.memory_space<vmem>> -> memref<1x80xi32, #tpu.memory_space<vmem>>
      %dma_start3A_166 = tpu.memref_squeeze %dma_start3A_165 : memref<1x80xi32, #tpu.memory_space<vmem>> -> memref<80xi32, #tpu.memory_space<vmem>>
      %dma_start3A_167 = arith.constant 0 : i32
      %dma_start3A_168 = arith.constant 0 : i32
      %dma_start3A_169 = tpu.memref_slice %arg2[%dma_start3A_167, %dma_start3A_168] : memref<10000x64xf32, #tpu.memory_space<hbm>> -> memref<10000x64xf32, #tpu.memory_space<hbm>>
      tpu.enqueue_indirect_dma source(%dma_start3A_169 : memref<10000x64xf32, #tpu.memory_space<hbm>>) target(%arg12 : memref<80x64xf32, #tpu.memory_space<vmem>>) offsets(%dma_start3A_166 : memref<80xi32, #tpu.memory_space<vmem>>) semaphore(%arg16 : memref<!tpu.dma_semaphore, #tpu.memory_space<semaphore_mem>>)
      %add3A_170 = arith.constant 1 : i32
      %add3A_171 = arith.addi %mul3A_147, %add3A_170 : i32
      %dma_wait3A_172 = arith.constant 0 : i32
      %dma_wait3A_173 = tpu.memref_slice %arg10[%add3A_171, %dma_wait3A_172] : memref<125x80xi32, #tpu.memory_space<vmem>> -> memref<1x80xi32, #tpu.memory_space<vmem>>
      %dma_wait3A_174 = tpu.memref_squeeze %dma_wait3A_173 : memref<1x80xi32, #tpu.memory_space<vmem>> -> memref<80xi32, #tpu.memory_space<vmem>>
      %dma_wait3A_175 = arith.constant 0 : i32
      %dma_wait3A_176 = arith.constant 0 : i32
      %dma_wait3A_177 = tpu.memref_slice %arg2[%dma_wait3A_175, %dma_wait3A_176] : memref<10000x64xf32, #tpu.memory_space<hbm>> -> memref<10000x64xf32, #tpu.memory_space<hbm>>
      tpu.wait_indirect_dma semaphore(%arg17 : memref<!tpu.dma_semaphore, #tpu.memory_space<semaphore_mem>>) src(%dma_wait3A_177 : memref<10000x64xf32, #tpu.memory_space<hbm>>) dst(%arg13 : memref<80x64xf32, #tpu.memory_space<vmem>>)
      %add3A_178 = arith.constant 1 : i32
      %add3A_179 = arith.addi %mul3A_147, %add3A_178 : i32
      "tpu.region"() ({
        %run_scoped3A_181 = tpu.sem_alloc : memref<!tpu.dma_semaphore, #tpu.memory_space<semaphore_mem>>
        %dma_start3A_182 = arith.constant 0 : i32
        %dma_start3A_183 = tpu.memref_slice %arg11[%add3A_179, %dma_start3A_182] : memref<125x80xi32, #tpu.memory_space<vmem>> -> memref<1x80xi32, #tpu.memory_space<vmem>>
        %dma_start3A_184 = tpu.memref_squeeze %dma_start3A_183 : memref<1x80xi32, #tpu.memory_space<vmem>> -> memref<80xi32, #tpu.memory_space<vmem>>
        %dma_start3A_185 = arith.constant 0 : i32
        %dma_start3A_186 = arith.constant 0 : i32
        %dma_start3A_187 = tpu.memref_slice %arg15[%dma_start3A_185, %dma_start3A_186] : memref<10000x64xf32, #tpu.memory_space<vmem_shared>> -> memref<10000x64xf32, #tpu.memory_space<vmem_shared>>
        tpu.enqueue_indirect_dma source(%arg13 : memref<80x64xf32, #tpu.memory_space<vmem>>) target(%dma_start3A_187 : memref<10000x64xf32, #tpu.memory_space<vmem_shared>>) offsets(%dma_start3A_184 : memref<80xi32, #tpu.memory_space<vmem>>) semaphore(%run_scoped3A_181 : memref<!tpu.dma_semaphore, #tpu.memory_space<semaphore_mem>>) {add = true}
        %dma_wait3A_188 = arith.constant 0 : i32
        %dma_wait3A_189 = tpu.memref_slice %arg11[%add3A_179, %dma_wait3A_188] : memref<125x80xi32, #tpu.memory_space<vmem>> -> memref<1x80xi32, #tpu.memory_space<vmem>>
        %dma_wait3A_190 = tpu.memref_squeeze %dma_wait3A_189 : memref<1x80xi32, #tpu.memory_space<vmem>> -> memref<80xi32, #tpu.memory_space<vmem>>
        %dma_wait3A_191 = arith.constant 0 : i32
        %dma_wait3A_192 = arith.constant 0 : i32
        %dma_wait3A_193 = tpu.memref_slice %arg15[%dma_wait3A_191, %dma_wait3A_192] : memref<10000x64xf32, #tpu.memory_space<vmem_shared>> -> memref<10000x64xf32, #tpu.memory_space<vmem_shared>>
        tpu.wait_indirect_dma semaphore(%run_scoped3A_181 : memref<!tpu.dma_semaphore, #tpu.memory_space<semaphore_mem>>) src(%arg13 : memref<80x64xf32, #tpu.memory_space<vmem>>) dst(%dma_wait3A_193 : memref<10000x64xf32, #tpu.memory_space<vmem_shared>>)
        tpu.yield
      }) : () -> ()
      %scan3A_180 = arith.constant 0 : i32
      scf.yield %scan3A_180 : i32
    }
    %scan3A_40 = arith.constant 62 : i32
    %dma_wait3A = arith.constant 124 : i32
    %dma_wait3A_41 = arith.constant 0 : i32
    %dma_wait3A_42 = tpu.memref_slice %arg10[%dma_wait3A, %dma_wait3A_41] : memref<125x80xi32, #tpu.memory_space<vmem>> -> memref<1x80xi32, #tpu.memory_space<vmem>>
    %dma_wait3A_43 = tpu.memref_squeeze %dma_wait3A_42 : memref<1x80xi32, #tpu.memory_space<vmem>> -> memref<80xi32, #tpu.memory_space<vmem>>
    %dma_wait3A_44 = arith.constant 0 : i32
    %dma_wait3A_45 = arith.constant 0 : i32
    %dma_wait3A_46 = tpu.memref_slice %arg2[%dma_wait3A_44, %dma_wait3A_45] : memref<10000x64xf32, #tpu.memory_space<hbm>> -> memref<10000x64xf32, #tpu.memory_space<hbm>>
    tpu.wait_indirect_dma semaphore(%arg16 : memref<!tpu.dma_semaphore, #tpu.memory_space<semaphore_mem>>) src(%dma_wait3A_46 : memref<10000x64xf32, #tpu.memory_space<hbm>>) dst(%arg12 : memref<80x64xf32, #tpu.memory_space<vmem>>)
    %run_scoped3A = arith.constant 124 : i32
    "tpu.region"() ({
      %run_scoped3A_144 = tpu.sem_alloc : memref<!tpu.dma_semaphore, #tpu.memory_space<semaphore_mem>>
      %dma_start3A_145 = arith.constant 0 : i32
      %dma_start3A_146 = tpu.memref_slice %arg11[%run_scoped3A, %dma_start3A_145] : memref<125x80xi32, #tpu.memory_space<vmem>> -> memref<1x80xi32, #tpu.memory_space<vmem>>
      %dma_start3A_147 = tpu.memref_squeeze %dma_start3A_146 : memref<1x80xi32, #tpu.memory_space<vmem>> -> memref<80xi32, #tpu.memory_space<vmem>>
      %dma_start3A_148 = arith.constant 0 : i32
      %dma_start3A_149 = arith.constant 0 : i32
      %dma_start3A_150 = tpu.memref_slice %arg15[%dma_start3A_148, %dma_start3A_149] : memref<10000x64xf32, #tpu.memory_space<vmem_shared>> -> memref<10000x64xf32, #tpu.memory_space<vmem_shared>>
      tpu.enqueue_indirect_dma source(%arg12 : memref<80x64xf32, #tpu.memory_space<vmem>>) target(%dma_start3A_150 : memref<10000x64xf32, #tpu.memory_space<vmem_shared>>) offsets(%dma_start3A_147 : memref<80xi32, #tpu.memory_space<vmem>>) semaphore(%run_scoped3A_144 : memref<!tpu.dma_semaphore, #tpu.memory_space<semaphore_mem>>) {add = true}
      %dma_wait3A_151 = arith.constant 0 : i32
      %dma_wait3A_152 = tpu.memref_slice %arg11[%run_scoped3A, %dma_wait3A_151] : memref<125x80xi32, #tpu.memory_space<vmem>> -> memref<1x80xi32, #tpu.memory_space<vmem>>
      %dma_wait3A_153 = tpu.memref_squeeze %dma_wait3A_152 : memref<1x80xi32, #tpu.memory_space<vmem>> -> memref<80xi32, #tpu.memory_space<vmem>>
      %dma_wait3A_154 = arith.constant 0 : i32
      %dma_wait3A_155 = arith.constant 0 : i32
      %dma_wait3A_156 = tpu.memref_slice %arg15[%dma_wait3A_154, %dma_wait3A_155] : memref<10000x64xf32, #tpu.memory_space<vmem_shared>> -> memref<10000x64xf32, #tpu.memory_space<vmem_shared>>
      tpu.wait_indirect_dma semaphore(%run_scoped3A_144 : memref<!tpu.dma_semaphore, #tpu.memory_space<semaphore_mem>>) src(%arg12 : memref<80x64xf32, #tpu.memory_space<vmem>>) dst(%dma_wait3A_156 : memref<10000x64xf32, #tpu.memory_space<vmem_shared>>)
      tpu.yield
    }) : () -> ()
    %barrier3A_47 = arith.constant 0 : index
    tpu.barrier barrier_id(%barrier3A_47)
    %eq3A_48 = arith.constant 0 : i32
    %eq3A_49 = arith.cmpi eq, %arg0, %eq3A_48 : i32
    %convert_element_type3A_50 = arith.extui %eq3A_49 : i1 to i32
    %cond3A_51 = arith.constant 0 : i32
    %cond3A_52 = arith.cmpi ne, %convert_element_type3A_50, %cond3A_51 : i32
    scf.if %cond3A_52 {
      "tpu.region"() ({
        %run_scoped3A_144 = tpu.sem_alloc : memref<!tpu.dma_semaphore, #tpu.memory_space<semaphore_mem>>
        %dma_start3A_145 = arith.constant 0 : i32
        %dma_start3A_146 = tpu.memref_slice %arg6[%mul3A_2, %dma_start3A_145] : memref<10000x64xf32, #tpu.memory_space<hbm>> -> memref<624x64xf32, #tpu.memory_space<hbm>>
        %dma_start3A_147 = arith.constant 0 : i32
        %dma_start3A_148 = tpu.memref_slice %arg15[%mul3A_2, %dma_start3A_147] : memref<10000x64xf32, #tpu.memory_space<vmem_shared>> -> memref<624x64xf32, #tpu.memory_space<vmem_shared>>
        tpu.enqueue_dma source(%dma_start3A_148 : memref<624x64xf32, #tpu.memory_space<vmem_shared>>) target(%dma_start3A_146 : memref<624x64xf32, #tpu.memory_space<hbm>>) target_semaphore(%run_scoped3A_144 : memref<!tpu.dma_semaphore, #tpu.memory_space<semaphore_mem>>)
        %dma_wait3A_149 = arith.constant 0 : i32
        %dma_wait3A_150 = tpu.memref_slice %arg6[%mul3A_2, %dma_wait3A_149] : memref<10000x64xf32, #tpu.memory_space<hbm>> -> memref<624x64xf32, #tpu.memory_space<hbm>>
        %dma_wait3A_151 = arith.constant 0 : i32
        %dma_wait3A_152 = tpu.memref_slice %arg15[%mul3A_2, %dma_wait3A_151] : memref<10000x64xf32, #tpu.memory_space<vmem_shared>> -> memref<624x64xf32, #tpu.memory_space<vmem_shared>>
        tpu.wait_dma2 semaphore(%run_scoped3A_144 : memref<!tpu.dma_semaphore, #tpu.memory_space<semaphore_mem>>) src(%dma_wait3A_152 : memref<624x64xf32, #tpu.memory_space<vmem_shared>>) dst(%dma_wait3A_150 : memref<624x64xf32, #tpu.memory_space<hbm>>)
        tpu.yield
      }) : () -> ()
    } else {
    }
    %eq3A_53 = arith.constant 1 : i32
    %eq3A_54 = arith.cmpi eq, %arg0, %eq3A_53 : i32
    %convert_element_type3A_55 = arith.extui %eq3A_54 : i1 to i32
    %cond3A_56 = arith.constant 0 : i32
    %cond3A_57 = arith.cmpi ne, %convert_element_type3A_55, %cond3A_56 : i32
    scf.if %cond3A_57 {
      "tpu.region"() ({
        %run_scoped3A_144 = tpu.sem_alloc : memref<!tpu.dma_semaphore, #tpu.memory_space<semaphore_mem>>
        %dma_start3A_145 = arith.constant 0 : i32
        %dma_start3A_146 = tpu.memref_slice %arg7[%mul3A_2, %dma_start3A_145] : memref<10000x64xf32, #tpu.memory_space<hbm>> -> memref<624x64xf32, #tpu.memory_space<hbm>>
        %dma_start3A_147 = arith.constant 0 : i32
        %dma_start3A_148 = tpu.memref_slice %arg15[%mul3A_2, %dma_start3A_147] : memref<10000x64xf32, #tpu.memory_space<vmem_shared>> -> memref<624x64xf32, #tpu.memory_space<vmem_shared>>
        tpu.enqueue_dma source(%dma_start3A_148 : memref<624x64xf32, #tpu.memory_space<vmem_shared>>) target(%dma_start3A_146 : memref<624x64xf32, #tpu.memory_space<hbm>>) target_semaphore(%run_scoped3A_144 : memref<!tpu.dma_semaphore, #tpu.memory_space<semaphore_mem>>)
        %dma_wait3A_149 = arith.constant 0 : i32
        %dma_wait3A_150 = tpu.memref_slice %arg7[%mul3A_2, %dma_wait3A_149] : memref<10000x64xf32, #tpu.memory_space<hbm>> -> memref<624x64xf32, #tpu.memory_space<hbm>>
        %dma_wait3A_151 = arith.constant 0 : i32
        %dma_wait3A_152 = tpu.memref_slice %arg15[%mul3A_2, %dma_wait3A_151] : memref<10000x64xf32, #tpu.memory_space<vmem_shared>> -> memref<624x64xf32, #tpu.memory_space<vmem_shared>>
        tpu.wait_dma2 semaphore(%run_scoped3A_144 : memref<!tpu.dma_semaphore, #tpu.memory_space<semaphore_mem>>) src(%dma_wait3A_152 : memref<624x64xf32, #tpu.memory_space<vmem_shared>>) dst(%dma_wait3A_150 : memref<624x64xf32, #tpu.memory_space<hbm>>)
        tpu.yield
      }) : () -> ()
    } else {
    }
    %eq3A_58 = arith.constant 0 : i32
    %eq3A_59 = arith.cmpi eq, %arg1, %eq3A_58 : i32
    %eq3A_60 = arith.constant 0 : i32
    %eq3A_61 = arith.cmpi eq, %arg0, %eq3A_60 : i32
    %and3A = arith.andi %eq3A_59, %eq3A_61 : i1
    %convert_element_type3A_62 = arith.extui %and3A : i1 to i32
    %cond3A_63 = arith.constant 0 : i32
    %cond3A_64 = arith.cmpi ne, %convert_element_type3A_62, %cond3A_63 : i32
    scf.if %cond3A_64 {
      "tpu.region"() ({
        %run_scoped3A_144 = tpu.sem_alloc : memref<!tpu.dma_semaphore, #tpu.memory_space<semaphore_mem>>
        %dma_start3A_145 = arith.constant 9984 : i32
        %dma_start3A_146 = arith.constant 0 : i32
        %dma_start3A_147 = tpu.memref_slice %arg6[%dma_start3A_145, %dma_start3A_146] : memref<10000x64xf32, #tpu.memory_space<hbm>> -> memref<16x64xf32, #tpu.memory_space<hbm>>
        %dma_start3A_148 = arith.constant 9984 : i32
        %dma_start3A_149 = arith.constant 0 : i32
        %dma_start3A_150 = tpu.memref_slice %arg15[%dma_start3A_148, %dma_start3A_149] : memref<10000x64xf32, #tpu.memory_space<vmem_shared>> -> memref<16x64xf32, #tpu.memory_space<vmem_shared>>
        tpu.enqueue_dma source(%dma_start3A_150 : memref<16x64xf32, #tpu.memory_space<vmem_shared>>) target(%dma_start3A_147 : memref<16x64xf32, #tpu.memory_space<hbm>>) target_semaphore(%run_scoped3A_144 : memref<!tpu.dma_semaphore, #tpu.memory_space<semaphore_mem>>)
        %dma_wait3A_151 = arith.constant 9984 : i32
        %dma_wait3A_152 = arith.constant 0 : i32
        %dma_wait3A_153 = tpu.memref_slice %arg6[%dma_wait3A_151, %dma_wait3A_152] : memref<10000x64xf32, #tpu.memory_space<hbm>> -> memref<16x64xf32, #tpu.memory_space<hbm>>
        %dma_wait3A_154 = arith.constant 9984 : i32
        %dma_wait3A_155 = arith.constant 0 : i32
        %dma_wait3A_156 = tpu.memref_slice %arg15[%dma_wait3A_154, %dma_wait3A_155] : memref<10000x64xf32, #tpu.memory_space<vmem_shared>> -> memref<16x64xf32, #tpu.memory_space<vmem_shared>>
        tpu.wait_dma2 semaphore(%run_scoped3A_144 : memref<!tpu.dma_semaphore, #tpu.memory_space<semaphore_mem>>) src(%dma_wait3A_156 : memref<16x64xf32, #tpu.memory_space<vmem_shared>>) dst(%dma_wait3A_153 : memref<16x64xf32, #tpu.memory_space<hbm>>)
        tpu.yield
      }) : () -> ()
    } else {
    }
    %eq3A_65 = arith.constant 0 : i32
    %eq3A_66 = arith.cmpi eq, %arg1, %eq3A_65 : i32
    %eq3A_67 = arith.constant 1 : i32
    %eq3A_68 = arith.cmpi eq, %arg0, %eq3A_67 : i32
    %and3A_69 = arith.andi %eq3A_66, %eq3A_68 : i1
    %convert_element_type3A_70 = arith.extui %and3A_69 : i1 to i32
    %cond3A_71 = arith.constant 0 : i32
    %cond3A_72 = arith.cmpi ne, %convert_element_type3A_70, %cond3A_71 : i32
    scf.if %cond3A_72 {
      "tpu.region"() ({
        %run_scoped3A_144 = tpu.sem_alloc : memref<!tpu.dma_semaphore, #tpu.memory_space<semaphore_mem>>
        %dma_start3A_145 = arith.constant 9984 : i32
        %dma_start3A_146 = arith.constant 0 : i32
        %dma_start3A_147 = tpu.memref_slice %arg7[%dma_start3A_145, %dma_start3A_146] : memref<10000x64xf32, #tpu.memory_space<hbm>> -> memref<16x64xf32, #tpu.memory_space<hbm>>
        %dma_start3A_148 = arith.constant 9984 : i32
        %dma_start3A_149 = arith.constant 0 : i32
        %dma_start3A_150 = tpu.memref_slice %arg15[%dma_start3A_148, %dma_start3A_149] : memref<10000x64xf32, #tpu.memory_space<vmem_shared>> -> memref<16x64xf32, #tpu.memory_space<vmem_shared>>
        tpu.enqueue_dma source(%dma_start3A_150 : memref<16x64xf32, #tpu.memory_space<vmem_shared>>) target(%dma_start3A_147 : memref<16x64xf32, #tpu.memory_space<hbm>>) target_semaphore(%run_scoped3A_144 : memref<!tpu.dma_semaphore, #tpu.memory_space<semaphore_mem>>)
        %dma_wait3A_151 = arith.constant 9984 : i32
        %dma_wait3A_152 = arith.constant 0 : i32
        %dma_wait3A_153 = tpu.memref_slice %arg7[%dma_wait3A_151, %dma_wait3A_152] : memref<10000x64xf32, #tpu.memory_space<hbm>> -> memref<16x64xf32, #tpu.memory_space<hbm>>
        %dma_wait3A_154 = arith.constant 9984 : i32
        %dma_wait3A_155 = arith.constant 0 : i32
        %dma_wait3A_156 = tpu.memref_slice %arg15[%dma_wait3A_154, %dma_wait3A_155] : memref<10000x64xf32, #tpu.memory_space<vmem_shared>> -> memref<16x64xf32, #tpu.memory_space<vmem_shared>>
        tpu.wait_dma2 semaphore(%run_scoped3A_144 : memref<!tpu.dma_semaphore, #tpu.memory_space<semaphore_mem>>) src(%dma_wait3A_156 : memref<16x64xf32, #tpu.memory_space<vmem_shared>>) dst(%dma_wait3A_153 : memref<16x64xf32, #tpu.memory_space<hbm>>)
        tpu.yield
      }) : () -> ()
    } else {
    }
    %add3A_73 = arith.constant 0 : i32
    %add3A_74 = arith.addi %mul3A_2, %add3A_73 : i32
    "tpu.region"() ({
      %run_scoped3A_144 = tpu.sem_alloc : memref<!tpu.dma_semaphore, #tpu.memory_space<semaphore_mem>>
      %dma_start3A_145 = arith.constant 0 : i32
      %dma_start3A_146 = tpu.memref_slice %arg15[%add3A_74, %dma_start3A_145] : memref<10000x64xf32, #tpu.memory_space<vmem_shared>> -> memref<80x64xf32, #tpu.memory_space<vmem_shared>>
      %dma_start3A_147 = arith.constant 0 : i32
      %dma_start3A_148 = tpu.memref_slice %arg15[%add3A_74, %dma_start3A_147] : memref<10000x64xf32, #tpu.memory_space<vmem_shared>> -> memref<80x64xf32, #tpu.memory_space<vmem_shared>>
      tpu.enqueue_dma source(%arg14 : memref<80x64xf32, #tpu.memory_space<vmem>>) target(%dma_start3A_148 : memref<80x64xf32, #tpu.memory_space<vmem_shared>>) target_semaphore(%run_scoped3A_144 : memref<!tpu.dma_semaphore, #tpu.memory_space<semaphore_mem>>)
      %dma_wait3A_149 = arith.constant 0 : i32
      %dma_wait3A_150 = tpu.memref_slice %arg15[%add3A_74, %dma_wait3A_149] : memref<10000x64xf32, #tpu.memory_space<vmem_shared>> -> memref<80x64xf32, #tpu.memory_space<vmem_shared>>
      %dma_wait3A_151 = arith.constant 0 : i32
      %dma_wait3A_152 = tpu.memref_slice %arg15[%add3A_74, %dma_wait3A_151] : memref<10000x64xf32, #tpu.memory_space<vmem_shared>> -> memref<80x64xf32, #tpu.memory_space<vmem_shared>>
      tpu.wait_dma2 semaphore(%run_scoped3A_144 : memref<!tpu.dma_semaphore, #tpu.memory_space<semaphore_mem>>) src(%arg14 : memref<80x64xf32, #tpu.memory_space<vmem>>) dst(%dma_wait3A_152 : memref<80x64xf32, #tpu.memory_space<vmem_shared>>)
      tpu.yield
    }) : () -> ()
    %add3A_75 = arith.constant 80 : i32
    %add3A_76 = arith.addi %mul3A_2, %add3A_75 : i32
    "tpu.region"() ({
      %run_scoped3A_144 = tpu.sem_alloc : memref<!tpu.dma_semaphore, #tpu.memory_space<semaphore_mem>>
      %dma_start3A_145 = arith.constant 0 : i32
      %dma_start3A_146 = tpu.memref_slice %arg15[%add3A_76, %dma_start3A_145] : memref<10000x64xf32, #tpu.memory_space<vmem_shared>> -> memref<80x64xf32, #tpu.memory_space<vmem_shared>>
      %dma_start3A_147 = arith.constant 0 : i32
      %dma_start3A_148 = tpu.memref_slice %arg15[%add3A_76, %dma_start3A_147] : memref<10000x64xf32, #tpu.memory_space<vmem_shared>> -> memref<80x64xf32, #tpu.memory_space<vmem_shared>>
      tpu.enqueue_dma source(%arg14 : memref<80x64xf32, #tpu.memory_space<vmem>>) target(%dma_start3A_148 : memref<80x64xf32, #tpu.memory_space<vmem_shared>>) target_semaphore(%run_scoped3A_144 : memref<!tpu.dma_semaphore, #tpu.memory_space<semaphore_mem>>)
      %dma_wait3A_149 = arith.constant 0 : i32
      %dma_wait3A_150 = tpu.memref_slice %arg15[%add3A_76, %dma_wait3A_149] : memref<10000x64xf32, #tpu.memory_space<vmem_shared>> -> memref<80x64xf32, #tpu.memory_space<vmem_shared>>
      %dma_wait3A_151 = arith.constant 0 : i32
      %dma_wait3A_152 = tpu.memref_slice %arg15[%add3A_76, %dma_wait3A_151] : memref<10000x64xf32, #tpu.memory_space<vmem_shared>> -> memref<80x64xf32, #tpu.memory_space<vmem_shared>>
      tpu.wait_dma2 semaphore(%run_scoped3A_144 : memref<!tpu.dma_semaphore, #tpu.memory_space<semaphore_mem>>) src(%arg14 : memref<80x64xf32, #tpu.memory_space<vmem>>) dst(%dma_wait3A_152 : memref<80x64xf32, #tpu.memory_space<vmem_shared>>)
      tpu.yield
    }) : () -> ()
    %add3A_77 = arith.constant 160 : i32
    %add3A_78 = arith.addi %mul3A_2, %add3A_77 : i32
    "tpu.region"() ({
      %run_scoped3A_144 = tpu.sem_alloc : memref<!tpu.dma_semaphore, #tpu.memory_space<semaphore_mem>>
      %dma_start3A_145 = arith.constant 0 : i32
      %dma_start3A_146 = tpu.memref_slice %arg15[%add3A_78, %dma_start3A_145] : memref<10000x64xf32, #tpu.memory_space<vmem_shared>> -> memref<80x64xf32, #tpu.memory_space<vmem_shared>>
      %dma_start3A_147 = arith.constant 0 : i32
      %dma_start3A_148 = tpu.memref_slice %arg15[%add3A_78, %dma_start3A_147] : memref<10000x64xf32, #tpu.memory_space<vmem_shared>> -> memref<80x64xf32, #tpu.memory_space<vmem_shared>>
      tpu.enqueue_dma source(%arg14 : memref<80x64xf32, #tpu.memory_space<vmem>>) target(%dma_start3A_148 : memref<80x64xf32, #tpu.memory_space<vmem_shared>>) target_semaphore(%run_scoped3A_144 : memref<!tpu.dma_semaphore, #tpu.memory_space<semaphore_mem>>)
      %dma_wait3A_149 = arith.constant 0 : i32
      %dma_wait3A_150 = tpu.memref_slice %arg15[%add3A_78, %dma_wait3A_149] : memref<10000x64xf32, #tpu.memory_space<vmem_shared>> -> memref<80x64xf32, #tpu.memory_space<vmem_shared>>
      %dma_wait3A_151 = arith.constant 0 : i32
      %dma_wait3A_152 = tpu.memref_slice %arg15[%add3A_78, %dma_wait3A_151] : memref<10000x64xf32, #tpu.memory_space<vmem_shared>> -> memref<80x64xf32, #tpu.memory_space<vmem_shared>>
      tpu.wait_dma2 semaphore(%run_scoped3A_144 : memref<!tpu.dma_semaphore, #tpu.memory_space<semaphore_mem>>) src(%arg14 : memref<80x64xf32, #tpu.memory_space<vmem>>) dst(%dma_wait3A_152 : memref<80x64xf32, #tpu.memory_space<vmem_shared>>)
      tpu.yield
    }) : () -> ()
    %add3A_79 = arith.constant 240 : i32
    %add3A_80 = arith.addi %mul3A_2, %add3A_79 : i32
    "tpu.region"() ({
      %run_scoped3A_144 = tpu.sem_alloc : memref<!tpu.dma_semaphore, #tpu.memory_space<semaphore_mem>>
      %dma_start3A_145 = arith.constant 0 : i32
      %dma_start3A_146 = tpu.memref_slice %arg15[%add3A_80, %dma_start3A_145] : memref<10000x64xf32, #tpu.memory_space<vmem_shared>> -> memref<80x64xf32, #tpu.memory_space<vmem_shared>>
      %dma_start3A_147 = arith.constant 0 : i32
      %dma_start3A_148 = tpu.memref_slice %arg15[%add3A_80, %dma_start3A_147] : memref<10000x64xf32, #tpu.memory_space<vmem_shared>> -> memref<80x64xf32, #tpu.memory_space<vmem_shared>>
      tpu.enqueue_dma source(%arg14 : memref<80x64xf32, #tpu.memory_space<vmem>>) target(%dma_start3A_148 : memref<80x64xf32, #tpu.memory_space<vmem_shared>>) target_semaphore(%run_scoped3A_144 : memref<!tpu.dma_semaphore, #tpu.memory_space<semaphore_mem>>)
      %dma_wait3A_149 = arith.constant 0 : i32
      %dma_wait3A_150 = tpu.memref_slice %arg15[%add3A_80, %dma_wait3A_149] : memref<10000x64xf32, #tpu.memory_space<vmem_shared>> -> memref<80x64xf32, #tpu.memory_space<vmem_shared>>
      %dma_wait3A_151 = arith.constant 0 : i32
      %dma_wait3A_152 = tpu.memref_slice %arg15[%add3A_80, %dma_wait3A_151] : memref<10000x64xf32, #tpu.memory_space<vmem_shared>> -> memref<80x64xf32, #tpu.memory_space<vmem_shared>>
      tpu.wait_dma2 semaphore(%run_scoped3A_144 : memref<!tpu.dma_semaphore, #tpu.memory_space<semaphore_mem>>) src(%arg14 : memref<80x64xf32, #tpu.memory_space<vmem>>) dst(%dma_wait3A_152 : memref<80x64xf32, #tpu.memory_space<vmem_shared>>)
      tpu.yield
    }) : () -> ()
    %add3A_81 = arith.constant 320 : i32
    %add3A_82 = arith.addi %mul3A_2, %add3A_81 : i32
    "tpu.region"() ({
      %run_scoped3A_144 = tpu.sem_alloc : memref<!tpu.dma_semaphore, #tpu.memory_space<semaphore_mem>>
      %dma_start3A_145 = arith.constant 0 : i32
      %dma_start3A_146 = tpu.memref_slice %arg15[%add3A_82, %dma_start3A_145] : memref<10000x64xf32, #tpu.memory_space<vmem_shared>> -> memref<80x64xf32, #tpu.memory_space<vmem_shared>>
      %dma_start3A_147 = arith.constant 0 : i32
      %dma_start3A_148 = tpu.memref_slice %arg15[%add3A_82, %dma_start3A_147] : memref<10000x64xf32, #tpu.memory_space<vmem_shared>> -> memref<80x64xf32, #tpu.memory_space<vmem_shared>>
      tpu.enqueue_dma source(%arg14 : memref<80x64xf32, #tpu.memory_space<vmem>>) target(%dma_start3A_148 : memref<80x64xf32, #tpu.memory_space<vmem_shared>>) target_semaphore(%run_scoped3A_144 : memref<!tpu.dma_semaphore, #tpu.memory_space<semaphore_mem>>)
      %dma_wait3A_149 = arith.constant 0 : i32
      %dma_wait3A_150 = tpu.memref_slice %arg15[%add3A_82, %dma_wait3A_149] : memref<10000x64xf32, #tpu.memory_space<vmem_shared>> -> memref<80x64xf32, #tpu.memory_space<vmem_shared>>
      %dma_wait3A_151 = arith.constant 0 : i32
      %dma_wait3A_152 = tpu.memref_slice %arg15[%add3A_82, %dma_wait3A_151] : memref<10000x64xf32, #tpu.memory_space<vmem_shared>> -> memref<80x64xf32, #tpu.memory_space<vmem_shared>>
      tpu.wait_dma2 semaphore(%run_scoped3A_144 : memref<!tpu.dma_semaphore, #tpu.memory_space<semaphore_mem>>) src(%arg14 : memref<80x64xf32, #tpu.memory_space<vmem>>) dst(%dma_wait3A_152 : memref<80x64xf32, #tpu.memory_space<vmem_shared>>)
      tpu.yield
    }) : () -> ()
    %add3A_83 = arith.constant 400 : i32
    %add3A_84 = arith.addi %mul3A_2, %add3A_83 : i32
    "tpu.region"() ({
      %run_scoped3A_144 = tpu.sem_alloc : memref<!tpu.dma_semaphore, #tpu.memory_space<semaphore_mem>>
      %dma_start3A_145 = arith.constant 0 : i32
      %dma_start3A_146 = tpu.memref_slice %arg15[%add3A_84, %dma_start3A_145] : memref<10000x64xf32, #tpu.memory_space<vmem_shared>> -> memref<80x64xf32, #tpu.memory_space<vmem_shared>>
      %dma_start3A_147 = arith.constant 0 : i32
      %dma_start3A_148 = tpu.memref_slice %arg15[%add3A_84, %dma_start3A_147] : memref<10000x64xf32, #tpu.memory_space<vmem_shared>> -> memref<80x64xf32, #tpu.memory_space<vmem_shared>>
      tpu.enqueue_dma source(%arg14 : memref<80x64xf32, #tpu.memory_space<vmem>>) target(%dma_start3A_148 : memref<80x64xf32, #tpu.memory_space<vmem_shared>>) target_semaphore(%run_scoped3A_144 : memref<!tpu.dma_semaphore, #tpu.memory_space<semaphore_mem>>)
      %dma_wait3A_149 = arith.constant 0 : i32
      %dma_wait3A_150 = tpu.memref_slice %arg15[%add3A_84, %dma_wait3A_149] : memref<10000x64xf32, #tpu.memory_space<vmem_shared>> -> memref<80x64xf32, #tpu.memory_space<vmem_shared>>
      %dma_wait3A_151 = arith.constant 0 : i32
      %dma_wait3A_152 = tpu.memref_slice %arg15[%add3A_84, %dma_wait3A_151] : memref<10000x64xf32, #tpu.memory_space<vmem_shared>> -> memref<80x64xf32, #tpu.memory_space<vmem_shared>>
      tpu.wait_dma2 semaphore(%run_scoped3A_144 : memref<!tpu.dma_semaphore, #tpu.memory_space<semaphore_mem>>) src(%arg14 : memref<80x64xf32, #tpu.memory_space<vmem>>) dst(%dma_wait3A_152 : memref<80x64xf32, #tpu.memory_space<vmem_shared>>)
      tpu.yield
    }) : () -> ()
    %add3A_85 = arith.constant 480 : i32
    %add3A_86 = arith.addi %mul3A_2, %add3A_85 : i32
    "tpu.region"() ({
      %run_scoped3A_144 = tpu.sem_alloc : memref<!tpu.dma_semaphore, #tpu.memory_space<semaphore_mem>>
      %dma_start3A_145 = arith.constant 0 : i32
      %dma_start3A_146 = tpu.memref_slice %arg15[%add3A_86, %dma_start3A_145] : memref<10000x64xf32, #tpu.memory_space<vmem_shared>> -> memref<80x64xf32, #tpu.memory_space<vmem_shared>>
      %dma_start3A_147 = arith.constant 0 : i32
      %dma_start3A_148 = tpu.memref_slice %arg15[%add3A_86, %dma_start3A_147] : memref<10000x64xf32, #tpu.memory_space<vmem_shared>> -> memref<80x64xf32, #tpu.memory_space<vmem_shared>>
      tpu.enqueue_dma source(%arg14 : memref<80x64xf32, #tpu.memory_space<vmem>>) target(%dma_start3A_148 : memref<80x64xf32, #tpu.memory_space<vmem_shared>>) target_semaphore(%run_scoped3A_144 : memref<!tpu.dma_semaphore, #tpu.memory_space<semaphore_mem>>)
      %dma_wait3A_149 = arith.constant 0 : i32
      %dma_wait3A_150 = tpu.memref_slice %arg15[%add3A_86, %dma_wait3A_149] : memref<10000x64xf32, #tpu.memory_space<vmem_shared>> -> memref<80x64xf32, #tpu.memory_space<vmem_shared>>
      %dma_wait3A_151 = arith.constant 0 : i32
      %dma_wait3A_152 = tpu.memref_slice %arg15[%add3A_86, %dma_wait3A_151] : memref<10000x64xf32, #tpu.memory_space<vmem_shared>> -> memref<80x64xf32, #tpu.memory_space<vmem_shared>>
      tpu.wait_dma2 semaphore(%run_scoped3A_144 : memref<!tpu.dma_semaphore, #tpu.memory_space<semaphore_mem>>) src(%arg14 : memref<80x64xf32, #tpu.memory_space<vmem>>) dst(%dma_wait3A_152 : memref<80x64xf32, #tpu.memory_space<vmem_shared>>)
      tpu.yield
    }) : () -> ()
    %add3A_87 = arith.constant 560 : i32
    %add3A_88 = arith.addi %mul3A_2, %add3A_87 : i32
    "tpu.region"() ({
      %run_scoped3A_144 = tpu.sem_alloc : memref<!tpu.dma_semaphore, #tpu.memory_space<semaphore_mem>>
      %dma_start3A_145 = arith.constant 0 : i32
      %dma_start3A_146 = arith.constant 0 : i32
      %dma_start3A_147 = tpu.memref_slice %arg14[%dma_start3A_145, %dma_start3A_146] : memref<80x64xf32, #tpu.memory_space<vmem>> -> memref<64x64xf32, #tpu.memory_space<vmem>>
      %dma_start3A_148 = arith.constant 0 : i32
      %dma_start3A_149 = tpu.memref_slice %arg15[%add3A_88, %dma_start3A_148] : memref<10000x64xf32, #tpu.memory_space<vmem_shared>> -> memref<64x64xf32, #tpu.memory_space<vmem_shared>>
      %dma_start3A_150 = arith.constant 0 : i32
      %dma_start3A_151 = tpu.memref_slice %arg15[%add3A_88, %dma_start3A_150] : memref<10000x64xf32, #tpu.memory_space<vmem_shared>> -> memref<64x64xf32, #tpu.memory_space<vmem_shared>>
      %dma_start3A_152 = arith.constant 0 : i32
      %dma_start3A_153 = arith.constant 0 : i32
      %dma_start3A_154 = tpu.memref_slice %arg14[%dma_start3A_152, %dma_start3A_153] : memref<80x64xf32, #tpu.memory_space<vmem>> -> memref<64x64xf32, #tpu.memory_space<vmem>>
      tpu.enqueue_dma source(%dma_start3A_154 : memref<64x64xf32, #tpu.memory_space<vmem>>) target(%dma_start3A_151 : memref<64x64xf32, #tpu.memory_space<vmem_shared>>) target_semaphore(%run_scoped3A_144 : memref<!tpu.dma_semaphore, #tpu.memory_space<semaphore_mem>>)
      %dma_wait3A_155 = arith.constant 0 : i32
      %dma_wait3A_156 = arith.constant 0 : i32
      %dma_wait3A_157 = tpu.memref_slice %arg14[%dma_wait3A_155, %dma_wait3A_156] : memref<80x64xf32, #tpu.memory_space<vmem>> -> memref<64x64xf32, #tpu.memory_space<vmem>>
      %dma_wait3A_158 = arith.constant 0 : i32
      %dma_wait3A_159 = tpu.memref_slice %arg15[%add3A_88, %dma_wait3A_158] : memref<10000x64xf32, #tpu.memory_space<vmem_shared>> -> memref<64x64xf32, #tpu.memory_space<vmem_shared>>
      %dma_wait3A_160 = arith.constant 0 : i32
      %dma_wait3A_161 = tpu.memref_slice %arg15[%add3A_88, %dma_wait3A_160] : memref<10000x64xf32, #tpu.memory_space<vmem_shared>> -> memref<64x64xf32, #tpu.memory_space<vmem_shared>>
      %dma_wait3A_162 = arith.constant 0 : i32
      %dma_wait3A_163 = arith.constant 0 : i32
      %dma_wait3A_164 = tpu.memref_slice %arg14[%dma_wait3A_162, %dma_wait3A_163] : memref<80x64xf32, #tpu.memory_space<vmem>> -> memref<64x64xf32, #tpu.memory_space<vmem>>
      tpu.wait_dma2 semaphore(%run_scoped3A_144 : memref<!tpu.dma_semaphore, #tpu.memory_space<semaphore_mem>>) src(%dma_wait3A_164 : memref<64x64xf32, #tpu.memory_space<vmem>>) dst(%dma_wait3A_161 : memref<64x64xf32, #tpu.memory_space<vmem_shared>>)
      tpu.yield
    }) : () -> ()
    %eq3A_89 = arith.constant 0 : i32
    %eq3A_90 = arith.cmpi eq, %arg1, %eq3A_89 : i32
    %convert_element_type3A_91 = arith.extui %eq3A_90 : i1 to i32
    %cond3A_92 = arith.constant 0 : i32
    %cond3A_93 = arith.cmpi ne, %convert_element_type3A_91, %cond3A_92 : i32
    scf.if %cond3A_93 {
      "tpu.region"() ({
        %run_scoped3A_144 = tpu.sem_alloc : memref<!tpu.dma_semaphore, #tpu.memory_space<semaphore_mem>>
        %dma_start3A_145 = arith.constant 0 : i32
        %dma_start3A_146 = arith.constant 0 : i32
        %dma_start3A_147 = tpu.memref_slice %arg14[%dma_start3A_145, %dma_start3A_146] : memref<80x64xf32, #tpu.memory_space<vmem>> -> memref<16x64xf32, #tpu.memory_space<vmem>>
        %dma_start3A_148 = arith.constant 9984 : i32
        %dma_start3A_149 = arith.constant 0 : i32
        %dma_start3A_150 = tpu.memref_slice %arg15[%dma_start3A_148, %dma_start3A_149] : memref<10000x64xf32, #tpu.memory_space<vmem_shared>> -> memref<16x64xf32, #tpu.memory_space<vmem_shared>>
        %dma_start3A_151 = arith.constant 9984 : i32
        %dma_start3A_152 = arith.constant 0 : i32
        %dma_start3A_153 = tpu.memref_slice %arg15[%dma_start3A_151, %dma_start3A_152] : memref<10000x64xf32, #tpu.memory_space<vmem_shared>> -> memref<16x64xf32, #tpu.memory_space<vmem_shared>>
        %dma_start3A_154 = arith.constant 0 : i32
        %dma_start3A_155 = arith.constant 0 : i32
        %dma_start3A_156 = tpu.memref_slice %arg14[%dma_start3A_154, %dma_start3A_155] : memref<80x64xf32, #tpu.memory_space<vmem>> -> memref<16x64xf32, #tpu.memory_space<vmem>>
        tpu.enqueue_dma source(%dma_start3A_156 : memref<16x64xf32, #tpu.memory_space<vmem>>) target(%dma_start3A_153 : memref<16x64xf32, #tpu.memory_space<vmem_shared>>) target_semaphore(%run_scoped3A_144 : memref<!tpu.dma_semaphore, #tpu.memory_space<semaphore_mem>>)
        %dma_wait3A_157 = arith.constant 0 : i32
        %dma_wait3A_158 = arith.constant 0 : i32
        %dma_wait3A_159 = tpu.memref_slice %arg14[%dma_wait3A_157, %dma_wait3A_158] : memref<80x64xf32, #tpu.memory_space<vmem>> -> memref<16x64xf32, #tpu.memory_space<vmem>>
        %dma_wait3A_160 = arith.constant 9984 : i32
        %dma_wait3A_161 = arith.constant 0 : i32
        %dma_wait3A_162 = tpu.memref_slice %arg15[%dma_wait3A_160, %dma_wait3A_161] : memref<10000x64xf32, #tpu.memory_space<vmem_shared>> -> memref<16x64xf32, #tpu.memory_space<vmem_shared>>
        %dma_wait3A_163 = arith.constant 9984 : i32
        %dma_wait3A_164 = arith.constant 0 : i32
        %dma_wait3A_165 = tpu.memref_slice %arg15[%dma_wait3A_163, %dma_wait3A_164] : memref<10000x64xf32, #tpu.memory_space<vmem_shared>> -> memref<16x64xf32, #tpu.memory_space<vmem_shared>>
        %dma_wait3A_166 = arith.constant 0 : i32
        %dma_wait3A_167 = arith.constant 0 : i32
        %dma_wait3A_168 = tpu.memref_slice %arg14[%dma_wait3A_166, %dma_wait3A_167] : memref<80x64xf32, #tpu.memory_space<vmem>> -> memref<16x64xf32, #tpu.memory_space<vmem>>
        tpu.wait_dma2 semaphore(%run_scoped3A_144 : memref<!tpu.dma_semaphore, #tpu.memory_space<semaphore_mem>>) src(%dma_wait3A_168 : memref<16x64xf32, #tpu.memory_space<vmem>>) dst(%dma_wait3A_165 : memref<16x64xf32, #tpu.memory_space<vmem_shared>>)
        tpu.yield
      }) : () -> ()
    } else {
    }
    %barrier3A_94 = arith.constant 0 : index
    tpu.barrier barrier_id(%barrier3A_94)
    %dma_start3A_95 = arith.constant 0 : i32
    %dma_start3A_96 = arith.constant 0 : i32
    %dma_start3A_97 = tpu.memref_slice %arg10[%dma_start3A_95, %dma_start3A_96] : memref<125x80xi32, #tpu.memory_space<vmem>> -> memref<1x80xi32, #tpu.memory_space<vmem>>
    %dma_start3A_98 = tpu.memref_squeeze %dma_start3A_97 : memref<1x80xi32, #tpu.memory_space<vmem>> -> memref<80xi32, #tpu.memory_space<vmem>>
    %dma_start3A_99 = arith.constant 0 : i32
    %dma_start3A_100 = arith.constant 0 : i32
    %dma_start3A_101 = tpu.memref_slice %arg3[%dma_start3A_99, %dma_start3A_100] : memref<10000x64xf32, #tpu.memory_space<hbm>> -> memref<10000x64xf32, #tpu.memory_space<hbm>>
    tpu.enqueue_indirect_dma source(%dma_start3A_101 : memref<10000x64xf32, #tpu.memory_space<hbm>>) target(%arg12 : memref<80x64xf32, #tpu.memory_space<vmem>>) offsets(%dma_start3A_98 : memref<80xi32, #tpu.memory_space<vmem>>) semaphore(%arg16 : memref<!tpu.dma_semaphore, #tpu.memory_space<semaphore_mem>>)
    %scan3A_102 = arith.constant 0 : i32
    %scan3A_103 = arith.constant 0 : i32
    %scan3A_104 = arith.constant 62 : i32
    %scan3A_105 = arith.addi %scan3A_103, %scan3A_104 : i32
    %scan3A_106 = arith.constant 1 : i32
    %scan3A_107 = scf.for %scan3A_144 = %scan3A_103 to %scan3A_105 step %scan3A_106 iter_args(%scan3A_145 = %scan3A_102) -> (i32)  : i32 {
      %mul3A_146 = arith.constant 2 : i32
      %mul3A_147 = arith.muli %mul3A_146, %scan3A_144 : i32
      %add3A_148 = arith.constant 1 : i32
      %add3A_149 = arith.addi %mul3A_147, %add3A_148 : i32
      %dma_start3A_150 = arith.constant 0 : i32
      %dma_start3A_151 = tpu.memref_slice %arg10[%add3A_149, %dma_start3A_150] : memref<125x80xi32, #tpu.memory_space<vmem>> -> memref<1x80xi32, #tpu.memory_space<vmem>>
      %dma_start3A_152 = tpu.memref_squeeze %dma_start3A_151 : memref<1x80xi32, #tpu.memory_space<vmem>> -> memref<80xi32, #tpu.memory_space<vmem>>
      %dma_start3A_153 = arith.constant 0 : i32
      %dma_start3A_154 = arith.constant 0 : i32
      %dma_start3A_155 = tpu.memref_slice %arg3[%dma_start3A_153, %dma_start3A_154] : memref<10000x64xf32, #tpu.memory_space<hbm>> -> memref<10000x64xf32, #tpu.memory_space<hbm>>
      tpu.enqueue_indirect_dma source(%dma_start3A_155 : memref<10000x64xf32, #tpu.memory_space<hbm>>) target(%arg13 : memref<80x64xf32, #tpu.memory_space<vmem>>) offsets(%dma_start3A_152 : memref<80xi32, #tpu.memory_space<vmem>>) semaphore(%arg17 : memref<!tpu.dma_semaphore, #tpu.memory_space<semaphore_mem>>)
      %dma_wait3A_156 = arith.constant 0 : i32
      %dma_wait3A_157 = tpu.memref_slice %arg10[%mul3A_147, %dma_wait3A_156] : memref<125x80xi32, #tpu.memory_space<vmem>> -> memref<1x80xi32, #tpu.memory_space<vmem>>
      %dma_wait3A_158 = tpu.memref_squeeze %dma_wait3A_157 : memref<1x80xi32, #tpu.memory_space<vmem>> -> memref<80xi32, #tpu.memory_space<vmem>>
      %dma_wait3A_159 = arith.constant 0 : i32
      %dma_wait3A_160 = arith.constant 0 : i32
      %dma_wait3A_161 = tpu.memref_slice %arg3[%dma_wait3A_159, %dma_wait3A_160] : memref<10000x64xf32, #tpu.memory_space<hbm>> -> memref<10000x64xf32, #tpu.memory_space<hbm>>
      tpu.wait_indirect_dma semaphore(%arg16 : memref<!tpu.dma_semaphore, #tpu.memory_space<semaphore_mem>>) src(%dma_wait3A_161 : memref<10000x64xf32, #tpu.memory_space<hbm>>) dst(%arg12 : memref<80x64xf32, #tpu.memory_space<vmem>>)
      "tpu.region"() ({
        %run_scoped3A_181 = tpu.sem_alloc : memref<!tpu.dma_semaphore, #tpu.memory_space<semaphore_mem>>
        %dma_start3A_182 = arith.constant 0 : i32
        %dma_start3A_183 = tpu.memref_slice %arg11[%mul3A_147, %dma_start3A_182] : memref<125x80xi32, #tpu.memory_space<vmem>> -> memref<1x80xi32, #tpu.memory_space<vmem>>
        %dma_start3A_184 = tpu.memref_squeeze %dma_start3A_183 : memref<1x80xi32, #tpu.memory_space<vmem>> -> memref<80xi32, #tpu.memory_space<vmem>>
        %dma_start3A_185 = arith.constant 0 : i32
        %dma_start3A_186 = arith.constant 0 : i32
        %dma_start3A_187 = tpu.memref_slice %arg15[%dma_start3A_185, %dma_start3A_186] : memref<10000x64xf32, #tpu.memory_space<vmem_shared>> -> memref<10000x64xf32, #tpu.memory_space<vmem_shared>>
        tpu.enqueue_indirect_dma source(%arg12 : memref<80x64xf32, #tpu.memory_space<vmem>>) target(%dma_start3A_187 : memref<10000x64xf32, #tpu.memory_space<vmem_shared>>) offsets(%dma_start3A_184 : memref<80xi32, #tpu.memory_space<vmem>>) semaphore(%run_scoped3A_181 : memref<!tpu.dma_semaphore, #tpu.memory_space<semaphore_mem>>) {add = true}
        %dma_wait3A_188 = arith.constant 0 : i32
        %dma_wait3A_189 = tpu.memref_slice %arg11[%mul3A_147, %dma_wait3A_188] : memref<125x80xi32, #tpu.memory_space<vmem>> -> memref<1x80xi32, #tpu.memory_space<vmem>>
        %dma_wait3A_190 = tpu.memref_squeeze %dma_wait3A_189 : memref<1x80xi32, #tpu.memory_space<vmem>> -> memref<80xi32, #tpu.memory_space<vmem>>
        %dma_wait3A_191 = arith.constant 0 : i32
        %dma_wait3A_192 = arith.constant 0 : i32
        %dma_wait3A_193 = tpu.memref_slice %arg15[%dma_wait3A_191, %dma_wait3A_192] : memref<10000x64xf32, #tpu.memory_space<vmem_shared>> -> memref<10000x64xf32, #tpu.memory_space<vmem_shared>>
        tpu.wait_indirect_dma semaphore(%run_scoped3A_181 : memref<!tpu.dma_semaphore, #tpu.memory_space<semaphore_mem>>) src(%arg12 : memref<80x64xf32, #tpu.memory_space<vmem>>) dst(%dma_wait3A_193 : memref<10000x64xf32, #tpu.memory_space<vmem_shared>>)
        tpu.yield
      }) : () -> ()
      %add3A_162 = arith.constant 2 : i32
      %add3A_163 = arith.addi %mul3A_147, %add3A_162 : i32
      %dma_start3A_164 = arith.constant 0 : i32
      %dma_start3A_165 = tpu.memref_slice %arg10[%add3A_163, %dma_start3A_164] : memref<125x80xi32, #tpu.memory_space<vmem>> -> memref<1x80xi32, #tpu.memory_space<vmem>>
      %dma_start3A_166 = tpu.memref_squeeze %dma_start3A_165 : memref<1x80xi32, #tpu.memory_space<vmem>> -> memref<80xi32, #tpu.memory_space<vmem>>
      %dma_start3A_167 = arith.constant 0 : i32
      %dma_start3A_168 = arith.constant 0 : i32
      %dma_start3A_169 = tpu.memref_slice %arg3[%dma_start3A_167, %dma_start3A_168] : memref<10000x64xf32, #tpu.memory_space<hbm>> -> memref<10000x64xf32, #tpu.memory_space<hbm>>
      tpu.enqueue_indirect_dma source(%dma_start3A_169 : memref<10000x64xf32, #tpu.memory_space<hbm>>) target(%arg12 : memref<80x64xf32, #tpu.memory_space<vmem>>) offsets(%dma_start3A_166 : memref<80xi32, #tpu.memory_space<vmem>>) semaphore(%arg16 : memref<!tpu.dma_semaphore, #tpu.memory_space<semaphore_mem>>)
      %add3A_170 = arith.constant 1 : i32
      %add3A_171 = arith.addi %mul3A_147, %add3A_170 : i32
      %dma_wait3A_172 = arith.constant 0 : i32
      %dma_wait3A_173 = tpu.memref_slice %arg10[%add3A_171, %dma_wait3A_172] : memref<125x80xi32, #tpu.memory_space<vmem>> -> memref<1x80xi32, #tpu.memory_space<vmem>>
      %dma_wait3A_174 = tpu.memref_squeeze %dma_wait3A_173 : memref<1x80xi32, #tpu.memory_space<vmem>> -> memref<80xi32, #tpu.memory_space<vmem>>
      %dma_wait3A_175 = arith.constant 0 : i32
      %dma_wait3A_176 = arith.constant 0 : i32
      %dma_wait3A_177 = tpu.memref_slice %arg3[%dma_wait3A_175, %dma_wait3A_176] : memref<10000x64xf32, #tpu.memory_space<hbm>> -> memref<10000x64xf32, #tpu.memory_space<hbm>>
      tpu.wait_indirect_dma semaphore(%arg17 : memref<!tpu.dma_semaphore, #tpu.memory_space<semaphore_mem>>) src(%dma_wait3A_177 : memref<10000x64xf32, #tpu.memory_space<hbm>>) dst(%arg13 : memref<80x64xf32, #tpu.memory_space<vmem>>)
      %add3A_178 = arith.constant 1 : i32
      %add3A_179 = arith.addi %mul3A_147, %add3A_178 : i32
      "tpu.region"() ({
        %run_scoped3A_181 = tpu.sem_alloc : memref<!tpu.dma_semaphore, #tpu.memory_space<semaphore_mem>>
        %dma_start3A_182 = arith.constant 0 : i32
        %dma_start3A_183 = tpu.memref_slice %arg11[%add3A_179, %dma_start3A_182] : memref<125x80xi32, #tpu.memory_space<vmem>> -> memref<1x80xi32, #tpu.memory_space<vmem>>
        %dma_start3A_184 = tpu.memref_squeeze %dma_start3A_183 : memref<1x80xi32, #tpu.memory_space<vmem>> -> memref<80xi32, #tpu.memory_space<vmem>>
        %dma_start3A_185 = arith.constant 0 : i32
        %dma_start3A_186 = arith.constant 0 : i32
        %dma_start3A_187 = tpu.memref_slice %arg15[%dma_start3A_185, %dma_start3A_186] : memref<10000x64xf32, #tpu.memory_space<vmem_shared>> -> memref<10000x64xf32, #tpu.memory_space<vmem_shared>>
        tpu.enqueue_indirect_dma source(%arg13 : memref<80x64xf32, #tpu.memory_space<vmem>>) target(%dma_start3A_187 : memref<10000x64xf32, #tpu.memory_space<vmem_shared>>) offsets(%dma_start3A_184 : memref<80xi32, #tpu.memory_space<vmem>>) semaphore(%run_scoped3A_181 : memref<!tpu.dma_semaphore, #tpu.memory_space<semaphore_mem>>) {add = true}
        %dma_wait3A_188 = arith.constant 0 : i32
        %dma_wait3A_189 = tpu.memref_slice %arg11[%add3A_179, %dma_wait3A_188] : memref<125x80xi32, #tpu.memory_space<vmem>> -> memref<1x80xi32, #tpu.memory_space<vmem>>
        %dma_wait3A_190 = tpu.memref_squeeze %dma_wait3A_189 : memref<1x80xi32, #tpu.memory_space<vmem>> -> memref<80xi32, #tpu.memory_space<vmem>>
        %dma_wait3A_191 = arith.constant 0 : i32
        %dma_wait3A_192 = arith.constant 0 : i32
        %dma_wait3A_193 = tpu.memref_slice %arg15[%dma_wait3A_191, %dma_wait3A_192] : memref<10000x64xf32, #tpu.memory_space<vmem_shared>> -> memref<10000x64xf32, #tpu.memory_space<vmem_shared>>
        tpu.wait_indirect_dma semaphore(%run_scoped3A_181 : memref<!tpu.dma_semaphore, #tpu.memory_space<semaphore_mem>>) src(%arg13 : memref<80x64xf32, #tpu.memory_space<vmem>>) dst(%dma_wait3A_193 : memref<10000x64xf32, #tpu.memory_space<vmem_shared>>)
        tpu.yield
      }) : () -> ()
      %scan3A_180 = arith.constant 0 : i32
      scf.yield %scan3A_180 : i32
    }
    %scan3A_108 = arith.constant 62 : i32
    %dma_wait3A_109 = arith.constant 124 : i32
    %dma_wait3A_110 = arith.constant 0 : i32
    %dma_wait3A_111 = tpu.memref_slice %arg10[%dma_wait3A_109, %dma_wait3A_110] : memref<125x80xi32, #tpu.memory_space<vmem>> -> memref<1x80xi32, #tpu.memory_space<vmem>>
    %dma_wait3A_112 = tpu.memref_squeeze %dma_wait3A_111 : memref<1x80xi32, #tpu.memory_space<vmem>> -> memref<80xi32, #tpu.memory_space<vmem>>
    %dma_wait3A_113 = arith.constant 0 : i32
    %dma_wait3A_114 = arith.constant 0 : i32
    %dma_wait3A_115 = tpu.memref_slice %arg3[%dma_wait3A_113, %dma_wait3A_114] : memref<10000x64xf32, #tpu.memory_space<hbm>> -> memref<10000x64xf32, #tpu.memory_space<hbm>>
    tpu.wait_indirect_dma semaphore(%arg16 : memref<!tpu.dma_semaphore, #tpu.memory_space<semaphore_mem>>) src(%dma_wait3A_115 : memref<10000x64xf32, #tpu.memory_space<hbm>>) dst(%arg12 : memref<80x64xf32, #tpu.memory_space<vmem>>)
    %run_scoped3A_116 = arith.constant 124 : i32
    "tpu.region"() ({
      %run_scoped3A_144 = tpu.sem_alloc : memref<!tpu.dma_semaphore, #tpu.memory_space<semaphore_mem>>
      %dma_start3A_145 = arith.constant 0 : i32
      %dma_start3A_146 = tpu.memref_slice %arg11[%run_scoped3A_116, %dma_start3A_145] : memref<125x80xi32, #tpu.memory_space<vmem>> -> memref<1x80xi32, #tpu.memory_space<vmem>>
      %dma_start3A_147 = tpu.memref_squeeze %dma_start3A_146 : memref<1x80xi32, #tpu.memory_space<vmem>> -> memref<80xi32, #tpu.memory_space<vmem>>
      %dma_start3A_148 = arith.constant 0 : i32
      %dma_start3A_149 = arith.constant 0 : i32
      %dma_start3A_150 = tpu.memref_slice %arg15[%dma_start3A_148, %dma_start3A_149] : memref<10000x64xf32, #tpu.memory_space<vmem_shared>> -> memref<10000x64xf32, #tpu.memory_space<vmem_shared>>
      tpu.enqueue_indirect_dma source(%arg12 : memref<80x64xf32, #tpu.memory_space<vmem>>) target(%dma_start3A_150 : memref<10000x64xf32, #tpu.memory_space<vmem_shared>>) offsets(%dma_start3A_147 : memref<80xi32, #tpu.memory_space<vmem>>) semaphore(%run_scoped3A_144 : memref<!tpu.dma_semaphore, #tpu.memory_space<semaphore_mem>>) {add = true}
      %dma_wait3A_151 = arith.constant 0 : i32
      %dma_wait3A_152 = tpu.memref_slice %arg11[%run_scoped3A_116, %dma_wait3A_151] : memref<125x80xi32, #tpu.memory_space<vmem>> -> memref<1x80xi32, #tpu.memory_space<vmem>>
      %dma_wait3A_153 = tpu.memref_squeeze %dma_wait3A_152 : memref<1x80xi32, #tpu.memory_space<vmem>> -> memref<80xi32, #tpu.memory_space<vmem>>
      %dma_wait3A_154 = arith.constant 0 : i32
      %dma_wait3A_155 = arith.constant 0 : i32
      %dma_wait3A_156 = tpu.memref_slice %arg15[%dma_wait3A_154, %dma_wait3A_155] : memref<10000x64xf32, #tpu.memory_space<vmem_shared>> -> memref<10000x64xf32, #tpu.memory_space<vmem_shared>>
      tpu.wait_indirect_dma semaphore(%run_scoped3A_144 : memref<!tpu.dma_semaphore, #tpu.memory_space<semaphore_mem>>) src(%arg12 : memref<80x64xf32, #tpu.memory_space<vmem>>) dst(%dma_wait3A_156 : memref<10000x64xf32, #tpu.memory_space<vmem_shared>>)
      tpu.yield
    }) : () -> ()
    %barrier3A_117 = arith.constant 0 : index
    tpu.barrier barrier_id(%barrier3A_117)
    %eq3A_118 = arith.constant 0 : i32
    %eq3A_119 = arith.cmpi eq, %arg0, %eq3A_118 : i32
    %convert_element_type3A_120 = arith.extui %eq3A_119 : i1 to i32
    %cond3A_121 = arith.constant 0 : i32
    %cond3A_122 = arith.cmpi ne, %convert_element_type3A_120, %cond3A_121 : i32
    scf.if %cond3A_122 {
      "tpu.region"() ({
        %run_scoped3A_144 = tpu.sem_alloc : memref<!tpu.dma_semaphore, #tpu.memory_space<semaphore_mem>>
        %dma_start3A_145 = arith.constant 0 : i32
        %dma_start3A_146 = tpu.memref_slice %arg8[%mul3A_2, %dma_start3A_145] : memref<10000x64xf32, #tpu.memory_space<hbm>> -> memref<624x64xf32, #tpu.memory_space<hbm>>
        %dma_start3A_147 = arith.constant 0 : i32
        %dma_start3A_148 = tpu.memref_slice %arg15[%mul3A_2, %dma_start3A_147] : memref<10000x64xf32, #tpu.memory_space<vmem_shared>> -> memref<624x64xf32, #tpu.memory_space<vmem_shared>>
        tpu.enqueue_dma source(%dma_start3A_148 : memref<624x64xf32, #tpu.memory_space<vmem_shared>>) target(%dma_start3A_146 : memref<624x64xf32, #tpu.memory_space<hbm>>) target_semaphore(%run_scoped3A_144 : memref<!tpu.dma_semaphore, #tpu.memory_space<semaphore_mem>>)
        %dma_wait3A_149 = arith.constant 0 : i32
        %dma_wait3A_150 = tpu.memref_slice %arg8[%mul3A_2, %dma_wait3A_149] : memref<10000x64xf32, #tpu.memory_space<hbm>> -> memref<624x64xf32, #tpu.memory_space<hbm>>
        %dma_wait3A_151 = arith.constant 0 : i32
        %dma_wait3A_152 = tpu.memref_slice %arg15[%mul3A_2, %dma_wait3A_151] : memref<10000x64xf32, #tpu.memory_space<vmem_shared>> -> memref<624x64xf32, #tpu.memory_space<vmem_shared>>
        tpu.wait_dma2 semaphore(%run_scoped3A_144 : memref<!tpu.dma_semaphore, #tpu.memory_space<semaphore_mem>>) src(%dma_wait3A_152 : memref<624x64xf32, #tpu.memory_space<vmem_shared>>) dst(%dma_wait3A_150 : memref<624x64xf32, #tpu.memory_space<hbm>>)
        tpu.yield
      }) : () -> ()
    } else {
    }
    %eq3A_123 = arith.constant 1 : i32
    %eq3A_124 = arith.cmpi eq, %arg0, %eq3A_123 : i32
    %convert_element_type3A_125 = arith.extui %eq3A_124 : i1 to i32
    %cond3A_126 = arith.constant 0 : i32
    %cond3A_127 = arith.cmpi ne, %convert_element_type3A_125, %cond3A_126 : i32
    scf.if %cond3A_127 {
      "tpu.region"() ({
        %run_scoped3A_144 = tpu.sem_alloc : memref<!tpu.dma_semaphore, #tpu.memory_space<semaphore_mem>>
        %dma_start3A_145 = arith.constant 0 : i32
        %dma_start3A_146 = tpu.memref_slice %arg9[%mul3A_2, %dma_start3A_145] : memref<10000x64xf32, #tpu.memory_space<hbm>> -> memref<624x64xf32, #tpu.memory_space<hbm>>
        %dma_start3A_147 = arith.constant 0 : i32
        %dma_start3A_148 = tpu.memref_slice %arg15[%mul3A_2, %dma_start3A_147] : memref<10000x64xf32, #tpu.memory_space<vmem_shared>> -> memref<624x64xf32, #tpu.memory_space<vmem_shared>>
        tpu.enqueue_dma source(%dma_start3A_148 : memref<624x64xf32, #tpu.memory_space<vmem_shared>>) target(%dma_start3A_146 : memref<624x64xf32, #tpu.memory_space<hbm>>) target_semaphore(%run_scoped3A_144 : memref<!tpu.dma_semaphore, #tpu.memory_space<semaphore_mem>>)
        %dma_wait3A_149 = arith.constant 0 : i32
        %dma_wait3A_150 = tpu.memref_slice %arg9[%mul3A_2, %dma_wait3A_149] : memref<10000x64xf32, #tpu.memory_space<hbm>> -> memref<624x64xf32, #tpu.memory_space<hbm>>
        %dma_wait3A_151 = arith.constant 0 : i32
        %dma_wait3A_152 = tpu.memref_slice %arg15[%mul3A_2, %dma_wait3A_151] : memref<10000x64xf32, #tpu.memory_space<vmem_shared>> -> memref<624x64xf32, #tpu.memory_space<vmem_shared>>
        tpu.wait_dma2 semaphore(%run_scoped3A_144 : memref<!tpu.dma_semaphore, #tpu.memory_space<semaphore_mem>>) src(%dma_wait3A_152 : memref<624x64xf32, #tpu.memory_space<vmem_shared>>) dst(%dma_wait3A_150 : memref<624x64xf32, #tpu.memory_space<hbm>>)
        tpu.yield
      }) : () -> ()
    } else {
    }
    %eq3A_128 = arith.constant 0 : i32
    %eq3A_129 = arith.cmpi eq, %arg1, %eq3A_128 : i32
    %eq3A_130 = arith.constant 0 : i32
    %eq3A_131 = arith.cmpi eq, %arg0, %eq3A_130 : i32
    %and3A_132 = arith.andi %eq3A_129, %eq3A_131 : i1
    %convert_element_type3A_133 = arith.extui %and3A_132 : i1 to i32
    %cond3A_134 = arith.constant 0 : i32
    %cond3A_135 = arith.cmpi ne, %convert_element_type3A_133, %cond3A_134 : i32
    scf.if %cond3A_135 {
      "tpu.region"() ({
        %run_scoped3A_144 = tpu.sem_alloc : memref<!tpu.dma_semaphore, #tpu.memory_space<semaphore_mem>>
        %dma_start3A_145 = arith.constant 9984 : i32
        %dma_start3A_146 = arith.constant 0 : i32
        %dma_start3A_147 = tpu.memref_slice %arg8[%dma_start3A_145, %dma_start3A_146] : memref<10000x64xf32, #tpu.memory_space<hbm>> -> memref<16x64xf32, #tpu.memory_space<hbm>>
        %dma_start3A_148 = arith.constant 9984 : i32
        %dma_start3A_149 = arith.constant 0 : i32
        %dma_start3A_150 = tpu.memref_slice %arg15[%dma_start3A_148, %dma_start3A_149] : memref<10000x64xf32, #tpu.memory_space<vmem_shared>> -> memref<16x64xf32, #tpu.memory_space<vmem_shared>>
        tpu.enqueue_dma source(%dma_start3A_150 : memref<16x64xf32, #tpu.memory_space<vmem_shared>>) target(%dma_start3A_147 : memref<16x64xf32, #tpu.memory_space<hbm>>) target_semaphore(%run_scoped3A_144 : memref<!tpu.dma_semaphore, #tpu.memory_space<semaphore_mem>>)
        %dma_wait3A_151 = arith.constant 9984 : i32
        %dma_wait3A_152 = arith.constant 0 : i32
        %dma_wait3A_153 = tpu.memref_slice %arg8[%dma_wait3A_151, %dma_wait3A_152] : memref<10000x64xf32, #tpu.memory_space<hbm>> -> memref<16x64xf32, #tpu.memory_space<hbm>>
        %dma_wait3A_154 = arith.constant 9984 : i32
        %dma_wait3A_155 = arith.constant 0 : i32
        %dma_wait3A_156 = tpu.memref_slice %arg15[%dma_wait3A_154, %dma_wait3A_155] : memref<10000x64xf32, #tpu.memory_space<vmem_shared>> -> memref<16x64xf32, #tpu.memory_space<vmem_shared>>
        tpu.wait_dma2 semaphore(%run_scoped3A_144 : memref<!tpu.dma_semaphore, #tpu.memory_space<semaphore_mem>>) src(%dma_wait3A_156 : memref<16x64xf32, #tpu.memory_space<vmem_shared>>) dst(%dma_wait3A_153 : memref<16x64xf32, #tpu.memory_space<hbm>>)
        tpu.yield
      }) : () -> ()
    } else {
    }
    %eq3A_136 = arith.constant 0 : i32
    %eq3A_137 = arith.cmpi eq, %arg1, %eq3A_136 : i32
    %eq3A_138 = arith.constant 1 : i32
    %eq3A_139 = arith.cmpi eq, %arg0, %eq3A_138 : i32
    %and3A_140 = arith.andi %eq3A_137, %eq3A_139 : i1
    %convert_element_type3A_141 = arith.extui %and3A_140 : i1 to i32
    %cond3A_142 = arith.constant 0 : i32
    %cond3A_143 = arith.cmpi ne, %convert_element_type3A_141, %cond3A_142 : i32
    scf.if %cond3A_143 {
      "tpu.region"() ({
        %run_scoped3A_144 = tpu.sem_alloc : memref<!tpu.dma_semaphore, #tpu.memory_space<semaphore_mem>>
        %dma_start3A_145 = arith.constant 9984 : i32
        %dma_start3A_146 = arith.constant 0 : i32
        %dma_start3A_147 = tpu.memref_slice %arg9[%dma_start3A_145, %dma_start3A_146] : memref<10000x64xf32, #tpu.memory_space<hbm>> -> memref<16x64xf32, #tpu.memory_space<hbm>>
        %dma_start3A_148 = arith.constant 9984 : i32
        %dma_start3A_149 = arith.constant 0 : i32
        %dma_start3A_150 = tpu.memref_slice %arg15[%dma_start3A_148, %dma_start3A_149] : memref<10000x64xf32, #tpu.memory_space<vmem_shared>> -> memref<16x64xf32, #tpu.memory_space<vmem_shared>>
        tpu.enqueue_dma source(%dma_start3A_150 : memref<16x64xf32, #tpu.memory_space<vmem_shared>>) target(%dma_start3A_147 : memref<16x64xf32, #tpu.memory_space<hbm>>) target_semaphore(%run_scoped3A_144 : memref<!tpu.dma_semaphore, #tpu.memory_space<semaphore_mem>>)
        %dma_wait3A_151 = arith.constant 9984 : i32
        %dma_wait3A_152 = arith.constant 0 : i32
        %dma_wait3A_153 = tpu.memref_slice %arg9[%dma_wait3A_151, %dma_wait3A_152] : memref<10000x64xf32, #tpu.memory_space<hbm>> -> memref<16x64xf32, #tpu.memory_space<hbm>>
        %dma_wait3A_154 = arith.constant 9984 : i32
        %dma_wait3A_155 = arith.constant 0 : i32
        %dma_wait3A_156 = tpu.memref_slice %arg15[%dma_wait3A_154, %dma_wait3A_155] : memref<10000x64xf32, #tpu.memory_space<vmem_shared>> -> memref<16x64xf32, #tpu.memory_space<vmem_shared>>
        tpu.wait_dma2 semaphore(%run_scoped3A_144 : memref<!tpu.dma_semaphore, #tpu.memory_space<semaphore_mem>>) src(%dma_wait3A_156 : memref<16x64xf32, #tpu.memory_space<vmem_shared>>) dst(%dma_wait3A_153 : memref<16x64xf32, #tpu.memory_space<hbm>>)
        tpu.yield
      }) : () -> ()
    } else {
    }
    return
  }
}

#map = affine_map<(d0, d1) -> (0, 0, 0)>
#map1 = affine_map<(d0, d1) -> (0)>
module attributes {stable_mosaic.version = 14 : i64} {
  func.func @_deg_kernel(%arg0: i32, %arg1: i32, %arg2: memref<32x125x80xi32, #tpu.memory_space<hbm>>, %arg3: memref<10000xf32, #tpu.memory_space<hbm>>, %arg4: memref<10000xf32, #tpu.memory_space<hbm>>, %arg5: memref<125x80xi32, #tpu.memory_space<vmem>>, %arg6: memref<80xf32, #tpu.memory_space<vmem>>, %arg7: memref<10000xf32, #tpu.memory_space<vmem>>, %arg8: memref<10000xf32, #tpu.memory_space<vmem_shared>>) attributes {dimension_semantics = [#tpu.dimension_semantics<core_parallel>, #tpu.dimension_semantics<subcore_parallel>], iteration_bounds = array<i64: 2, 16>, scalar_prefetch = 0 : i64, scratch_operands = 4 : i64, tpu.core_type = #tpu.core_type<sc_vector_subcore>, window_params = [{transform_indices = #map}, {transform_indices = #map1}, {transform_indices = #map1}]} {
    %mul3A = arith.constant 2 : i32
    %mul3A_0 = arith.muli %arg1, %mul3A : i32
    %add3A = arith.addi %mul3A_0, %arg0 : i32
    "tpu.region"() ({
      %run_scoped3A = tpu.sem_alloc : memref<!tpu.dma_semaphore, #tpu.memory_space<semaphore_mem>>
      %dma_start3A = arith.constant 0 : i32
      %dma_start3A_32 = arith.constant 0 : i32
      %dma_start3A_33 = tpu.memref_slice %arg2[%add3A, %dma_start3A, %dma_start3A_32] : memref<32x125x80xi32, #tpu.memory_space<hbm>> -> memref<1x125x80xi32, #tpu.memory_space<hbm>>
      %dma_start3A_34 = tpu.memref_squeeze %dma_start3A_33 : memref<1x125x80xi32, #tpu.memory_space<hbm>> -> memref<125x80xi32, #tpu.memory_space<hbm>>
      %dma_start3A_35 = arith.constant 0 : i32
      %dma_start3A_36 = arith.constant 0 : i32
      %dma_start3A_37 = tpu.memref_slice %arg2[%add3A, %dma_start3A_35, %dma_start3A_36] : memref<32x125x80xi32, #tpu.memory_space<hbm>> -> memref<1x125x80xi32, #tpu.memory_space<hbm>>
      %dma_start3A_38 = tpu.memref_squeeze %dma_start3A_37 : memref<1x125x80xi32, #tpu.memory_space<hbm>> -> memref<125x80xi32, #tpu.memory_space<hbm>>
      tpu.enqueue_dma source(%dma_start3A_38 : memref<125x80xi32, #tpu.memory_space<hbm>>) target(%arg5 : memref<125x80xi32, #tpu.memory_space<vmem>>) target_semaphore(%run_scoped3A : memref<!tpu.dma_semaphore, #tpu.memory_space<semaphore_mem>>)
      %dma_wait3A = arith.constant 0 : i32
      %dma_wait3A_39 = arith.constant 0 : i32
      %dma_wait3A_40 = tpu.memref_slice %arg2[%add3A, %dma_wait3A, %dma_wait3A_39] : memref<32x125x80xi32, #tpu.memory_space<hbm>> -> memref<1x125x80xi32, #tpu.memory_space<hbm>>
      %dma_wait3A_41 = tpu.memref_squeeze %dma_wait3A_40 : memref<1x125x80xi32, #tpu.memory_space<hbm>> -> memref<125x80xi32, #tpu.memory_space<hbm>>
      %dma_wait3A_42 = arith.constant 0 : i32
      %dma_wait3A_43 = arith.constant 0 : i32
      %dma_wait3A_44 = tpu.memref_slice %arg2[%add3A, %dma_wait3A_42, %dma_wait3A_43] : memref<32x125x80xi32, #tpu.memory_space<hbm>> -> memref<1x125x80xi32, #tpu.memory_space<hbm>>
      %dma_wait3A_45 = tpu.memref_squeeze %dma_wait3A_44 : memref<1x125x80xi32, #tpu.memory_space<hbm>> -> memref<125x80xi32, #tpu.memory_space<hbm>>
      tpu.wait_dma2 semaphore(%run_scoped3A : memref<!tpu.dma_semaphore, #tpu.memory_space<semaphore_mem>>) src(%dma_wait3A_45 : memref<125x80xi32, #tpu.memory_space<hbm>>) dst(%arg5 : memref<125x80xi32, #tpu.memory_space<vmem>>)
      tpu.yield
    }) : () -> ()
    %scan3A = arith.constant 0 : i32
    %scan3A_1 = arith.constant 0 : i32
    %scan3A_2 = arith.constant 5 : i32
    %scan3A_3 = arith.addi %scan3A_1, %scan3A_2 : i32
    %scan3A_4 = arith.constant 1 : i32
    %scan3A_5 = scf.for %scan3A_32 = %scan3A_1 to %scan3A_3 step %scan3A_4 iter_args(%scan3A_33 = %scan3A) -> (i32)  : i32 {
      %broadcast_in_dim3A = arith.constant 1.000000e+00 : f32
      %broadcast_in_dim3A_34 = vector.broadcast %broadcast_in_dim3A : f32 to vector<16xf32>
      %mul3A_35 = arith.constant 16 : i32
      %mul3A_36 = arith.muli %scan3A_32, %mul3A_35 : i32
      %swap3A = arith.index_cast %mul3A_36 : i32 to index
      %swap3A_37 = tpu.vector_load %arg6[%swap3A] {strides = array<i32>} : memref<80xf32, #tpu.memory_space<vmem>>, vector<16xf32>,
      %swap3A_38 = vector.shape_cast %swap3A_37 : vector<16xf32> to vector<16xf32>
      %swap3A_39 = vector.shape_cast %broadcast_in_dim3A_34 : vector<16xf32> to vector<16xf32>
      tpu.vector_store %arg6[%swap3A], %swap3A_39 {strides = array<i32>} : memref<80xf32, #tpu.memory_space<vmem>>, vector<16xf32>,
      %scan3A_40 = arith.constant 0 : i32
      scf.yield %scan3A_40 : i32
    }
    %scan3A_6 = arith.constant 5 : i32
    %eq3A = arith.constant 0 : i32
    %eq3A_7 = arith.cmpi eq, %arg1, %eq3A : i32
    %convert_element_type3A = arith.extui %eq3A_7 : i1 to i32
    %cond3A = arith.constant 0 : i32
    %cond3A_8 = arith.cmpi ne, %convert_element_type3A, %cond3A : i32
    scf.if %cond3A_8 {
      %scan3A_32 = arith.constant 0 : i32
      %scan3A_33 = arith.constant 0 : i32
      %scan3A_34 = arith.constant 625 : i32
      %scan3A_35 = arith.addi %scan3A_33, %scan3A_34 : i32
      %scan3A_36 = arith.constant 1 : i32
      %scan3A_37 = scf.for %scan3A_39 = %scan3A_33 to %scan3A_35 step %scan3A_36 iter_args(%scan3A_40 = %scan3A_32) -> (i32)  : i32 {
        %broadcast_in_dim3A = arith.constant 0.000000e+00 : f32
        %broadcast_in_dim3A_41 = vector.broadcast %broadcast_in_dim3A : f32 to vector<16xf32>
        %mul3A_42 = arith.constant 16 : i32
        %mul3A_43 = arith.muli %scan3A_39, %mul3A_42 : i32
        %swap3A = arith.index_cast %mul3A_43 : i32 to index
        %swap3A_44 = tpu.vector_load %arg7[%swap3A] {strides = array<i32>} : memref<10000xf32, #tpu.memory_space<vmem>>, vector<16xf32>,
        %swap3A_45 = vector.shape_cast %swap3A_44 : vector<16xf32> to vector<16xf32>
        %swap3A_46 = vector.shape_cast %broadcast_in_dim3A_41 : vector<16xf32> to vector<16xf32>
        tpu.vector_store %arg7[%swap3A], %swap3A_46 {strides = array<i32>} : memref<10000xf32, #tpu.memory_space<vmem>>, vector<16xf32>,
        %scan3A_47 = arith.constant 0 : i32
        scf.yield %scan3A_47 : i32
      }
      %scan3A_38 = arith.constant 625 : i32
      "tpu.region"() ({
        %run_scoped3A = tpu.sem_alloc : memref<!tpu.dma_semaphore, #tpu.memory_space<semaphore_mem>>
        tpu.enqueue_dma source(%arg7 : memref<10000xf32, #tpu.memory_space<vmem>>) target(%arg8 : memref<10000xf32, #tpu.memory_space<vmem_shared>>) target_semaphore(%run_scoped3A : memref<!tpu.dma_semaphore, #tpu.memory_space<semaphore_mem>>)
        tpu.wait_dma2 semaphore(%run_scoped3A : memref<!tpu.dma_semaphore, #tpu.memory_space<semaphore_mem>>) src(%arg7 : memref<10000xf32, #tpu.memory_space<vmem>>) dst(%arg8 : memref<10000xf32, #tpu.memory_space<vmem_shared>>)
        tpu.yield
      }) : () -> ()
    } else {
    }
    %barrier3A = arith.constant 0 : index
    tpu.barrier barrier_id(%barrier3A)
    %scan3A_9 = arith.constant 0 : i32
    %scan3A_10 = arith.constant 0 : i32
    %scan3A_11 = arith.constant 125 : i32
    %scan3A_12 = arith.addi %scan3A_10, %scan3A_11 : i32
    %scan3A_13 = arith.constant 1 : i32
    %scan3A_14 = scf.for %scan3A_32 = %scan3A_10 to %scan3A_12 step %scan3A_13 iter_args(%scan3A_33 = %scan3A_9) -> (i32)  : i32 {
      "tpu.region"() ({
        %run_scoped3A = tpu.sem_alloc : memref<!tpu.dma_semaphore, #tpu.memory_space<semaphore_mem>>
        %dma_start3A = arith.constant 0 : i32
        %dma_start3A_35 = tpu.memref_slice %arg5[%scan3A_32, %dma_start3A] : memref<125x80xi32, #tpu.memory_space<vmem>> -> memref<1x80xi32, #tpu.memory_space<vmem>>
        %dma_start3A_36 = tpu.memref_squeeze %dma_start3A_35 : memref<1x80xi32, #tpu.memory_space<vmem>> -> memref<80xi32, #tpu.memory_space<vmem>>
        %dma_start3A_37 = arith.constant 0 : i32
        %dma_start3A_38 = tpu.memref_slice %arg8[%dma_start3A_37] : memref<10000xf32, #tpu.memory_space<vmem_shared>> -> memref<10000xf32, #tpu.memory_space<vmem_shared>>
        tpu.enqueue_indirect_dma source(%arg6 : memref<80xf32, #tpu.memory_space<vmem>>) target(%dma_start3A_38 : memref<10000xf32, #tpu.memory_space<vmem_shared>>) offsets(%dma_start3A_36 : memref<80xi32, #tpu.memory_space<vmem>>) semaphore(%run_scoped3A : memref<!tpu.dma_semaphore, #tpu.memory_space<semaphore_mem>>) {add = true}
        %dma_wait3A = arith.constant 0 : i32
        %dma_wait3A_39 = tpu.memref_slice %arg5[%scan3A_32, %dma_wait3A] : memref<125x80xi32, #tpu.memory_space<vmem>> -> memref<1x80xi32, #tpu.memory_space<vmem>>
        %dma_wait3A_40 = tpu.memref_squeeze %dma_wait3A_39 : memref<1x80xi32, #tpu.memory_space<vmem>> -> memref<80xi32, #tpu.memory_space<vmem>>
        %dma_wait3A_41 = arith.constant 0 : i32
        %dma_wait3A_42 = tpu.memref_slice %arg8[%dma_wait3A_41] : memref<10000xf32, #tpu.memory_space<vmem_shared>> -> memref<10000xf32, #tpu.memory_space<vmem_shared>>
        tpu.wait_indirect_dma semaphore(%run_scoped3A : memref<!tpu.dma_semaphore, #tpu.memory_space<semaphore_mem>>) src(%arg6 : memref<80xf32, #tpu.memory_space<vmem>>) dst(%dma_wait3A_42 : memref<10000xf32, #tpu.memory_space<vmem_shared>>)
        tpu.yield
      }) : () -> ()
      %scan3A_34 = arith.constant 0 : i32
      scf.yield %scan3A_34 : i32
    }
    %scan3A_15 = arith.constant 125 : i32
    %barrier3A_16 = arith.constant 0 : index
    tpu.barrier barrier_id(%barrier3A_16)
    %eq3A_17 = arith.constant 0 : i32
    %eq3A_18 = arith.cmpi eq, %arg1, %eq3A_17 : i32
    %eq3A_19 = arith.constant 0 : i32
    %eq3A_20 = arith.cmpi eq, %arg0, %eq3A_19 : i32
    %and3A = arith.andi %eq3A_18, %eq3A_20 : i1
    %convert_element_type3A_21 = arith.extui %and3A : i1 to i32
    %cond3A_22 = arith.constant 0 : i32
    %cond3A_23 = arith.cmpi ne, %convert_element_type3A_21, %cond3A_22 : i32
    scf.if %cond3A_23 {
      "tpu.region"() ({
        %run_scoped3A = tpu.sem_alloc : memref<!tpu.dma_semaphore, #tpu.memory_space<semaphore_mem>>
        tpu.enqueue_dma source(%arg8 : memref<10000xf32, #tpu.memory_space<vmem_shared>>) target(%arg3 : memref<10000xf32, #tpu.memory_space<hbm>>) target_semaphore(%run_scoped3A : memref<!tpu.dma_semaphore, #tpu.memory_space<semaphore_mem>>)
        tpu.wait_dma2 semaphore(%run_scoped3A : memref<!tpu.dma_semaphore, #tpu.memory_space<semaphore_mem>>) src(%arg8 : memref<10000xf32, #tpu.memory_space<vmem_shared>>) dst(%arg3 : memref<10000xf32, #tpu.memory_space<hbm>>)
        tpu.yield
      }) : () -> ()
    } else {
    }
    %eq3A_24 = arith.constant 0 : i32
    %eq3A_25 = arith.cmpi eq, %arg1, %eq3A_24 : i32
    %eq3A_26 = arith.constant 1 : i32
    %eq3A_27 = arith.cmpi eq, %arg0, %eq3A_26 : i32
    %and3A_28 = arith.andi %eq3A_25, %eq3A_27 : i1
    %convert_element_type3A_29 = arith.extui %and3A_28 : i1 to i32
    %cond3A_30 = arith.constant 0 : i32
    %cond3A_31 = arith.cmpi ne, %convert_element_type3A_29, %cond3A_30 : i32
    scf.if %cond3A_31 {
      "tpu.region"() ({
        %run_scoped3A = tpu.sem_alloc : memref<!tpu.dma_semaphore, #tpu.memory_space<semaphore_mem>>
        tpu.enqueue_dma source(%arg8 : memref<10000xf32, #tpu.memory_space<vmem_shared>>) target(%arg4 : memref<10000xf32, #tpu.memory_space<hbm>>) target_semaphore(%run_scoped3A : memref<!tpu.dma_semaphore, #tpu.memory_space<semaphore_mem>>)
        tpu.wait_dma2 semaphore(%run_scoped3A : memref<!tpu.dma_semaphore, #tpu.memory_space<semaphore_mem>>) src(%arg8 : memref<10000xf32, #tpu.memory_space<vmem_shared>>) dst(%arg4 : memref<10000xf32, #tpu.memory_space<hbm>>)
        tpu.yield
      }) : () -> ()
    } else {
    }
    return
  }
}

module attributes {stable_mosaic.version = 14 : i64} {
  func.func @_prep_body(%arg0: i32, %arg1: memref<1000x128xf32, #tpu.memory_space<vmem>>, %arg2: memref<1000x1xf32, #tpu.memory_space<vmem>>, %arg3: memref<1000x1xf32, #tpu.memory_space<vmem>>, %arg4: memref<1000x64xf32, #tpu.memory_space<vmem>>, %arg5: memref<1000x64xf32, #tpu.memory_space<vmem>>, %arg6: memref<1000x1xf32, #tpu.memory_space<vmem>>) attributes {dimension_semantics = [#tpu.dimension_semantics<arbitrary>], iteration_bounds = array<i64: 10>, scalar_prefetch = 0 : i64, scratch_operands = 0 : i64, tpu.core_type = #tpu.core_type<tc>, window_params = [{transform_indices = @transform_0, window_bounds = array<i64: 1000, 128>}, {transform_indices = @transform_1, window_bounds = array<i64: 1000, 1>}, {transform_indices = @transform_2, window_bounds = array<i64: 1000, 1>}, {transform_indices = @transform_3, window_bounds = array<i64: 1000, 64>}, {transform_indices = @transform_4, window_bounds = array<i64: 1000, 64>}, {transform_indices = @transform_5, window_bounds = array<i64: 1000, 1>}]} {
    %get3A = arith.constant 0 : index
    %get3A_0 = arith.constant 0 : index
    %get3A_1 = vector.load %arg2[%get3A, %get3A_0] : memref<1000x1xf32, #tpu.memory_space<vmem>>, vector<1000x1xf32>
    %get3A_2 = arith.constant 0 : index
    %get3A_3 = arith.constant 0 : index
    %get3A_4 = vector.load %arg3[%get3A_2, %get3A_3] : memref<1000x1xf32, #tpu.memory_space<vmem>>, vector<1000x1xf32>
    %add3A = arith.addf %get3A_1, %get3A_4 : vector<1000x1xf32>
    %max3A = arith.constant 1.000000e+00 : f32
    %max3A_5 = vector.broadcast %max3A : f32 to vector<1000x1xf32>
    %max3A_6 = arith.maximumf %add3A, %max3A_5 : vector<1000x1xf32>
    %rsqrt3A = math.rsqrt %max3A_6 : vector<1000x1xf32>
    %swap3A = arith.constant 0 : index
    %swap3A_7 = arith.constant 0 : index
    %swap3A_8 = vector.load %arg6[%swap3A, %swap3A_7] : memref<1000x1xf32, #tpu.memory_space<vmem>>, vector<1000x1xf32>
    tpu.vector_store %arg6[%swap3A, %swap3A_7], %rsqrt3A {strides = array<i32>} : memref<1000x1xf32, #tpu.memory_space<vmem>>, vector<1000x1xf32>,
    %get3A_9 = arith.constant 0 : index
    %get3A_10 = arith.constant 0 : index
    %get3A_11 = vector.load %arg1[%get3A_9, %get3A_10] : memref<1000x128xf32, #tpu.memory_space<vmem>>, vector<1000x128xf32>
    %mul3A = vector.broadcast %rsqrt3A : vector<1000x1xf32> to vector<1000x128xf32>
    %mul3A_12 = arith.mulf %get3A_11, %mul3A : vector<1000x128xf32>
    %slice3A = vector.extract_strided_slice %mul3A_12 {offsets = [0, 0], sizes = [1000, 64], strides = [1, 1]} : vector<1000x128xf32> to vector<1000x64xf32>
    %swap3A_13 = arith.constant 0 : index
    %swap3A_14 = arith.constant 0 : index
    %swap3A_15 = vector.load %arg4[%swap3A_13, %swap3A_14] : memref<1000x64xf32, #tpu.memory_space<vmem>>, vector<1000x64xf32>
    tpu.vector_store %arg4[%swap3A_13, %swap3A_14], %slice3A {strides = array<i32>} : memref<1000x64xf32, #tpu.memory_space<vmem>>, vector<1000x64xf32>,
    %slice3A_16 = vector.extract_strided_slice %mul3A_12 {offsets = [0, 64], sizes = [1000, 64], strides = [1, 1]} : vector<1000x128xf32> to vector<1000x64xf32>
    %swap3A_17 = arith.constant 0 : index
    %swap3A_18 = arith.constant 0 : index
    %swap3A_19 = vector.load %arg5[%swap3A_17, %swap3A_18] : memref<1000x64xf32, #tpu.memory_space<vmem>>, vector<1000x64xf32>
    tpu.vector_store %arg5[%swap3A_17, %swap3A_18], %slice3A_16 {strides = array<i32>} : memref<1000x64xf32, #tpu.memory_space<vmem>>, vector<1000x64xf32>,
    return
  }
  func.func @transform_0(%arg0: i32) -> (i32, i32) {
    %c0_i32 = arith.constant 0 : i32
    %c0_i32_0 = arith.constant 0 : i32
    return %arg0, %c0_i32 : i32, i32
  }
  func.func @transform_1(%arg0: i32) -> (i32, i32) {
    %c0_i32 = arith.constant 0 : i32
    %c0_i32_0 = arith.constant 0 : i32
    return %arg0, %c0_i32 : i32, i32
  }
  func.func @transform_2(%arg0: i32) -> (i32, i32) {
    %c0_i32 = arith.constant 0 : i32
    %c0_i32_0 = arith.constant 0 : i32
    return %arg0, %c0_i32 : i32, i32
  }
  func.func @transform_3(%arg0: i32) -> (i32, i32) {
    %c0_i32 = arith.constant 0 : i32
    %c0_i32_0 = arith.constant 0 : i32
    return %arg0, %c0_i32 : i32, i32
  }
  func.func @transform_4(%arg0: i32) -> (i32, i32) {
    %c0_i32 = arith.constant 0 : i32
    %c0_i32_0 = arith.constant 0 : i32
    return %arg0, %c0_i32 : i32, i32
  }
  func.func @transform_5(%arg0: i32) -> (i32, i32) {
    %c0_i32 = arith.constant 0 : i32
    %c0_i32_0 = arith.constant 0 : i32
    return %arg0, %c0_i32 : i32, i32
  }
}

module attributes {stable_mosaic.version = 14 : i64} {
  func.func @_dense_body(%arg0: i32, %arg1: memref<1000x64xf32, #tpu.memory_space<vmem>>, %arg2: memref<1000x64xf32, #tpu.memory_space<vmem>>, %arg3: memref<1000x64xf32, #tpu.memory_space<vmem>>, %arg4: memref<1000x64xf32, #tpu.memory_space<vmem>>, %arg5: memref<1000x1xf32, #tpu.memory_space<vmem>>, %arg6: memref<128x128xf32, #tpu.memory_space<vmem>>, %arg7: memref<1000x64xf32, #tpu.memory_space<vmem>>, %arg8: memref<1000x64xf32, #tpu.memory_space<vmem>>) attributes {dimension_semantics = [#tpu.dimension_semantics<arbitrary>], iteration_bounds = array<i64: 10>, scalar_prefetch = 0 : i64, scratch_operands = 0 : i64, tpu.core_type = #tpu.core_type<tc>, window_params = [{transform_indices = @transform_0, window_bounds = array<i64: 1000, 64>}, {transform_indices = @transform_1, window_bounds = array<i64: 1000, 64>}, {transform_indices = @transform_2, window_bounds = array<i64: 1000, 64>}, {transform_indices = @transform_3, window_bounds = array<i64: 1000, 64>}, {transform_indices = @transform_4, window_bounds = array<i64: 1000, 1>}, {pipeline_mode = #tpu.pipeline_mode<synchronous>, transform_indices = @transform_5, window_bounds = array<i64: 128, 128>}, {transform_indices = @transform_6, window_bounds = array<i64: 1000, 64>}, {transform_indices = @transform_7, window_bounds = array<i64: 1000, 64>}]} {
    %get3A = arith.constant 0 : index
    %get3A_0 = arith.constant 0 : index
    %get3A_1 = vector.load %arg5[%get3A, %get3A_0] : memref<1000x1xf32, #tpu.memory_space<vmem>>, vector<1000x1xf32>
    %get3A_2 = arith.constant 0 : index
    %get3A_3 = arith.constant 0 : index
    %get3A_4 = vector.load %arg1[%get3A_2, %get3A_3] : memref<1000x64xf32, #tpu.memory_space<vmem>>, vector<1000x64xf32>
    %get3A_5 = arith.constant 0 : index
    %get3A_6 = arith.constant 0 : index
    %get3A_7 = vector.load %arg2[%get3A_5, %get3A_6] : memref<1000x64xf32, #tpu.memory_space<vmem>>, vector<1000x64xf32>
    %add3A = arith.addf %get3A_4, %get3A_7 : vector<1000x64xf32>
    %mul3A = vector.broadcast %get3A_1 : vector<1000x1xf32> to vector<1000x64xf32>
    %mul3A_8 = arith.mulf %add3A, %mul3A : vector<1000x64xf32>
    %get3A_9 = arith.constant 0 : index
    %get3A_10 = arith.constant 0 : index
    %get3A_11 = vector.load %arg3[%get3A_9, %get3A_10] : memref<1000x64xf32, #tpu.memory_space<vmem>>, vector<1000x64xf32>
    %get3A_12 = arith.constant 0 : index
    %get3A_13 = arith.constant 0 : index
    %get3A_14 = vector.load %arg4[%get3A_12, %get3A_13] : memref<1000x64xf32, #tpu.memory_space<vmem>>, vector<1000x64xf32>
    %add3A_15 = arith.addf %get3A_11, %get3A_14 : vector<1000x64xf32>
    %mul3A_16 = vector.broadcast %get3A_1 : vector<1000x1xf32> to vector<1000x64xf32>
    %mul3A_17 = arith.mulf %add3A_15, %mul3A_16 : vector<1000x64xf32>
    %get3A_18 = arith.constant 0 : index
    %get3A_19 = arith.constant 0 : index
    %get3A_20 = vector.load %arg6[%get3A_18, %get3A_19] : memref<128x128xf32, #tpu.memory_space<vmem>>, vector<128x128xf32>
    %slice3A = vector.extract_strided_slice %get3A_20 {offsets = [0, 0], sizes = [64, 128], strides = [1, 1]} : vector<128x128xf32> to vector<64x128xf32>
    %dot_general3A = arith.constant dense<0.000000e+00> : vector<1000x128xf32>
    %dot_general3A_21 = tpu.matmul %mul3A_8, %slice3A, %dot_general3A {dimension_numbers = #tpu.dot_dimension_numbers<[1], [0], [0], [1], [0, 0, 1, 1], [], []>, transpose_lhs_hint = false} : vector<1000x64xf32>, vector<64x128xf32>, vector<1000x128xf32> -> vector<1000x128xf32>
    %slice3A_22 = vector.extract_strided_slice %get3A_20 {offsets = [64, 0], sizes = [64, 128], strides = [1, 1]} : vector<128x128xf32> to vector<64x128xf32>
    %dot_general3A_23 = arith.constant dense<0.000000e+00> : vector<1000x128xf32>
    %dot_general3A_24 = tpu.matmul %mul3A_17, %slice3A_22, %dot_general3A_23 {dimension_numbers = #tpu.dot_dimension_numbers<[1], [0], [0], [1], [0, 0, 1, 1], [], []>, transpose_lhs_hint = false} : vector<1000x64xf32>, vector<64x128xf32>, vector<1000x128xf32> -> vector<1000x128xf32>
    %add3A_25 = arith.addf %dot_general3A_21, %dot_general3A_24 : vector<1000x128xf32>
    %max3A = arith.constant 0.000000e+00 : f32
    %max3A_26 = vector.broadcast %max3A : f32 to vector<1000x128xf32>
    %max3A_27 = arith.maximumf %add3A_25, %max3A_26 : vector<1000x128xf32>
    %mul3A_28 = vector.broadcast %get3A_1 : vector<1000x1xf32> to vector<1000x128xf32>
    %mul3A_29 = arith.mulf %max3A_27, %mul3A_28 : vector<1000x128xf32>
    %slice3A_30 = vector.extract_strided_slice %mul3A_29 {offsets = [0, 0], sizes = [1000, 64], strides = [1, 1]} : vector<1000x128xf32> to vector<1000x64xf32>
    %swap3A = arith.constant 0 : index
    %swap3A_31 = arith.constant 0 : index
    %swap3A_32 = vector.load %arg7[%swap3A, %swap3A_31] : memref<1000x64xf32, #tpu.memory_space<vmem>>, vector<1000x64xf32>
    tpu.vector_store %arg7[%swap3A, %swap3A_31], %slice3A_30 {strides = array<i32>} : memref<1000x64xf32, #tpu.memory_space<vmem>>, vector<1000x64xf32>,
    %slice3A_33 = vector.extract_strided_slice %mul3A_29 {offsets = [0, 64], sizes = [1000, 64], strides = [1, 1]} : vector<1000x128xf32> to vector<1000x64xf32>
    %swap3A_34 = arith.constant 0 : index
    %swap3A_35 = arith.constant 0 : index
    %swap3A_36 = vector.load %arg8[%swap3A_34, %swap3A_35] : memref<1000x64xf32, #tpu.memory_space<vmem>>, vector<1000x64xf32>
    tpu.vector_store %arg8[%swap3A_34, %swap3A_35], %slice3A_33 {strides = array<i32>} : memref<1000x64xf32, #tpu.memory_space<vmem>>, vector<1000x64xf32>,
    return
  }
  func.func @transform_0(%arg0: i32) -> (i32, i32) {
    %c0_i32 = arith.constant 0 : i32
    %c0_i32_0 = arith.constant 0 : i32
    return %arg0, %c0_i32 : i32, i32
  }
  func.func @transform_1(%arg0: i32) -> (i32, i32) {
    %c0_i32 = arith.constant 0 : i32
    %c0_i32_0 = arith.constant 0 : i32
    return %arg0, %c0_i32 : i32, i32
  }
  func.func @transform_2(%arg0: i32) -> (i32, i32) {
    %c0_i32 = arith.constant 0 : i32
    %c0_i32_0 = arith.constant 0 : i32
    return %arg0, %c0_i32 : i32, i32
  }
  func.func @transform_3(%arg0: i32) -> (i32, i32) {
    %c0_i32 = arith.constant 0 : i32
    %c0_i32_0 = arith.constant 0 : i32
    return %arg0, %c0_i32 : i32, i32
  }
  func.func @transform_4(%arg0: i32) -> (i32, i32) {
    %c0_i32 = arith.constant 0 : i32
    %c0_i32_0 = arith.constant 0 : i32
    return %arg0, %c0_i32 : i32, i32
  }
  func.func @transform_5(%arg0: i32) -> (i32, i32) {
    %c0_i32 = arith.constant 0 : i32
    %c0_i32_0 = arith.constant 0 : i32
    %c0_i32_1 = arith.constant 0 : i32
    return %c0_i32, %c0_i32_0 : i32, i32
  }
  func.func @transform_6(%arg0: i32) -> (i32, i32) {
    %c0_i32 = arith.constant 0 : i32
    %c0_i32_0 = arith.constant 0 : i32
    return %arg0, %c0_i32 : i32, i32
  }
  func.func @transform_7(%arg0: i32) -> (i32, i32) {
    %c0_i32 = arith.constant 0 : i32
    %c0_i32_0 = arith.constant 0 : i32
    return %arg0, %c0_i32 : i32, i32
  }
}

module attributes {stable_mosaic.version = 14 : i64} {
  func.func @_dense_body(%arg0: i32, %arg1: memref<1000x64xf32, #tpu.memory_space<vmem>>, %arg2: memref<1000x64xf32, #tpu.memory_space<vmem>>, %arg3: memref<1000x64xf32, #tpu.memory_space<vmem>>, %arg4: memref<1000x64xf32, #tpu.memory_space<vmem>>, %arg5: memref<1000x1xf32, #tpu.memory_space<vmem>>, %arg6: memref<128x128xf32, #tpu.memory_space<vmem>>, %arg7: memref<1000x128xf32, #tpu.memory_space<vmem>>) attributes {dimension_semantics = [#tpu.dimension_semantics<arbitrary>], iteration_bounds = array<i64: 10>, scalar_prefetch = 0 : i64, scratch_operands = 0 : i64, tpu.core_type = #tpu.core_type<tc>, window_params = [{transform_indices = @transform_0, window_bounds = array<i64: 1000, 64>}, {transform_indices = @transform_1, window_bounds = array<i64: 1000, 64>}, {transform_indices = @transform_2, window_bounds = array<i64: 1000, 64>}, {transform_indices = @transform_3, window_bounds = array<i64: 1000, 64>}, {transform_indices = @transform_4, window_bounds = array<i64: 1000, 1>}, {pipeline_mode = #tpu.pipeline_mode<synchronous>, transform_indices = @transform_5, window_bounds = array<i64: 128, 128>}, {transform_indices = @transform_6, window_bounds = array<i64: 1000, 128>}]} {
    %get3A = arith.constant 0 : index
    %get3A_0 = arith.constant 0 : index
    %get3A_1 = vector.load %arg5[%get3A, %get3A_0] : memref<1000x1xf32, #tpu.memory_space<vmem>>, vector<1000x1xf32>
    %get3A_2 = arith.constant 0 : index
    %get3A_3 = arith.constant 0 : index
    %get3A_4 = vector.load %arg1[%get3A_2, %get3A_3] : memref<1000x64xf32, #tpu.memory_space<vmem>>, vector<1000x64xf32>
    %get3A_5 = arith.constant 0 : index
    %get3A_6 = arith.constant 0 : index
    %get3A_7 = vector.load %arg2[%get3A_5, %get3A_6] : memref<1000x64xf32, #tpu.memory_space<vmem>>, vector<1000x64xf32>
    %add3A = arith.addf %get3A_4, %get3A_7 : vector<1000x64xf32>
    %mul3A = vector.broadcast %get3A_1 : vector<1000x1xf32> to vector<1000x64xf32>
    %mul3A_8 = arith.mulf %add3A, %mul3A : vector<1000x64xf32>
    %get3A_9 = arith.constant 0 : index
    %get3A_10 = arith.constant 0 : index
    %get3A_11 = vector.load %arg3[%get3A_9, %get3A_10] : memref<1000x64xf32, #tpu.memory_space<vmem>>, vector<1000x64xf32>
    %get3A_12 = arith.constant 0 : index
    %get3A_13 = arith.constant 0 : index
    %get3A_14 = vector.load %arg4[%get3A_12, %get3A_13] : memref<1000x64xf32, #tpu.memory_space<vmem>>, vector<1000x64xf32>
    %add3A_15 = arith.addf %get3A_11, %get3A_14 : vector<1000x64xf32>
    %mul3A_16 = vector.broadcast %get3A_1 : vector<1000x1xf32> to vector<1000x64xf32>
    %mul3A_17 = arith.mulf %add3A_15, %mul3A_16 : vector<1000x64xf32>
    %get3A_18 = arith.constant 0 : index
    %get3A_19 = arith.constant 0 : index
    %get3A_20 = vector.load %arg6[%get3A_18, %get3A_19] : memref<128x128xf32, #tpu.memory_space<vmem>>, vector<128x128xf32>
    %slice3A = vector.extract_strided_slice %get3A_20 {offsets = [0, 0], sizes = [64, 128], strides = [1, 1]} : vector<128x128xf32> to vector<64x128xf32>
    %dot_general3A = arith.constant dense<0.000000e+00> : vector<1000x128xf32>
    %dot_general3A_21 = tpu.matmul %mul3A_8, %slice3A, %dot_general3A {dimension_numbers = #tpu.dot_dimension_numbers<[1], [0], [0], [1], [0, 0, 1, 1], [], []>, transpose_lhs_hint = false} : vector<1000x64xf32>, vector<64x128xf32>, vector<1000x128xf32> -> vector<1000x128xf32>
    %slice3A_22 = vector.extract_strided_slice %get3A_20 {offsets = [64, 0], sizes = [64, 128], strides = [1, 1]} : vector<128x128xf32> to vector<64x128xf32>
    %dot_general3A_23 = arith.constant dense<0.000000e+00> : vector<1000x128xf32>
    %dot_general3A_24 = tpu.matmul %mul3A_17, %slice3A_22, %dot_general3A_23 {dimension_numbers = #tpu.dot_dimension_numbers<[1], [0], [0], [1], [0, 0, 1, 1], [], []>, transpose_lhs_hint = false} : vector<1000x64xf32>, vector<64x128xf32>, vector<1000x128xf32> -> vector<1000x128xf32>
    %add3A_25 = arith.addf %dot_general3A_21, %dot_general3A_24 : vector<1000x128xf32>
    %swap3A = arith.constant 0 : index
    %swap3A_26 = arith.constant 0 : index
    %swap3A_27 = vector.load %arg7[%swap3A, %swap3A_26] : memref<1000x128xf32, #tpu.memory_space<vmem>>, vector<1000x128xf32>
    tpu.vector_store %arg7[%swap3A, %swap3A_26], %add3A_25 {strides = array<i32>} : memref<1000x128xf32, #tpu.memory_space<vmem>>, vector<1000x128xf32>,
    return
  }
  func.func @transform_0(%arg0: i32) -> (i32, i32) {
    %c0_i32 = arith.constant 0 : i32
    %c0_i32_0 = arith.constant 0 : i32
    return %arg0, %c0_i32 : i32, i32
  }
  func.func @transform_1(%arg0: i32) -> (i32, i32) {
    %c0_i32 = arith.constant 0 : i32
    %c0_i32_0 = arith.constant 0 : i32
    return %arg0, %c0_i32 : i32, i32
  }
  func.func @transform_2(%arg0: i32) -> (i32, i32) {
    %c0_i32 = arith.constant 0 : i32
    %c0_i32_0 = arith.constant 0 : i32
    return %arg0, %c0_i32 : i32, i32
  }
  func.func @transform_3(%arg0: i32) -> (i32, i32) {
    %c0_i32 = arith.constant 0 : i32
    %c0_i32_0 = arith.constant 0 : i32
    return %arg0, %c0_i32 : i32, i32
  }
  func.func @transform_4(%arg0: i32) -> (i32, i32) {
    %c0_i32 = arith.constant 0 : i32
    %c0_i32_0 = arith.constant 0 : i32
    return %arg0, %c0_i32 : i32, i32
  }
  func.func @transform_5(%arg0: i32) -> (i32, i32) {
    %c0_i32 = arith.constant 0 : i32
    %c0_i32_0 = arith.constant 0 : i32
    %c0_i32_1 = arith.constant 0 : i32
    return %c0_i32, %c0_i32_0 : i32, i32
  }
  func.func @transform_6(%arg0: i32) -> (i32, i32) {
    %c0_i32 = arith.constant 0 : i32
    %c0_i32_0 = arith.constant 0 : i32
    return %arg0, %c0_i32 : i32, i32
  }
}

</mosaic_0001>

<sc_bundles>
// kernel: kernel.11.cloned.1.call-start
scs
__scs_entry_jumppad:
0x0: {  	(pc) =	sbr.rel $0x88, $3  }
0x1: {  	(tag) =	ssettag $0x0;
	lr =	simm.s32 $0x1  }
0x2: {  	[smem:$0x3F9D] =	sst lr;
	_ =	strace $0xD0000000  }
0x3: {  	_ = 	snop  }
0x4: {  	_ = 	snop  }
0x5: {  	_ = 	snop  }
0x6: {  	_ = 	snop  }
0x7: {  	_ = 	snop  }
__scs_overlays_trampoline_lowered:
0x8: {  	[smem:$0x3FAC] =	sst s0  }
0x9: {  	[smem:$0x3FAD] =	sst s1  }
0xa: {  	[smem:$0x3FAE] =	sst s2  }
0xb: {  	[smem:$0x3FAF] =	sst s3  }
0xc: {  	[smem:$0x3FB0] =	sst s4  }
0xd: {  	[smem:$0x3FB1] =	sst s5  }
0xe: {  	[smem:$0x3FB2] =	sst s6  }
0xf: {  	[smem:$0x3FB3] =	sst s7  }
0x10: {  	[smem:$0x3FB4] =	sst s8  }
0x11: {  	[smem:$0x3FB5] =	sst s9;
	s0 =	simm.s32 @!p0 $0x0  }
0x12: {  	s1 =	sld [smem:$0x3F9B];
	s0 =	simm.s32 @p0 $0x1  }
0x13: {  	[smem:$0x3FB6] =	sst s0;
	s0 =	simm.s32 @!p1 $0x0  }
0x14: {  	s2 =	sld [smem:$0x3F9A];
	s0 =	simm.s32 @p1 $0x1  }
0x15: {  	[smem:$0x3FB7] =	sst s0;
	s0 =	simm.s32 @!p2 $0x0  }
0x16: {  	s3 =	sld [smem:$0x3FDB];
	s0 =	simm.s32 @p2 $0x1  }
0x17: {  	s4 =	simm.s32 $0x1BF5;
	[smem:$0x3FB9] =	sst s0  }
0x18: {  	s0 =	sld [smem:$0x3F9C];
	_ =	swait.ge [sflag:s4], $0x0  }
0x19: {  	s7 =	sld [smem:$0x3F9D]  }
0x1a: {  	s8 =	sadd.s32 $0xFFFFE003, lr  }
0x1b: {  	s9 =	sadd.s32 $0xFFFFFEF7, lr;
	s5 =	simm.s32 $0xFFFFFFFF;
	p2 =	slt.u32 s8, $0xFFFFF086  }
0x1c: {  	p1 =	slt.u32 s9, $0xF7A;
	s5 =	simm.s32 @!p2 $0x0  }
0x1d: {  	s5 =	simm.s32 @p1 $0x1;
	p0 =	seq.s32 s7, s2  }
0x1e: {  	s7 =	smul.u32 @!p0 $0xF7A, s2;
	p2 =	seq.s32 @!p0 s5, $0x0  }
0x1f: {  	s9 =	smul.u32 $0xF7A, s1;
	s8 =	simm.s32 @!p0 $0x1BF5;
	p2 =	por !p2, p0  }
0x20: {  	[sflag:s8] =	ssyncset.s32 @!p0 $0xFFFFF086;
	s6 =	sadd.s32 @!p0 s3, s7;
	s7 =	simm.s32 @!p0 $0x108  }
0x21: {  	s3 =	sadd.s32 s3, s9;
	s6 =	sadd.s32 @!p0 $0x88, s6;
	s7 =	simm.s32 @p2 $0x1082  }
0x22: {  	[simem:s7], [sflag:s8] =	dma.local @!p0 [hbm:s6], $0xF7A  }
0x23: {  	s9 =	sor.u32 $0xD0000000, s2;
	s6 =	simm.s32 $0x108;
	_ =	swait.ge @!p0 [sflag:s8], $0x0  }
0x24: {  	s3 =	sadd.s32 $0x88, s3;
	s6 =	simm.s32 @!p1 $0x1082;
	[sflag:s4] =	ssyncset.s32 $0xFFFFF086  }
0x25: {  	[simem:s6], [sflag:s4] =	dma.local [hbm:s3], $0xF7A  }
0x26: {  	[smem:$0x3F9D] =	sst s1;
	(tag) =	ssettag s2;
	_ =	strace s9  }
0x27: {  	s1 =	sld [smem:$0x3FAD]  }
0x28: {  	s2 =	sld [smem:$0x3FAE]  }
0x29: {  	s4 =	sld [smem:$0x3FB0]  }
0x2a: {  	p0 =	seq.s32 s5, $0x0;
	s5 =	sld [smem:$0x3FB1]  }
0x2b: {  	s6 =	sld [smem:$0x3FB2]  }
0x2c: {  	s7 =	sld [smem:$0x3FB3]  }
0x2d: {  	s3 =	simm.s32 $0x108;
	s8 =	sld [smem:$0x3FB4]  }
0x2e: {  	s3 =	simm.s32 @!p0 $0x1082;
	s9 =	sld [smem:$0x3FB5]  }
0x2f: {  	lr =	sadd.s32 s0, s3;
	s0 =	sld [smem:$0x3FAC]  }
0x30: {  	s3 =	sld [smem:$0x3FAF]  }
0x31: {  	[smem:$0x3FB8] =	sst s10  }
0x32: {  	s10 =	sld [smem:$0x3FB6];
	_ =	sdelay $0x3  }
0x33: {  	p0 =	seq.s32 s10, $0x1;
	s10 =	sld [smem:$0x3FB8];
	_ =	sdelay $0x3  }
0x34: {  	[smem:$0x3FB8] =	sst s10  }
0x35: {  	s10 =	sld [smem:$0x3FB7];
	_ =	sdelay $0x3  }
0x36: {  	p1 =	seq.s32 s10, $0x1;
	s10 =	sld [smem:$0x3FB8];
	_ =	sdelay $0x3  }
0x37: {  	[smem:$0x3FB8] =	sst s10  }
0x38: {  	s10 =	sld [smem:$0x3FB9]  }
0x39: {  	_ = 	snop;
	(pc) =	sbr.ind lr, $3  }
0x3a: {  	_ = 	snop  }
0x3b: {  	_ = 	snop  }
0x3c: {  	p2 =	seq.s32 s10, $0x1;
	s10 =	sld [smem:$0x3FB8]  }
0x3d: {  	_ =	shalt  }
0x3e: {  	_ =	shalt  }
0x3f: {  	_ =	shalt  }
0x40: {  	_ =	shalt  }
0x41: {  	_ =	shalt  }
0x42: {  	_ =	shalt  }
0x43: {  	_ =	shalt  }
0x44: {  	_ =	shalt  }
0x45: {  	_ =	shalt  }
0x46: {  	_ =	shalt  }
0x47: {  	_ =	shalt  }
0x48: {  	_ =	shalt  }
0x49: {  	_ =	shalt  }
0x4a: {  	_ =	shalt  }
0x4b: {  	_ =	shalt  }
0x4c: {  	_ =	shalt  }
0x4d: {  	_ =	shalt  }
0x4e: {  	_ =	shalt  }
0x4f: {  	_ =	shalt  }
0x50: {  	_ =	shalt  }
0x51: {  	_ =	shalt  }
0x52: {  	_ =	shalt  }
0x53: {  	_ =	shalt  }
0x54: {  	_ =	shalt  }
0x55: {  	_ =	shalt  }
0x56: {  	_ =	shalt  }
0x57: {  	_ =	shalt  }
0x58: {  	_ =	shalt  }
0x59: {  	_ =	shalt  }
0x5a: {  	_ =	shalt  }
0x5b: {  	_ =	shalt  }
0x5c: {  	_ =	shalt  }
0x5d: {  	_ =	shalt  }
0x5e: {  	_ =	shalt  }
0x5f: {  	_ =	shalt  }
0x60: {  	_ =	shalt  }
0x61: {  	_ =	shalt  }
0x62: {  	_ =	shalt  }
0x63: {  	_ =	shalt  }
0x64: {  	_ =	shalt  }
0x65: {  	_ =	shalt  }
0x66: {  	_ =	shalt  }
0x67: {  	_ =	shalt  }
0x68: {  	_ =	shalt  }
0x69: {  	_ =	shalt  }
0x6a: {  	_ =	shalt  }
0x6b: {  	_ =	shalt  }
0x6c: {  	_ =	shalt  }
0x6d: {  	_ =	shalt  }
0x6e: {  	_ =	shalt  }
0x6f: {  	_ =	shalt  }
0x70: {  	_ =	shalt  }
0x71: {  	_ =	shalt  }
0x72: {  	_ =	shalt  }
0x73: {  	_ =	shalt  }
0x74: {  	_ =	shalt  }
0x75: {  	_ =	shalt  }
0x76: {  	_ =	shalt  }
0x77: {  	_ =	shalt  }
0x78: {  	_ =	shalt  }
0x79: {  	_ =	shalt  }
0x7a: {  	_ =	shalt  }
0x7b: {  	_ =	shalt  }
0x7c: {  	_ =	shalt  }
0x7d: {  	_ =	shalt  }
0x7e: {  	_ =	shalt  }
0x7f: {  	_ =	shalt  }
0x80: {  	_ =	shalt  }
0x81: {  	_ =	shalt  }
0x82: {  	_ =	shalt  }
0x83: {  	_ =	shalt  }
0x84: {  	_ =	shalt  }
0x85: {  	_ =	shalt  }
0x86: {  	_ =	shalt  }
0x87: {  	_ =	shalt  }
.Lfunc_end0:
.L_simem_size_0:
called_computation.1_lowered:
.L_overlay_start_0:
0x88: {  	s2 =	sld [smem:$0x3FD9]  }
0x89: {  	s3 =	sld [smem:$0x3FFE];
	_ =	sdelay $0x1  }
0x8a: {  	s1 =	srdreg.scid  }
0x8b: {  	s0 =	sand.u32 $0x1, s1  }
0x8c: {  	s17 =	sshll.u32 s0, $0xA;
	s2 =	sadd.s32 s3, s2  }
0x8d: {  	s2 =	sadd.s32 s2, s17  }
0x8e: {  	[smem:$0x3FC4] =	sst s2  }
0x8f: {  	_ = 	snop  }
0x90: {  	s2 =	sld [smem:$0x3FD0];
	(tm) =	ssettm $0x1  }
0x91: {  	s18 =	sld [smem:$0x3FFB];
	_ =	sdelay $0x3  }
0x92: {  	_ =	strace s18  }
0x93: {  	s3 =	sld [smem:$0x3FFC];
	_ =	sdelay $0x3  }
0x94: {  	_ =	strace s3  }
0x95: {  	s3 =	sld [smem:$0x3FFD];
	_ =	sdelay $0x3  }
0x96: {  	_ =	strace s3  }
0x97: {  	_ =	strace $0x8FFFFFFF  }
0x98: {  	s19 =	sld [smem:$0x3FDB];
	_ =	sdelay $0x1  }
0x99: {  	s4 =	simm.s32 $_scs_section_size  }
0x9a: {  	s5 =	simm.s32 $_size__tile_overlayer_lowered;
	s6 =	simm.s32 $_tile_overlayer_lowered  }
0x9b: {  	s22 =	simm.s32 $0x1BFF;
	s21 =	sshll.u32 s6, $0x1;
	s3 =	sadd.s32 s4, s19  }
0x9c: {  	s7 =	simm.s32 $0x0;
	s20 =	sshll.u32 s5, $0x1;
	s5 =	sadd.s32 s21, s3  }
0x9d: {  	[timem:s7], [sflag:s22] =	dma.local [hbm:s5], s20  }
0x9e: {  	_ =	swait.ge [sflag:s22], s20  }
0x9f: {  	s4 =	ssub.s32 $0x0, s20;
	[sflag:s22] =	ssyncset.done $0x0  }
0xa0: {  	[sflag:s22] =	ssyncadd.s32 s4;
	_ =	sdelay $0x1  }
0xa1: {  	s23 =	simm.s32 $0x1B8B  }
0xa2: {  	_ =	swait.ge [sflag:s23], $0x1  }
0xa3: {  	[sflag:s23] =	ssyncset.done $0x0  }
0xa4: {  	s25 =	simm.s32 $0x1B8E;
	s24 =	sld [smem:$0x3FFE];
	[sflag:s23] =	ssyncadd.s32 $0xFFFFFFFF  }
0xa5: {  	s26 =	simm.s32 $execute0_lowered;
	[smem:$0x3FD2] =	sst s25  }
0xa6: {  	s5 =	sshll.u32 s26, $0x1;
	_ =	strace $0x80000049;
	[dreg:$0x1] =	wrdreg $0xFFFFFFFF  }
0xa7: {  	s28 =	simm.s32 $_size_execute0_lowered;
	s3 =	sadd.s32 s3, s5;
	[dreg:$0x0] =	wrdreg $0x0  }
0xa8: {  	s5 =	sshll.u32 s28, $0x1;
	[dreg:$0x2] =	wrdreg s3  }
0xa9: {  	[dreg:$0x3] =	wrdreg s5  }
0xaa: {  	[dreg:$0x4] =	wrdreg $0xC0  }
0xab: {  	_ =	task [dreg:s7], $0x5FFFF  }
0xac: {  	[dreg:$0x1] =	wrdreg $0xFFFFFFFF  }
0xad: {  	[dreg:$0x0] =	wrdreg $0x60  }
0xae: {  	[dreg:$0x2] =	wrdreg s2  }
0xaf: {  	[dreg:$0x3] =	wrdreg s24  }
0xb0: {  	[dreg:$0x4] =	wrdreg $0x8A200  }
0xb1: {  	[dreg:$0x5] =	wrdreg $0x9  }
0xb2: {  	_ =	task.clear_ibuf [dreg:s7], $0x6FFFF;
	_ =	strace $0x90000049  }
0xb3: {  	s29 =	simm.s32 $0x9;
	_ =	strace $0x8000004B  }
0xb4: {  	_ =	swait.ge [sflag:s29], $0x1  }
0xb5: {  	[sflag:s29] =	ssyncadd.s32 $0xFFFFFFFF  }
0xb6: {  	_ =	strace $0x9000004B  }
0xb7: {  	_ =	sfence  }
0xb8: {  	s30 =	sld [smem:$0x0];
	_ =	sdelay $0x2  }
0xb9: {  	s31 =	sshll.u32 s1, $0xD;
	s1 =	sshrl.u32 s1, $0x2  }
0xba: {  	s3 =	sand.u32 $0x4000, s31;
	s1 =	sadd.s32 s1, s30  }
0xbb: {  	s0 =	sor.u32 s3, s0;
	s1 =	sshll.u32 s1, $0x11  }
0xbc: {  	s0 =	sor.u32 s1, s0  }
0xbd: {  	s0 =	sadd.s32 $0x8F2B, s0  }
0xbe: {  	[sflag:s0] =	ssyncadd.remote.s32 $0x1  }
0xbf: {  	_ =	sfence.sel $0xFFFF  }
0xc0: {  	[dreg:$0x0] =	wrdreg $0xFFFFFFFF;
	(pc) =	sbr.abs _section_cstart, $3  }
0xc1: {  	[dreg:$0x1] =	wrdreg $0xFFFFFFFF  }
0xc2: {  	_ =	task.clear_ibuf [dreg:s7], $0x2FFFF;
	_ =	strace $0x9FFFFFFF  }
0xc3: {  	(tm) =	ssettm $0x7FFFFFFF  }
tec
execute0_lowered:
.L_overlay_start_1:
0x0: {  	(tag) =	ssettag $0x1  }
0x1: {  	s0 =	rddreg [dreg:$0x0]  }
0x2: {  	s1 =	rddreg [dreg:$0x1];
	s4 =	srdreg.scid  }
0x3: {  	s2 =	stileid.u32;
	s3 =	rddreg [dreg:$0x2];
	s6 =	simm.s32 $0x0  }
0x4: {  	s29 =	simm.s32 $0x7620;
	s30 =	simm.s32 $0x50;
	s31 =	simm.s32 $0x4E20  }
0x5: {  	s28 =	simm.s32 $0x1;
	s4 =	sand.u32 $0x1, s4;
	s7 =	smul.u32 $0x9C00, s2  }
0x6: {  	s5 =	sshll.u32 s2, $0x1;
	[smem:$0x7FF] =	sst s6;
	s9 =	smul.u32 $0x27000, s2  }
0x7: {  	p1 =	seq.s32 s2, $0x0;
	s16 =	sadd.s32 $0x9C000, s3;
	s20 =	sadd.s32 $0x78A00, s1  }
0x8: {  	p3 =	sne.s32 s2, $0x0;
	s5 =	sor.u32 s4, s5;
	_ =	strace $0x8000004A  }
0x9: {  	s8 =	ssub.s32 $0x2, s4;
	p0 =	seq.s32 s4, $0x1;
	s19 =	sor.u32 s4, s2  }
0xa: {  	[dreg:$0x9] =	wrdreg s20;
	p2 =	sne.s32 s4, $0x0;
	s4 =	simm.s32 $0x2  }
0xb: {  	s21 =	smul.u32 $0x4E2, s5;
	s5 =	sadd.s32 $0x3DE00, s1;
	s10 =	sshrl.u32 s7, $0x3  }
0xc: {  	s11 =	sshrl.u32 s8, $0x1;
	s22 =	sshrl.u32 s9, $0x2;
	p1 =	por !p1, !p0  }
0xd: {  	s17 =	sadd.s32 s10, s1;
	s18 =	ssub.s32 s8, s11;
	s24 =	sadd.s32 s22, s3  }
0xe: {  	s6 =	sadd.s32 s21, s1;
	s9 =	sadd.s32 $0x1400, s24;
	s26 =	sadd.s32 $0x3C00, s24  }
0xf: {  	s25 =	sadd.s32 $0x2800, s24;
	s10 =	sadd.s32 $0x65200, s17;
	[dreg:$0x6] =	wrdreg s26  }
0x10: {  	s12 =	sadd.s32 $0x5000, s24;
	s11 =	sadd.s32 $0x51800, s17;
	[dreg:$0x7] =	wrdreg s10  }
0x11: {  	s13 =	sadd.s32 $0x6400, s24;
	s21 =	sadd.s32 $0x65000, s1;
	[dreg:$0x8] =	wrdreg s11  }
0x12: {  	s14 =	sadd.s32 $0x7800, s24;
	s22 =	sadd.s32 $0x78C00, s17;
	[dreg:$0xa] =	wrdreg s21  }
0x13: {  	s15 =	sadd.s32 $0x8C00, s24;
	s24 =	sadd.s32 $0x8C400, s1;
	[dreg:$0xb] =	wrdreg s22  }
0x14: {  	p4 =	sne.s32 s19, $0x0;
	s1 =	sadd.s32 $0x9FE00, s1;
	[dreg:$0xd] =	wrdreg s24  }
0x15: {  	s8 =	sadd.s32 s7, s3;
	s23 =	sadd.s32 $0x3000, s6;
	[dreg:$0xe] =	wrdreg s1  }
0x16: {  	p1 =	por !p1, !p1;
	s6 =	sadd.s32 $0xCE00, s6;
	[dreg:$0x4] =	wrdreg s23  }
0x17: {  	s7 =	simm.s32 $0x0;
	s26 =	smax.u32 s18, $0x1;
	[dreg:$0x5] =	wrdreg s6  }
0x18: {  	s1 =	simm.s32 $0x6220;
	s23 =	sadd.s32 $0x8C600, s17;
	[dreg:$0xf] =	wrdreg s26  }
0x19: {  	v0 =	vimm.f32 $0.0e+00;
	s24 =	simm.s32 $0x4DD0;
	s26 =	simm.s32 $0x3;
	[dreg:$0xc] =	wrdreg s23  }
.LBB2_1:
0x1a: {  	s2 =	simm.s32 $0x0;
	s6 =	rddreg [dreg:$0x4]  }
0x1b: {  	[tilespmem:s2], [sflag:$0x3] =	stream.linear.gather [hbm4b:s6+s2], $0x2710, $0x38;
	[tilespmem:$0x12660] =	vst v63  }
0x1c: {  	_ =	swait.ge [sflag:s26], $0x2710  }
0x1d: {  	[sflag:s26] =	ssyncset.done $0x0  }
0x1e: {  	s10 =	simm.s32 $0x2710;
	s23 =	rddreg [dreg:$0x5];
	[sflag:s26] =	ssyncadd.s32 $0xFFFFD8F0  }
0x1f: {  	[tilespmem:s10], [sflag:$0x3] =	stream.linear.gather [hbm4b:s23+s2], $0x2710, $0x38;
	[tilespmem:$0x12660] =	vst v63  }
0x20: {  	_ =	swait.ge [sflag:s26], $0x2710  }
0x21: {  	[sflag:s26] =	ssyncset.done $0x0  }
0x22: {  	s18 =	simm.s32 $0x100;
	s17 =	simm.s32 $0x0;
	[sflag:s26] =	ssyncadd.s32 $0xFFFFD8F0  }
.LBB2_2:
0x23: {  	p5 =	sne.s32 s18, $0x4F00;
	[tilespmem:s17+$0x7650] =	vst v0;
	s19 =	smov.u32 s18;
	s18 =	sadd.s32 $0x100, s18  }
.Ltmp0:
0x24: {  	[tilespmem:s17+$0x7640] =	vst v0;
	(pc) =	sbr.rel @p5 .LBB2_2-.Ltmp0, $3  }
0x25: {  	[tilespmem:s17+$0x7620] =	vst v0  }
0x26: {  	[tilespmem:s17+$0x7630] =	vst v0;
	_ =	sdelay $0x1  }
0x27: {  	s17 =	sshra.s32 s19, $0x2  }
0x28: {  	[tilespmem:s17+$0x7650] =	vst v0  }
0x29: {  	[tilespmem:s17+$0x7640] =	vst v0  }
0x2a: {  	[tilespmem:s17+$0x7620] =	vst v0  }
0x2b: {  	[tilespmem:s17+$0x7630] =	vst v0  }
0x2c: {  	[spmem:s8] =	stream.linear.scatter [tilespmem:s29], [sflag:$0x3], $0x1400, $0x38;
	[tilespmem:$0x12660] =	vst v63  }
0x2d: {  	_ =	swait.ge [sflag:s26], $0x1400  }
0x2e: {  	[sflag:s26] =	ssyncset.done $0x0  }
0x2f: {  	[sflag:s26] =	ssyncadd.s32 $0xFFFFEC00  }
0x30: {  	[spmem:s9] =	stream.linear.scatter [tilespmem:s29], [sflag:$0x3], $0x1400, $0x38;
	[tilespmem:$0x12660] =	vst v63  }
0x31: {  	_ =	swait.ge [sflag:s26], $0x1400  }
0x32: {  	[sflag:s26] =	ssyncset.done $0x0  }
0x33: {  	[sflag:s26] =	ssyncadd.s32 $0xFFFFEC00  }
0x34: {  	[spmem:s25] =	stream.linear.scatter [tilespmem:s29], [sflag:$0x3], $0x1400, $0x38;
	[tilespmem:$0x12660] =	vst v63  }
0x35: {  	_ =	swait.ge [sflag:s26], $0x1400  }
0x36: {  	[sflag:s26] =	ssyncset.done $0x0  }
0x37: {  	s2 =	rddreg [dreg:$0x6];
	[sflag:s26] =	ssyncadd.s32 $0xFFFFEC00  }
0x38: {  	[spmem:s2] =	stream.linear.scatter [tilespmem:s29], [sflag:$0x3], $0x1400, $0x38;
	[tilespmem:$0x12660] =	vst v63  }
0x39: {  	_ =	swait.ge [sflag:s26], $0x1400  }
0x3a: {  	[sflag:s26] =	ssyncset.done $0x0  }
0x3b: {  	[sflag:s26] =	ssyncadd.s32 $0xFFFFEC00  }
0x3c: {  	[spmem:s12] =	stream.linear.scatter [tilespmem:s29], [sflag:$0x3], $0x1400, $0x38;
	[tilespmem:$0x12660] =	vst v63  }
0x3d: {  	_ =	swait.ge [sflag:s26], $0x1400  }
0x3e: {  	[sflag:s26] =	ssyncset.done $0x0  }
0x3f: {  	[sflag:s26] =	ssyncadd.s32 $0xFFFFEC00  }
0x40: {  	[spmem:s13] =	stream.linear.scatter [tilespmem:s29], [sflag:$0x3], $0x1400, $0x38;
	[tilespmem:$0x12660] =	vst v63  }
0x41: {  	_ =	swait.ge [sflag:s26], $0x1400  }
0x42: {  	[sflag:s26] =	ssyncset.done $0x0  }
0x43: {  	[sflag:s26] =	ssyncadd.s32 $0xFFFFEC00  }
0x44: {  	[spmem:s14] =	stream.linear.scatter [tilespmem:s29], [sflag:$0x3], $0x1400, $0x38;
	[tilespmem:$0x12660] =	vst v63  }
0x45: {  	_ =	swait.ge [sflag:s26], $0x1400  }
0x46: {  	[sflag:s26] =	ssyncset.done $0x0  }
0x47: {  	[sflag:s26] =	ssyncadd.s32 $0xFFFFEC00  }
0x48: {  	[spmem:s15] =	stream.linear.scatter [tilespmem:s29], [sflag:$0x3], $0x1000, $0x38;
	[tilespmem:$0x12660] =	vst v63  }
0x49: {  	_ =	swait.ge [sflag:s26], $0x1000  }
0x4a: {  	[sflag:s26] =	ssyncset.done $0x0  }
0x4b: {  	s17 =	simm.s32 @!p3 $0x7620;
	[sflag:s26] =	ssyncadd.s32 $0xFFFFF000  }
0x4c: {  	[spmem:s16] =	stream.linear.scatter @!p3 [tilespmem:s17], [sflag:$0x3], $0x400, $0x38;
	[tilespmem:$0x12660] =	vst v63  }
0x4d: {  	s17 =	simm.s32 @!p3 $0x3  }
0x4e: {  	_ =	swait.ge @!p3 [sflag:s17], $0x400  }
0x4f: {  	[sflag:s17] =	ssyncset.done @!p3 $0x0  }
0x50: {  	[sflag:s17] =	ssyncadd.s32 @!p3 $0xFFFFFC00  }
0x51: {  	s19 =	simm.s32 $0x0;
	[bflag:$0x0] =	sbarrier.arrive $0xFFFF  }
0x52: {  	[tilespmem:s31], [sflag:$0x1] =	stream.indirect.gather [hbm4b:s0+s30], $0x40, s19, s30, $0xb8;
	[tilespmem:$0x12660] =	vst v63  }
0x53: {  	s20 =	simm.s32 $0x50  }
0x54: {  	[tilespmem:s1], [sflag:$0x2] =	stream.indirect.gather [hbm4b:s0+s30], $0x40, s20, s30, $0xb8;
	[tilespmem:$0x12660] =	vst v63  }
0x55: {  	_ =	swait.ge [sflag:s28], $0x1400  }
0x56: {  	[sflag:s28] =	ssyncset.done $0x0  }
0x57: {  	s21 =	simm.s32 $0x2710;
	[sflag:s28] =	ssyncadd.s32 $0xFFFFEC00  }
0x58: {  	[spmem:s3] =	stream.indirect.scatter.add.f32 [tilespmem:s31], [sflag:$0x3], $0x40, s21, s30, $0xb8;
	[tilespmem:$0x12660] =	vst v63  }
0x59: {  	_ =	swait.ge [sflag:s26], $0x1400  }
0x5a: {  	[sflag:s26] =	ssyncset.done $0x0  }
0x5b: {  	s22 =	simm.s32 $0xA0;
	[sflag:s26] =	ssyncadd.s32 $0xFFFFEC00  }
0x5c: {  	[tilespmem:s31], [sflag:$0x1] =	stream.indirect.gather [hbm4b:s0+s30], $0x40, s22, s30, $0xb8;
	[tilespmem:$0x12660] =	vst v63  }
0x5d: {  	_ =	swait.ge [sflag:s4], $0x1400  }
0x5e: {  	[sflag:s4] =	ssyncset.done $0x0  }
0x5f: {  	s23 =	simm.s32 $0x2760;
	[sflag:s4] =	ssyncadd.s32 $0xFFFFEC00  }
0x60: {  	[spmem:s3] =	stream.indirect.scatter.add.f32 [tilespmem:s1], [sflag:$0x3], $0x40, s23, s30, $0xb8;
	[tilespmem:$0x12660] =	vst v63  }
0x61: {  	_ =	swait.ge [sflag:s26], $0x1400  }
0x62: {  	s18 =	simm.s32 $0x500;
	s17 =	simm.s32 $0xA0;
	[sflag:s26] =	ssyncset.done $0x0  }
.LBB2_4:
0x63: {  	s19 =	sadd.s32 $0x50, s17  }
0x64: {  	[sflag:s26] =	ssyncadd.s32 $0xFFFFEC00;
	s20 =	smov.u32 s18;
	s21 =	sadd.s32 $0x280, s18  }
0x65: {  	[tilespmem:s1], [sflag:$0x2] =	stream.indirect.gather [hbm4b:s0+s30], $0x40, s19, s30, $0xb8;
	[tilespmem:$0x12660] =	vst v63  }
0x66: {  	p5 =	sne.s32 s18, $0x9880;
	_ =	swait.ge [sflag:s28], $0x1400  }
0x67: {  	[sflag:s28] =	ssyncset.done $0x0  }
0x68: {  	s18 =	sadd.s32 $0x2710, s17;
	[sflag:s28] =	ssyncadd.s32 $0xFFFFEC00  }
0x69: {  	[spmem:s3] =	stream.indirect.scatter.add.f32 [tilespmem:s31], [sflag:$0x3], $0x40, s18, s30, $0xb8;
	[tilespmem:$0x12660] =	vst v63  }
0x6a: {  	_ =	swait.ge [sflag:s26], $0x1400  }
0x6b: {  	[sflag:s26] =	ssyncset.done $0x0  }
0x6c: {  	s18 =	sadd.s32 $0xA0, s17;
	[sflag:s26] =	ssyncadd.s32 $0xFFFFEC00  }
0x6d: {  	[tilespmem:s31], [sflag:$0x1] =	stream.indirect.gather [hbm4b:s0+s30], $0x40, s18, s30, $0xb8;
	[tilespmem:$0x12660] =	vst v63  }
0x6e: {  	_ =	swait.ge [sflag:s4], $0x1400  }
.Ltmp1:
0x6f: {  	[sflag:s4] =	ssyncset.done $0x0;
	(pc) =	sbr.rel @p5 .LBB2_4-.Ltmp1, $4  }
0x70: {  	s17 =	sadd.s32 $0x2760, s17;
	[sflag:s4] =	ssyncadd.s32 $0xFFFFEC00  }
0x71: {  	[spmem:s3] =	stream.indirect.scatter.add.f32 [tilespmem:s1], [sflag:$0x3], $0x40, s17, s30, $0xb8;
	[tilespmem:$0x12660] =	vst v63  }
0x72: {  	_ =	swait.ge [sflag:s26], $0x1400  }
0x73: {  	s18 =	smov.u32 s21;
	s17 =	sshra.s32 s20, $0x2;
	[sflag:s26] =	ssyncset.done $0x0  }
0x74: {  	s18 =	sadd.s32 $0x50, s17;
	[sflag:s26] =	ssyncadd.s32 $0xFFFFEC00  }
0x75: {  	[tilespmem:s1], [sflag:$0x2] =	stream.indirect.gather [hbm4b:s0+s30], $0x40, s18, s30, $0xb8;
	[tilespmem:$0x12660] =	vst v63  }
0x76: {  	_ =	swait.ge [sflag:s28], $0x1400  }
0x77: {  	[sflag:s28] =	ssyncset.done $0x0  }
0x78: {  	s21 =	sadd.s32 $0x2710, s17;
	[sflag:s28] =	ssyncadd.s32 $0xFFFFEC00  }
0x79: {  	[spmem:s3] =	stream.indirect.scatter.add.f32 [tilespmem:s31], [sflag:$0x3], $0x40, s21, s30, $0xb8;
	[tilespmem:$0x12660] =	vst v63  }
0x7a: {  	_ =	swait.ge [sflag:s26], $0x1400  }
0x7b: {  	[sflag:s26] =	ssyncset.done $0x0  }
0x7c: {  	s22 =	sadd.s32 $0xA0, s17;
	[sflag:s26] =	ssyncadd.s32 $0xFFFFEC00  }
0x7d: {  	[tilespmem:s31], [sflag:$0x1] =	stream.indirect.gather [hbm4b:s0+s30], $0x40, s22, s30, $0xb8;
	[tilespmem:$0x12660] =	vst v63  }
0x7e: {  	_ =	swait.ge [sflag:s4], $0x1400  }
0x7f: {  	[sflag:s4] =	ssyncset.done $0x0  }
0x80: {  	s23 =	sadd.s32 $0x2760, s17;
	[sflag:s4] =	ssyncadd.s32 $0xFFFFEC00  }
0x81: {  	[spmem:s3] =	stream.indirect.scatter.add.f32 [tilespmem:s1], [sflag:$0x3], $0x40, s23, s30, $0xb8;
	[tilespmem:$0x12660] =	vst v63  }
0x82: {  	_ =	swait.ge [sflag:s26], $0x1400  }
0x83: {  	[sflag:s26] =	ssyncset.done $0x0  }
0x84: {  	[sflag:s26] =	ssyncadd.s32 $0xFFFFEC00  }
0x85: {  	_ =	swait.ge [sflag:s28], $0x1400  }
0x86: {  	[sflag:s28] =	ssyncset.done $0x0  }
0x87: {  	[sflag:s28] =	ssyncadd.s32 $0xFFFFEC00  }
0x88: {  	[spmem:s3] =	stream.indirect.scatter.add.f32 [tilespmem:s31], [sflag:$0x3], $0x40, s24, s30, $0xb8;
	[tilespmem:$0x12660] =	vst v63  }
0x89: {  	_ =	swait.ge [sflag:s26], $0x1400  }
0x8a: {  	[sflag:s26] =	ssyncset.done $0x0  }
0x8b: {  	s2 =	stileid.u32;
	[sflag:s26] =	ssyncadd.s32 $0xFFFFEC00  }
0x8c: {  	s19 =	simm.s32 @!p2 $0x3;
	s17 =	sshll.u32 @!p2 s2, $0x6;
	[bflag:$0x0] =	sbarrier.arrive $0xFFFF  }
0x8d: {  	s18 =	sshrl.u32 @!p2 s8, $0x3;
	s17 =	sor.u32 @!p2 $0x1C03, s17;
	s6 =	rddreg [dreg:$0x7]  }
0x8e: {  	[hbm:s6], [sflag:s17] =	dma.local @!p2 [spmem:s18], $0x1380  }
0x8f: {  	s20 =	sshll.u32 @p0 s2, $0x6;
	_ =	swait.ge @!p2 [sflag:s19], $0x1380  }
0x90: {  	s21 =	simm.s32 @p0 $0x3;
	[sflag:s19] =	ssyncset.done @!p2 $0x0;
	s6 =	rddreg [dreg:$0x8]  }
0x91: {  	[sflag:s19] =	ssyncadd.s32 @!p2 $0xFFFFEC80;
	s19 =	sor.u32 @p0 $0x1C03, s20;
	s20 =	sshrl.u32 @p0 s8, $0x3  }
0x92: {  	[hbm:s6], [sflag:s19] =	dma.local @p0 [spmem:s20], $0x1380  }
0x93: {  	s22 =	sshll.u32 @!p4 s2, $0x6;
	_ =	swait.ge @p0 [sflag:s21], $0x1380  }
0x94: {  	s23 =	simm.s32 @!p4 $0x3;
	[sflag:s21] =	ssyncset.done @p0 $0x0;
	s2 =	rddreg [dreg:$0x9]  }
0x95: {  	[sflag:s21] =	ssyncadd.s32 @p0 $0xFFFFEC80;
	s21 =	sor.u32 @!p4 $0x1C03, s22;
	s22 =	sshrl.u32 @!p4 s16, $0x3  }
0x96: {  	[hbm:s2], [sflag:s21] =	dma.local @!p4 [spmem:s22], $0x80  }
0x97: {  	_ =	swait.ge @!p4 [sflag:s23], $0x80  }
0x98: {  	s24 =	simm.s32 @p1 $0x1C03;
	[sflag:s23] =	ssyncset.done @!p4 $0x0  }
0x99: {  	s2 =	rddreg [dreg:$0xa];
	[sflag:s23] =	ssyncadd.s32 @!p4 $0xFFFFFF80;
	s23 =	sshrl.u32 @p1 s16, $0x3  }
0x9a: {  	[hbm:s2], [sflag:s24] =	dma.local @p1 [spmem:s23], $0x80  }
0x9b: {  	s24 =	simm.s32 @p1 $0x3  }
0x9c: {  	_ =	swait.ge @p1 [sflag:s24], $0x80  }
0x9d: {  	[sflag:s24] =	ssyncset.done @p1 $0x0  }
0x9e: {  	[sflag:s24] =	ssyncadd.s32 @p1 $0xFFFFFF80  }
0x9f: {  	[spmem:s8] =	stream.linear.scatter [tilespmem:s29], [sflag:$0x3], $0x1400, $0x38;
	[tilespmem:$0x12660] =	vst v63  }
0xa0: {  	_ =	swait.ge [sflag:s26], $0x1400  }
0xa1: {  	[sflag:s26] =	ssyncset.done $0x0  }
0xa2: {  	[sflag:s26] =	ssyncadd.s32 $0xFFFFEC00  }
0xa3: {  	[spmem:s9] =	stream.linear.scatter [tilespmem:s29], [sflag:$0x3], $0x1400, $0x38;
	[tilespmem:$0x12660] =	vst v63  }
0xa4: {  	_ =	swait.ge [sflag:s26], $0x1400  }
0xa5: {  	[sflag:s26] =	ssyncset.done $0x0  }
0xa6: {  	[sflag:s26] =	ssyncadd.s32 $0xFFFFEC00  }
0xa7: {  	[spmem:s25] =	stream.linear.scatter [tilespmem:s29], [sflag:$0x3], $0x1400, $0x38;
	[tilespmem:$0x12660] =	vst v63  }
0xa8: {  	_ =	swait.ge [sflag:s26], $0x1400  }
0xa9: {  	[sflag:s26] =	ssyncset.done $0x0  }
0xaa: {  	s24 =	rddreg [dreg:$0x6];
	[sflag:s26] =	ssyncadd.s32 $0xFFFFEC00  }
0xab: {  	[spmem:s24] =	stream.linear.scatter [tilespmem:s29], [sflag:$0x3], $0x1400, $0x38;
	[tilespmem:$0x12660] =	vst v63  }
0xac: {  	_ =	swait.ge [sflag:s26], $0x1400  }
0xad: {  	[sflag:s26] =	ssyncset.done $0x0  }
0xae: {  	[sflag:s26] =	ssyncadd.s32 $0xFFFFEC00  }
0xaf: {  	[spmem:s12] =	stream.linear.scatter [tilespmem:s29], [sflag:$0x3], $0x1400, $0x38;
	[tilespmem:$0x12660] =	vst v63  }
0xb0: {  	_ =	swait.ge [sflag:s26], $0x1400  }
0xb1: {  	[sflag:s26] =	ssyncset.done $0x0  }
0xb2: {  	[sflag:s26] =	ssyncadd.s32 $0xFFFFEC00  }
0xb3: {  	[spmem:s13] =	stream.linear.scatter [tilespmem:s29], [sflag:$0x3], $0x1400, $0x38;
	[tilespmem:$0x12660] =	vst v63  }
0xb4: {  	_ =	swait.ge [sflag:s26], $0x1400  }
0xb5: {  	[sflag:s26] =	ssyncset.done $0x0  }
0xb6: {  	[sflag:s26] =	ssyncadd.s32 $0xFFFFEC00  }
0xb7: {  	[spmem:s14] =	stream.linear.scatter [tilespmem:s29], [sflag:$0x3], $0x1400, $0x38;
	[tilespmem:$0x12660] =	vst v63  }
0xb8: {  	_ =	swait.ge [sflag:s26], $0x1400  }
0xb9: {  	[sflag:s26] =	ssyncset.done $0x0  }
0xba: {  	[sflag:s26] =	ssyncadd.s32 $0xFFFFEC00  }
0xbb: {  	[spmem:s15] =	stream.linear.scatter [tilespmem:s29], [sflag:$0x3], $0x1000, $0x38;
	[tilespmem:$0x12660] =	vst v63  }
0xbc: {  	_ =	swait.ge [sflag:s26], $0x1000  }
0xbd: {  	[sflag:s26] =	ssyncset.done $0x0  }
0xbe: {  	s24 =	simm.s32 @!p3 $0x7620;
	[sflag:s26] =	ssyncadd.s32 $0xFFFFF000  }
0xbf: {  	[spmem:s16] =	stream.linear.scatter @!p3 [tilespmem:s24], [sflag:$0x3], $0x400, $0x38;
	[tilespmem:$0x12660] =	vst v63  }
0xc0: {  	s24 =	simm.s32 @!p3 $0x3  }
0xc1: {  	_ =	swait.ge @!p3 [sflag:s24], $0x400  }
0xc2: {  	[sflag:s24] =	ssyncset.done @!p3 $0x0  }
0xc3: {  	[sflag:s24] =	ssyncadd.s32 @!p3 $0xFFFFFC00  }
0xc4: {  	s11 =	smov.u32 s25;
	s25 =	simm.s32 $0x0;
	[bflag:$0x0] =	sbarrier.arrive $0xFFFF  }
0xc5: {  	[tilespmem:s31], [sflag:$0x1] =	stream.indirect.gather [hbm4b:s5+s30], $0x40, s25, s30, $0xb8;
	[tilespmem:$0x12660] =	vst v63  }
0xc6: {  	s2 =	simm.s32 $0x50  }
0xc7: {  	[tilespmem:s1], [sflag:$0x2] =	stream.indirect.gather [hbm4b:s5+s30], $0x40, s2, s30, $0xb8;
	[tilespmem:$0x12660] =	vst v63  }
0xc8: {  	_ =	swait.ge [sflag:s28], $0x1400  }
0xc9: {  	[sflag:s28] =	ssyncset.done $0x0  }
0xca: {  	s6 =	simm.s32 $0x2710;
	[sflag:s28] =	ssyncadd.s32 $0xFFFFEC00  }
0xcb: {  	[spmem:s3] =	stream.indirect.scatter.add.f32 [tilespmem:s31], [sflag:$0x3], $0x40, s6, s30, $0xb8;
	[tilespmem:$0x12660] =	vst v63  }
0xcc: {  	_ =	swait.ge [sflag:s26], $0x1400  }
0xcd: {  	[sflag:s26] =	ssyncset.done $0x0  }
0xce: {  	s10 =	smov.u32 s9;
	s9 =	simm.s32 $0xA0;
	[sflag:s26] =	ssyncadd.s32 $0xFFFFEC00  }
0xcf: {  	[tilespmem:s31], [sflag:$0x1] =	stream.indirect.gather [hbm4b:s5+s30], $0x40, s9, s30, $0xb8;
	[tilespmem:$0x12660] =	vst v63  }
0xd0: {  	_ =	swait.ge [sflag:s4], $0x1400  }
0xd1: {  	[sflag:s4] =	ssyncset.done $0x0  }
0xd2: {  	s25 =	simm.s32 $0x2760;
	[sflag:s4] =	ssyncadd.s32 $0xFFFFEC00  }
0xd3: {  	[spmem:s3] =	stream.indirect.scatter.add.f32 [tilespmem:s1], [sflag:$0x3], $0x40, s25, s30, $0xb8;
	[tilespmem:$0x12660] =	vst v63  }
0xd4: {  	_ =	swait.ge [sflag:s26], $0x1400  }
0xd5: {  	s24 =	simm.s32 $0xA0;
	s25 =	simm.s32 $0x500;
	[sflag:s26] =	ssyncset.done $0x0  }
.LBB2_6:
0xd6: {  	s6 =	sadd.s32 $0x50, s24  }
0xd7: {  	[sflag:s26] =	ssyncadd.s32 $0xFFFFEC00;
	s2 =	smov.u32 s25;
	s9 =	sadd.s32 $0x280, s25  }
0xd8: {  	[tilespmem:s1], [sflag:$0x2] =	stream.indirect.gather [hbm4b:s5+s30], $0x40, s6, s30, $0xb8;
	[tilespmem:$0x12660] =	vst v63  }
0xd9: {  	p5 =	sne.s32 s25, $0x9880;
	_ =	swait.ge [sflag:s28], $0x1400  }
0xda: {  	[sflag:s28] =	ssyncset.done $0x0  }
0xdb: {  	s6 =	sadd.s32 $0x2710, s24;
	[sflag:s28] =	ssyncadd.s32 $0xFFFFEC00  }
0xdc: {  	[spmem:s3] =	stream.indirect.scatter.add.f32 [tilespmem:s31], [sflag:$0x3], $0x40, s6, s30, $0xb8;
	[tilespmem:$0x12660] =	vst v63  }
0xdd: {  	_ =	swait.ge [sflag:s26], $0x1400  }
0xde: {  	[sflag:s26] =	ssyncset.done $0x0  }
0xdf: {  	s6 =	sadd.s32 $0xA0, s24;
	[sflag:s26] =	ssyncadd.s32 $0xFFFFEC00  }
0xe0: {  	[tilespmem:s31], [sflag:$0x1] =	stream.indirect.gather [hbm4b:s5+s30], $0x40, s6, s30, $0xb8;
	[tilespmem:$0x12660] =	vst v63  }
0xe1: {  	_ =	swait.ge [sflag:s4], $0x1400  }
.Ltmp2:
0xe2: {  	[sflag:s4] =	ssyncset.done $0x0;
	(pc) =	sbr.rel @p5 .LBB2_6-.Ltmp2, $4  }
0xe3: {  	s6 =	sadd.s32 $0x2760, s24;
	[sflag:s4] =	ssyncadd.s32 $0xFFFFEC00  }
0xe4: {  	[spmem:s3] =	stream.indirect.scatter.add.f32 [tilespmem:s1], [sflag:$0x3], $0x40, s6, s30, $0xb8;
	[tilespmem:$0x12660] =	vst v63  }
0xe5: {  	_ =	swait.ge [sflag:s26], $0x1400  }
0xe6: {  	s25 =	smov.u32 s9;
	s24 =	sshra.s32 s2, $0x2;
	[sflag:s26] =	ssyncset.done $0x0  }
0xe7: {  	s2 =	sadd.s32 $0x50, s24;
	[sflag:s26] =	ssyncadd.s32 $0xFFFFEC00  }
0xe8: {  	[tilespmem:s1], [sflag:$0x2] =	stream.indirect.gather [hbm4b:s5+s30], $0x40, s2, s30, $0xb8;
	[tilespmem:$0x12660] =	vst v63  }
0xe9: {  	_ =	swait.ge [sflag:s28], $0x1400  }
0xea: {  	[sflag:s28] =	ssyncset.done $0x0  }
0xeb: {  	s6 =	sadd.s32 $0x2710, s24;
	[sflag:s28] =	ssyncadd.s32 $0xFFFFEC00  }
0xec: {  	[spmem:s3] =	stream.indirect.scatter.add.f32 [tilespmem:s31], [sflag:$0x3], $0x40, s6, s30, $0xb8;
	[tilespmem:$0x12660] =	vst v63  }
0xed: {  	_ =	swait.ge [sflag:s26], $0x1400  }
0xee: {  	[sflag:s26] =	ssyncset.done $0x0  }
0xef: {  	s9 =	sadd.s32 $0xA0, s24;
	[sflag:s26] =	ssyncadd.s32 $0xFFFFEC00  }
0xf0: {  	[tilespmem:s31], [sflag:$0x1] =	stream.indirect.gather [hbm4b:s5+s30], $0x40, s9, s30, $0xb8;
	[tilespmem:$0x12660] =	vst v63  }
0xf1: {  	_ =	swait.ge [sflag:s4], $0x1400  }
0xf2: {  	[sflag:s4] =	ssyncset.done $0x0  }
0xf3: {  	s24 =	sadd.s32 $0x2760, s24;
	[sflag:s4] =	ssyncadd.s32 $0xFFFFEC00  }
0xf4: {  	[spmem:s3] =	stream.indirect.scatter.add.f32 [tilespmem:s1], [sflag:$0x3], $0x40, s24, s30, $0xb8;
	[tilespmem:$0x12660] =	vst v63  }
0xf5: {  	_ =	swait.ge [sflag:s26], $0x1400  }
0xf6: {  	[sflag:s26] =	ssyncset.done $0x0  }
0xf7: {  	[sflag:s26] =	ssyncadd.s32 $0xFFFFEC00  }
0xf8: {  	_ =	swait.ge [sflag:s28], $0x1400  }
0xf9: {  	[sflag:s28] =	ssyncset.done $0x0  }
0xfa: {  	s24 =	simm.s32 $0x4DD0;
	[sflag:s28] =	ssyncadd.s32 $0xFFFFEC00  }
0xfb: {  	[spmem:s3] =	stream.indirect.scatter.add.f32 [tilespmem:s31], [sflag:$0x3], $0x40, s24, s30, $0xb8;
	[tilespmem:$0x12660] =	vst v63  }
0xfc: {  	_ =	swait.ge [sflag:s26], $0x1400  }
0xfd: {  	[sflag:s26] =	ssyncset.done $0x0  }
0xfe: {  	[sflag:s26] =	ssyncadd.s32 $0xFFFFEC00  }
0xff: {  	[bflag:$0x0] =	sbarrier.arrive $0xFFFF  }
0x100: {  	s2 =	rddreg [dreg:$0xb]  }
0x101: {  	[hbm:s2], [sflag:s17] =	dma.local @!p2 [spmem:s18], $0x1380  }
0x102: {  	s2 =	simm.s32 @!p2 $0x3  }
0x103: {  	_ =	swait.ge @!p2 [sflag:s2], $0x1380  }
0x104: {  	[sflag:s2] =	ssyncset.done @!p2 $0x0  }
0x105: {  	[sflag:s2] =	ssyncadd.s32 @!p2 $0xFFFFEC80;
	s2 =	rddreg [dreg:$0xc]  }
0x106: {  	[hbm:s2], [sflag:s19] =	dma.local @p0 [spmem:s20], $0x1380  }
0x107: {  	s2 =	simm.s32 @p0 $0x3  }
0x108: {  	_ =	swait.ge @p0 [sflag:s2], $0x1380  }
0x109: {  	[sflag:s2] =	ssyncset.done @p0 $0x0  }
0x10a: {  	[sflag:s2] =	ssyncadd.s32 @p0 $0xFFFFEC80;
	s2 =	rddreg [dreg:$0xd]  }
0x10b: {  	[hbm:s2], [sflag:s21] =	dma.local @!p4 [spmem:s22], $0x80  }
0x10c: {  	s2 =	simm.s32 @!p4 $0x3  }
0x10d: {  	_ =	swait.ge @!p4 [sflag:s2], $0x80  }
0x10e: {  	[sflag:s2] =	ssyncset.done @!p4 $0x0  }
0x10f: {  	s6 =	rddreg [dreg:$0xe];
	[sflag:s2] =	ssyncadd.s32 @!p4 $0xFFFFFF80;
	s2 =	simm.s32 @p1 $0x1C03  }
0x110: {  	[hbm:s6], [sflag:s2] =	dma.local @p1 [spmem:s23], $0x80  }
0x111: {  	s2 =	simm.s32 @p1 $0x3  }
0x112: {  	_ =	swait.ge @p1 [sflag:s2], $0x80  }
0x113: {  	s7 =	sadd.s32 $0x1, s7;
	s25 =	rddreg [dreg:$0xf]  }
0x114: {  	p5 =	sne.s32 s7, s25  }
.Ltmp3:
0x115: {  	_ = 	snop;
	(pc) =	sbr.rel @p5 .LBB2_1-.Ltmp3, $3  }
0x116: {  	_ =	sdelay $0x1  }
0x117: {  	[sflag:s2] =	ssyncset.done @p1 $0x0  }
0x118: {  	s9 =	smov.u32 s10;
	[sflag:s2] =	ssyncadd.s32 @p1 $0xFFFFFF80;
	s25 =	smov.u32 s11  }
0x119: {  	_ =	sfence.sel $0x180000  }
0x11a: {  	[bflag:$0x0] =	sbarrier.arrive $0xFFFF  }
0x11b: {  	_ =	strace $0x9000004A  }
0x11c: {  	[bflag:$0x2] =	sbarrier.arrive $0xFFFF  }
0x11d: {  	s0 =	rddreg [dreg:$0x3]  }
0x11e: {  	s0 =	sadd.s32 @!p3 $0x100000, s0  }
0x11f: {  	[sflag:s0] =	ssyncadd.tile.s32 @!p3 $0x1;
	_ =	shalt  }
.Lfunc_end2:
_tile_overlayer_lowered:
.L_overlay_start_2:
0x120: {  	(tag) =	ssettag $0x2  }
0x121: {  	s0 =	rddreg [dreg:$0x0];
	s2 =	stileid.u32  }
0x122: {  	s1 =	rddreg [dreg:$0x1];
	p0 =	sne.s32 s2, $0x0  }
0x123: {  	s3 =	rddreg [dreg:$0x2];
	[bflag:$0x3] =	sbarrier.arrive $0xFFFF;
	s2 =	simm.s32 @!p0 $0x1C03  }
0x124: {  	[timem:s3], [sflag:s2] =	dma.local @!p0 [hbm:s0], s1  }
0x125: {  	s0 =	simm.s32 @!p0 $0x3  }
0x126: {  	_ =	swait.ge @!p0 [sflag:s0], s1  }
0x127: {  	s1 =	ssub.s32 @!p0 $0x0, s1;
	[sflag:s0] =	ssyncset.done @!p0 $0x0  }
0x128: {  	[sflag:s0] =	ssyncadd.s32 @!p0 s1  }
0x129: {  	[bflag:$0x3] =	sbarrier.arrive $0xFFFF  }
0x12a: {  	_ =	shalt  }

// kernel: kernel.14.cloned.1.call-start
scs
__scs_entry_jumppad:
0x0: {  	(pc) =	sbr.rel $0x88, $3  }
0x1: {  	(tag) =	ssettag $0x0;
	lr =	simm.s32 $0x1  }
0x2: {  	[smem:$0x3F9D] =	sst lr;
	_ =	strace $0xD0000000  }
0x3: {  	_ = 	snop  }
0x4: {  	_ = 	snop  }
0x5: {  	_ = 	snop  }
0x6: {  	_ = 	snop  }
0x7: {  	_ = 	snop  }
__scs_overlays_trampoline_lowered:
0x8: {  	[smem:$0x3FAC] =	sst s0  }
0x9: {  	[smem:$0x3FAD] =	sst s1  }
0xa: {  	[smem:$0x3FAE] =	sst s2  }
0xb: {  	[smem:$0x3FAF] =	sst s3  }
0xc: {  	[smem:$0x3FB0] =	sst s4  }
0xd: {  	[smem:$0x3FB1] =	sst s5  }
0xe: {  	[smem:$0x3FB2] =	sst s6  }
0xf: {  	[smem:$0x3FB3] =	sst s7  }
0x10: {  	[smem:$0x3FB4] =	sst s8  }
0x11: {  	[smem:$0x3FB5] =	sst s9;
	s0 =	simm.s32 @!p0 $0x0  }
0x12: {  	s1 =	sld [smem:$0x3F9B];
	s0 =	simm.s32 @p0 $0x1  }
0x13: {  	[smem:$0x3FB6] =	sst s0;
	s0 =	simm.s32 @!p1 $0x0  }
0x14: {  	s2 =	sld [smem:$0x3F9A];
	s0 =	simm.s32 @p1 $0x1  }
0x15: {  	[smem:$0x3FB7] =	sst s0;
	s0 =	simm.s32 @!p2 $0x0  }
0x16: {  	s3 =	sld [smem:$0x3FDB];
	s0 =	simm.s32 @p2 $0x1  }
0x17: {  	s4 =	simm.s32 $0x1BF5;
	[smem:$0x3FB9] =	sst s0  }
0x18: {  	s0 =	sld [smem:$0x3F9C];
	_ =	swait.ge [sflag:s4], $0x0  }
0x19: {  	s7 =	sld [smem:$0x3F9D]  }
0x1a: {  	s8 =	sadd.s32 $0xFFFFE003, lr  }
0x1b: {  	s9 =	sadd.s32 $0xFFFFFEF7, lr;
	s5 =	simm.s32 $0xFFFFFFFF;
	p2 =	slt.u32 s8, $0xFFFFF086  }
0x1c: {  	p1 =	slt.u32 s9, $0xF7A;
	s5 =	simm.s32 @!p2 $0x0  }
0x1d: {  	s5 =	simm.s32 @p1 $0x1;
	p0 =	seq.s32 s7, s2  }
0x1e: {  	s7 =	smul.u32 @!p0 $0xF7A, s2;
	p2 =	seq.s32 @!p0 s5, $0x0  }
0x1f: {  	s9 =	smul.u32 $0xF7A, s1;
	s8 =	simm.s32 @!p0 $0x1BF5;
	p2 =	por !p2, p0  }
0x20: {  	[sflag:s8] =	ssyncset.s32 @!p0 $0xFFFFF086;
	s6 =	sadd.s32 @!p0 s3, s7;
	s7 =	simm.s32 @!p0 $0x108  }
0x21: {  	s3 =	sadd.s32 s3, s9;
	s6 =	sadd.s32 @!p0 $0x88, s6;
	s7 =	simm.s32 @p2 $0x1082  }
0x22: {  	[simem:s7], [sflag:s8] =	dma.local @!p0 [hbm:s6], $0xF7A  }
0x23: {  	s9 =	sor.u32 $0xD0000000, s2;
	s6 =	simm.s32 $0x108;
	_ =	swait.ge @!p0 [sflag:s8], $0x0  }
0x24: {  	s3 =	sadd.s32 $0x88, s3;
	s6 =	simm.s32 @!p1 $0x1082;
	[sflag:s4] =	ssyncset.s32 $0xFFFFF086  }
0x25: {  	[simem:s6], [sflag:s4] =	dma.local [hbm:s3], $0xF7A  }
0x26: {  	[smem:$0x3F9D] =	sst s1;
	(tag) =	ssettag s2;
	_ =	strace s9  }
0x27: {  	s1 =	sld [smem:$0x3FAD]  }
0x28: {  	s2 =	sld [smem:$0x3FAE]  }
0x29: {  	s4 =	sld [smem:$0x3FB0]  }
0x2a: {  	p0 =	seq.s32 s5, $0x0;
	s5 =	sld [smem:$0x3FB1]  }
0x2b: {  	s6 =	sld [smem:$0x3FB2]  }
0x2c: {  	s7 =	sld [smem:$0x3FB3]  }
0x2d: {  	s3 =	simm.s32 $0x108;
	s8 =	sld [smem:$0x3FB4]  }
0x2e: {  	s3 =	simm.s32 @!p0 $0x1082;
	s9 =	sld [smem:$0x3FB5]  }
0x2f: {  	lr =	sadd.s32 s0, s3;
	s0 =	sld [smem:$0x3FAC]  }
0x30: {  	s3 =	sld [smem:$0x3FAF]  }
0x31: {  	[smem:$0x3FB8] =	sst s10  }
0x32: {  	s10 =	sld [smem:$0x3FB6];
	_ =	sdelay $0x3  }
0x33: {  	p0 =	seq.s32 s10, $0x1;
	s10 =	sld [smem:$0x3FB8];
	_ =	sdelay $0x3  }
0x34: {  	[smem:$0x3FB8] =	sst s10  }
0x35: {  	s10 =	sld [smem:$0x3FB7];
	_ =	sdelay $0x3  }
0x36: {  	p1 =	seq.s32 s10, $0x1;
	s10 =	sld [smem:$0x3FB8];
	_ =	sdelay $0x3  }
0x37: {  	[smem:$0x3FB8] =	sst s10  }
0x38: {  	s10 =	sld [smem:$0x3FB9]  }
0x39: {  	_ = 	snop;
	(pc) =	sbr.ind lr, $3  }
0x3a: {  	_ = 	snop  }
0x3b: {  	_ = 	snop  }
0x3c: {  	p2 =	seq.s32 s10, $0x1;
	s10 =	sld [smem:$0x3FB8]  }
0x3d: {  	_ =	shalt  }
0x3e: {  	_ =	shalt  }
0x3f: {  	_ =	shalt  }
0x40: {  	_ =	shalt  }
0x41: {  	_ =	shalt  }
0x42: {  	_ =	shalt  }
0x43: {  	_ =	shalt  }
0x44: {  	_ =	shalt  }
0x45: {  	_ =	shalt  }
0x46: {  	_ =	shalt  }
0x47: {  	_ =	shalt  }
0x48: {  	_ =	shalt  }
0x49: {  	_ =	shalt  }
0x4a: {  	_ =	shalt  }
0x4b: {  	_ =	shalt  }
0x4c: {  	_ =	shalt  }
0x4d: {  	_ =	shalt  }
0x4e: {  	_ =	shalt  }
0x4f: {  	_ =	shalt  }
0x50: {  	_ =	shalt  }
0x51: {  	_ =	shalt  }
0x52: {  	_ =	shalt  }
0x53: {  	_ =	shalt  }
0x54: {  	_ =	shalt  }
0x55: {  	_ =	shalt  }
0x56: {  	_ =	shalt  }
0x57: {  	_ =	shalt  }
0x58: {  	_ =	shalt  }
0x59: {  	_ =	shalt  }
0x5a: {  	_ =	shalt  }
0x5b: {  	_ =	shalt  }
0x5c: {  	_ =	shalt  }
0x5d: {  	_ =	shalt  }
0x5e: {  	_ =	shalt  }
0x5f: {  	_ =	shalt  }
0x60: {  	_ =	shalt  }
0x61: {  	_ =	shalt  }
0x62: {  	_ =	shalt  }
0x63: {  	_ =	shalt  }
0x64: {  	_ =	shalt  }
0x65: {  	_ =	shalt  }
0x66: {  	_ =	shalt  }
0x67: {  	_ =	shalt  }
0x68: {  	_ =	shalt  }
0x69: {  	_ =	shalt  }
0x6a: {  	_ =	shalt  }
0x6b: {  	_ =	shalt  }
0x6c: {  	_ =	shalt  }
0x6d: {  	_ =	shalt  }
0x6e: {  	_ =	shalt  }
0x6f: {  	_ =	shalt  }
0x70: {  	_ =	shalt  }
0x71: {  	_ =	shalt  }
0x72: {  	_ =	shalt  }
0x73: {  	_ =	shalt  }
0x74: {  	_ =	shalt  }
0x75: {  	_ =	shalt  }
0x76: {  	_ =	shalt  }
0x77: {  	_ =	shalt  }
0x78: {  	_ =	shalt  }
0x79: {  	_ =	shalt  }
0x7a: {  	_ =	shalt  }
0x7b: {  	_ =	shalt  }
0x7c: {  	_ =	shalt  }
0x7d: {  	_ =	shalt  }
0x7e: {  	_ =	shalt  }
0x7f: {  	_ =	shalt  }
0x80: {  	_ =	shalt  }
0x81: {  	_ =	shalt  }
0x82: {  	_ =	shalt  }
0x83: {  	_ =	shalt  }
0x84: {  	_ =	shalt  }
0x85: {  	_ =	shalt  }
0x86: {  	_ =	shalt  }
0x87: {  	_ =	shalt  }
.Lfunc_end0:
.L_simem_size_0:
called_computation.2_lowered:
.L_overlay_start_0:
0x88: {  	s2 =	sld [smem:$0x3FD9]  }
0x89: {  	s3 =	sld [smem:$0x3FFE];
	_ =	sdelay $0x1  }
0x8a: {  	s1 =	srdreg.scid  }
0x8b: {  	s0 =	sand.u32 $0x1, s1  }
0x8c: {  	s17 =	sshll.u32 s0, $0xA;
	s2 =	sadd.s32 s3, s2  }
0x8d: {  	s2 =	sadd.s32 s2, s17  }
0x8e: {  	[smem:$0x3FC4] =	sst s2  }
0x8f: {  	_ = 	snop  }
0x90: {  	s2 =	sld [smem:$0x3FD0];
	(tm) =	ssettm $0x1  }
0x91: {  	s18 =	sld [smem:$0x3FFB];
	_ =	sdelay $0x3  }
0x92: {  	_ =	strace s18  }
0x93: {  	s3 =	sld [smem:$0x3FFC];
	_ =	sdelay $0x3  }
0x94: {  	_ =	strace s3  }
0x95: {  	s3 =	sld [smem:$0x3FFD];
	_ =	sdelay $0x3  }
0x96: {  	_ =	strace s3  }
0x97: {  	_ =	strace $0x8FFFFFFF  }
0x98: {  	s19 =	sld [smem:$0x3FDB];
	_ =	sdelay $0x1  }
0x99: {  	s4 =	simm.s32 $_scs_section_size  }
0x9a: {  	s5 =	simm.s32 $_size__tile_overlayer_lowered;
	s6 =	simm.s32 $_tile_overlayer_lowered  }
0x9b: {  	s22 =	simm.s32 $0x1BFF;
	s21 =	sshll.u32 s6, $0x1;
	s3 =	sadd.s32 s4, s19  }
0x9c: {  	s7 =	simm.s32 $0x0;
	s20 =	sshll.u32 s5, $0x1;
	s5 =	sadd.s32 s21, s3  }
0x9d: {  	[timem:s7], [sflag:s22] =	dma.local [hbm:s5], s20  }
0x9e: {  	_ =	swait.ge [sflag:s22], s20  }
0x9f: {  	s4 =	ssub.s32 $0x0, s20;
	[sflag:s22] =	ssyncset.done $0x0  }
0xa0: {  	[sflag:s22] =	ssyncadd.s32 s4;
	_ =	sdelay $0x1  }
0xa1: {  	s23 =	simm.s32 $0x1B8B  }
0xa2: {  	_ =	swait.ge [sflag:s23], $0x1  }
0xa3: {  	[sflag:s23] =	ssyncset.done $0x0  }
0xa4: {  	s25 =	simm.s32 $0x1B8E;
	s24 =	sld [smem:$0x3FFE];
	[sflag:s23] =	ssyncadd.s32 $0xFFFFFFFF  }
0xa5: {  	s26 =	simm.s32 $execute0_lowered;
	[smem:$0x3FD2] =	sst s25  }
0xa6: {  	s5 =	sshll.u32 s26, $0x1;
	_ =	strace $0x8000004C;
	[dreg:$0x1] =	wrdreg $0xFFFFFFFF  }
0xa7: {  	s28 =	simm.s32 $_size_execute0_lowered;
	s3 =	sadd.s32 s3, s5;
	[dreg:$0x0] =	wrdreg $0x0  }
0xa8: {  	s5 =	sshll.u32 s28, $0x1;
	[dreg:$0x2] =	wrdreg s3  }
0xa9: {  	[dreg:$0x3] =	wrdreg s5  }
0xaa: {  	[dreg:$0x4] =	wrdreg $0xC0  }
0xab: {  	_ =	task [dreg:s7], $0x5FFFF  }
0xac: {  	[dreg:$0x1] =	wrdreg $0xFFFFFFFF  }
0xad: {  	[dreg:$0x0] =	wrdreg $0x60  }
0xae: {  	[dreg:$0x2] =	wrdreg s2  }
0xaf: {  	[dreg:$0x3] =	wrdreg s24  }
0xb0: {  	[dreg:$0x4] =	wrdreg $0x8A200  }
0xb1: {  	[dreg:$0x5] =	wrdreg $0x9  }
0xb2: {  	_ =	task.clear_ibuf [dreg:s7], $0x6FFFF;
	_ =	strace $0x9000004C  }
0xb3: {  	s29 =	simm.s32 $0x9;
	_ =	strace $0x8000004E  }
0xb4: {  	_ =	swait.ge [sflag:s29], $0x1  }
0xb5: {  	[sflag:s29] =	ssyncadd.s32 $0xFFFFFFFF  }
0xb6: {  	_ =	strace $0x9000004E  }
0xb7: {  	_ =	sfence  }
0xb8: {  	s30 =	sld [smem:$0x0];
	_ =	sdelay $0x2  }
0xb9: {  	s31 =	sshll.u32 s1, $0xD;
	s1 =	sshrl.u32 s1, $0x2  }
0xba: {  	s3 =	sand.u32 $0x4000, s31;
	s1 =	sadd.s32 s1, s30  }
0xbb: {  	s0 =	sor.u32 s3, s0;
	s1 =	sshll.u32 s1, $0x11  }
0xbc: {  	s0 =	sor.u32 s1, s0  }
0xbd: {  	s0 =	sadd.s32 $0x8F2B, s0  }
0xbe: {  	[sflag:s0] =	ssyncadd.remote.s32 $0x1  }
0xbf: {  	_ =	sfence.sel $0xFFFF  }
0xc0: {  	[dreg:$0x0] =	wrdreg $0xFFFFFFFF;
	(pc) =	sbr.abs _section_cstart, $3  }
0xc1: {  	[dreg:$0x1] =	wrdreg $0xFFFFFFFF  }
0xc2: {  	_ =	task.clear_ibuf [dreg:s7], $0x2FFFF;
	_ =	strace $0x9FFFFFFF  }
0xc3: {  	(tm) =	ssettm $0x7FFFFFFF  }
tec
execute0_lowered:
.L_overlay_start_1:
0x0: {  	(tag) =	ssettag $0x1  }
0x1: {  	s0 =	rddreg [dreg:$0x0]  }
0x2: {  	s1 =	rddreg [dreg:$0x1];
	s4 =	srdreg.scid  }
0x3: {  	s2 =	stileid.u32;
	s3 =	rddreg [dreg:$0x2];
	s6 =	simm.s32 $0x0  }
0x4: {  	s29 =	simm.s32 $0x7620;
	s30 =	simm.s32 $0x50;
	s31 =	simm.s32 $0x4E20  }
0x5: {  	s28 =	simm.s32 $0x1;
	s4 =	sand.u32 $0x1, s4;
	s7 =	smul.u32 $0x9C00, s2  }
0x6: {  	s5 =	sshll.u32 s2, $0x1;
	[smem:$0x7FF] =	sst s6;
	s9 =	smul.u32 $0x27000, s2  }
0x7: {  	p1 =	seq.s32 s2, $0x0;
	s16 =	sadd.s32 $0x9C000, s3;
	s20 =	sadd.s32 $0x78A00, s1  }
0x8: {  	p3 =	sne.s32 s2, $0x0;
	s5 =	sor.u32 s4, s5;
	_ =	strace $0x8000004D  }
0x9: {  	s8 =	ssub.s32 $0x2, s4;
	p0 =	seq.s32 s4, $0x1;
	s19 =	sor.u32 s4, s2  }
0xa: {  	[dreg:$0x9] =	wrdreg s20;
	p2 =	sne.s32 s4, $0x0;
	s4 =	simm.s32 $0x2  }
0xb: {  	s21 =	smul.u32 $0x4E2, s5;
	s5 =	sadd.s32 $0x3DE00, s1;
	s10 =	sshrl.u32 s7, $0x3  }
0xc: {  	s11 =	sshrl.u32 s8, $0x1;
	s22 =	sshrl.u32 s9, $0x2;
	p1 =	por !p1, !p0  }
0xd: {  	s17 =	sadd.s32 s10, s1;
	s18 =	ssub.s32 s8, s11;
	s24 =	sadd.s32 s22, s3  }
0xe: {  	s6 =	sadd.s32 s21, s1;
	s9 =	sadd.s32 $0x1400, s24;
	s26 =	sadd.s32 $0x3C00, s24  }
0xf: {  	s25 =	sadd.s32 $0x2800, s24;
	s10 =	sadd.s32 $0x65200, s17;
	[dreg:$0x6] =	wrdreg s26  }
0x10: {  	s12 =	sadd.s32 $0x5000, s24;
	s11 =	sadd.s32 $0x51800, s17;
	[dreg:$0x7] =	wrdreg s10  }
0x11: {  	s13 =	sadd.s32 $0x6400, s24;
	s21 =	sadd.s32 $0x65000, s1;
	[dreg:$0x8] =	wrdreg s11  }
0x12: {  	s14 =	sadd.s32 $0x7800, s24;
	s22 =	sadd.s32 $0x78C00, s17;
	[dreg:$0xa] =	wrdreg s21  }
0x13: {  	s15 =	sadd.s32 $0x8C00, s24;
	s24 =	sadd.s32 $0x8C400, s1;
	[dreg:$0xb] =	wrdreg s22  }
0x14: {  	p4 =	sne.s32 s19, $0x0;
	s1 =	sadd.s32 $0x9FE00, s1;
	[dreg:$0xd] =	wrdreg s24  }
0x15: {  	s8 =	sadd.s32 s7, s3;
	s23 =	sadd.s32 $0x3000, s6;
	[dreg:$0xe] =	wrdreg s1  }
0x16: {  	p1 =	por !p1, !p1;
	s6 =	sadd.s32 $0xCE00, s6;
	[dreg:$0x4] =	wrdreg s23  }
0x17: {  	s7 =	simm.s32 $0x0;
	s26 =	smax.u32 s18, $0x1;
	[dreg:$0x5] =	wrdreg s6  }
0x18: {  	s1 =	simm.s32 $0x6220;
	s23 =	sadd.s32 $0x8C600, s17;
	[dreg:$0xf] =	wrdreg s26  }
0x19: {  	v0 =	vimm.f32 $0.0e+00;
	s24 =	simm.s32 $0x4DD0;
	s26 =	simm.s32 $0x3;
	[dreg:$0xc] =	wrdreg s23  }
.LBB2_1:
0x1a: {  	s2 =	simm.s32 $0x0;
	s6 =	rddreg [dreg:$0x4]  }
0x1b: {  	[tilespmem:s2], [sflag:$0x3] =	stream.linear.gather [hbm4b:s6+s2], $0x2710, $0x38;
	[tilespmem:$0x12660] =	vst v63  }
0x1c: {  	_ =	swait.ge [sflag:s26], $0x2710  }
0x1d: {  	[sflag:s26] =	ssyncset.done $0x0  }
0x1e: {  	s10 =	simm.s32 $0x2710;
	s23 =	rddreg [dreg:$0x5];
	[sflag:s26] =	ssyncadd.s32 $0xFFFFD8F0  }
0x1f: {  	[tilespmem:s10], [sflag:$0x3] =	stream.linear.gather [hbm4b:s23+s2], $0x2710, $0x38;
	[tilespmem:$0x12660] =	vst v63  }
0x20: {  	_ =	swait.ge [sflag:s26], $0x2710  }
0x21: {  	[sflag:s26] =	ssyncset.done $0x0  }
0x22: {  	s18 =	simm.s32 $0x100;
	s17 =	simm.s32 $0x0;
	[sflag:s26] =	ssyncadd.s32 $0xFFFFD8F0  }
.LBB2_2:
0x23: {  	p5 =	sne.s32 s18, $0x4F00;
	[tilespmem:s17+$0x7650] =	vst v0;
	s19 =	smov.u32 s18;
	s18 =	sadd.s32 $0x100, s18  }
.Ltmp0:
0x24: {  	[tilespmem:s17+$0x7640] =	vst v0;
	(pc) =	sbr.rel @p5 .LBB2_2-.Ltmp0, $3  }
0x25: {  	[tilespmem:s17+$0x7620] =	vst v0  }
0x26: {  	[tilespmem:s17+$0x7630] =	vst v0;
	_ =	sdelay $0x1  }
0x27: {  	s17 =	sshra.s32 s19, $0x2  }
0x28: {  	[tilespmem:s17+$0x7650] =	vst v0  }
0x29: {  	[tilespmem:s17+$0x7640] =	vst v0  }
0x2a: {  	[tilespmem:s17+$0x7620] =	vst v0  }
0x2b: {  	[tilespmem:s17+$0x7630] =	vst v0  }
0x2c: {  	[spmem:s8] =	stream.linear.scatter [tilespmem:s29], [sflag:$0x3], $0x1400, $0x38;
	[tilespmem:$0x12660] =	vst v63  }
0x2d: {  	_ =	swait.ge [sflag:s26], $0x1400  }
0x2e: {  	[sflag:s26] =	ssyncset.done $0x0  }
0x2f: {  	[sflag:s26] =	ssyncadd.s32 $0xFFFFEC00  }
0x30: {  	[spmem:s9] =	stream.linear.scatter [tilespmem:s29], [sflag:$0x3], $0x1400, $0x38;
	[tilespmem:$0x12660] =	vst v63  }
0x31: {  	_ =	swait.ge [sflag:s26], $0x1400  }
0x32: {  	[sflag:s26] =	ssyncset.done $0x0  }
0x33: {  	[sflag:s26] =	ssyncadd.s32 $0xFFFFEC00  }
0x34: {  	[spmem:s25] =	stream.linear.scatter [tilespmem:s29], [sflag:$0x3], $0x1400, $0x38;
	[tilespmem:$0x12660] =	vst v63  }
0x35: {  	_ =	swait.ge [sflag:s26], $0x1400  }
0x36: {  	[sflag:s26] =	ssyncset.done $0x0  }
0x37: {  	s2 =	rddreg [dreg:$0x6];
	[sflag:s26] =	ssyncadd.s32 $0xFFFFEC00  }
0x38: {  	[spmem:s2] =	stream.linear.scatter [tilespmem:s29], [sflag:$0x3], $0x1400, $0x38;
	[tilespmem:$0x12660] =	vst v63  }
0x39: {  	_ =	swait.ge [sflag:s26], $0x1400  }
0x3a: {  	[sflag:s26] =	ssyncset.done $0x0  }
0x3b: {  	[sflag:s26] =	ssyncadd.s32 $0xFFFFEC00  }
0x3c: {  	[spmem:s12] =	stream.linear.scatter [tilespmem:s29], [sflag:$0x3], $0x1400, $0x38;
	[tilespmem:$0x12660] =	vst v63  }
0x3d: {  	_ =	swait.ge [sflag:s26], $0x1400  }
0x3e: {  	[sflag:s26] =	ssyncset.done $0x0  }
0x3f: {  	[sflag:s26] =	ssyncadd.s32 $0xFFFFEC00  }
0x40: {  	[spmem:s13] =	stream.linear.scatter [tilespmem:s29], [sflag:$0x3], $0x1400, $0x38;
	[tilespmem:$0x12660] =	vst v63  }
0x41: {  	_ =	swait.ge [sflag:s26], $0x1400  }
0x42: {  	[sflag:s26] =	ssyncset.done $0x0  }
0x43: {  	[sflag:s26] =	ssyncadd.s32 $0xFFFFEC00  }
0x44: {  	[spmem:s14] =	stream.linear.scatter [tilespmem:s29], [sflag:$0x3], $0x1400, $0x38;
	[tilespmem:$0x12660] =	vst v63  }
0x45: {  	_ =	swait.ge [sflag:s26], $0x1400  }
0x46: {  	[sflag:s26] =	ssyncset.done $0x0  }
0x47: {  	[sflag:s26] =	ssyncadd.s32 $0xFFFFEC00  }
0x48: {  	[spmem:s15] =	stream.linear.scatter [tilespmem:s29], [sflag:$0x3], $0x1000, $0x38;
	[tilespmem:$0x12660] =	vst v63  }
0x49: {  	_ =	swait.ge [sflag:s26], $0x1000  }
0x4a: {  	[sflag:s26] =	ssyncset.done $0x0  }
0x4b: {  	s17 =	simm.s32 @!p3 $0x7620;
	[sflag:s26] =	ssyncadd.s32 $0xFFFFF000  }
0x4c: {  	[spmem:s16] =	stream.linear.scatter @!p3 [tilespmem:s17], [sflag:$0x3], $0x400, $0x38;
	[tilespmem:$0x12660] =	vst v63  }
0x4d: {  	s17 =	simm.s32 @!p3 $0x3  }
0x4e: {  	_ =	swait.ge @!p3 [sflag:s17], $0x400  }
0x4f: {  	[sflag:s17] =	ssyncset.done @!p3 $0x0  }
0x50: {  	[sflag:s17] =	ssyncadd.s32 @!p3 $0xFFFFFC00  }
0x51: {  	s19 =	simm.s32 $0x0;
	[bflag:$0x0] =	sbarrier.arrive $0xFFFF  }
0x52: {  	[tilespmem:s31], [sflag:$0x1] =	stream.indirect.gather [hbm4b:s0+s30], $0x40, s19, s30, $0xb8;
	[tilespmem:$0x12660] =	vst v63  }
0x53: {  	s20 =	simm.s32 $0x50  }
0x54: {  	[tilespmem:s1], [sflag:$0x2] =	stream.indirect.gather [hbm4b:s0+s30], $0x40, s20, s30, $0xb8;
	[tilespmem:$0x12660] =	vst v63  }
0x55: {  	_ =	swait.ge [sflag:s28], $0x1400  }
0x56: {  	[sflag:s28] =	ssyncset.done $0x0  }
0x57: {  	s21 =	simm.s32 $0x2710;
	[sflag:s28] =	ssyncadd.s32 $0xFFFFEC00  }
0x58: {  	[spmem:s3] =	stream.indirect.scatter.add.f32 [tilespmem:s31], [sflag:$0x3], $0x40, s21, s30, $0xb8;
	[tilespmem:$0x12660] =	vst v63  }
0x59: {  	_ =	swait.ge [sflag:s26], $0x1400  }
0x5a: {  	[sflag:s26] =	ssyncset.done $0x0  }
0x5b: {  	s22 =	simm.s32 $0xA0;
	[sflag:s26] =	ssyncadd.s32 $0xFFFFEC00  }
0x5c: {  	[tilespmem:s31], [sflag:$0x1] =	stream.indirect.gather [hbm4b:s0+s30], $0x40, s22, s30, $0xb8;
	[tilespmem:$0x12660] =	vst v63  }
0x5d: {  	_ =	swait.ge [sflag:s4], $0x1400  }
0x5e: {  	[sflag:s4] =	ssyncset.done $0x0  }
0x5f: {  	s23 =	simm.s32 $0x2760;
	[sflag:s4] =	ssyncadd.s32 $0xFFFFEC00  }
0x60: {  	[spmem:s3] =	stream.indirect.scatter.add.f32 [tilespmem:s1], [sflag:$0x3], $0x40, s23, s30, $0xb8;
	[tilespmem:$0x12660] =	vst v63  }
0x61: {  	_ =	swait.ge [sflag:s26], $0x1400  }
0x62: {  	s18 =	simm.s32 $0x500;
	s17 =	simm.s32 $0xA0;
	[sflag:s26] =	ssyncset.done $0x0  }
.LBB2_4:
0x63: {  	s19 =	sadd.s32 $0x50, s17  }
0x64: {  	[sflag:s26] =	ssyncadd.s32 $0xFFFFEC00;
	s20 =	smov.u32 s18;
	s21 =	sadd.s32 $0x280, s18  }
0x65: {  	[tilespmem:s1], [sflag:$0x2] =	stream.indirect.gather [hbm4b:s0+s30], $0x40, s19, s30, $0xb8;
	[tilespmem:$0x12660] =	vst v63  }
0x66: {  	p5 =	sne.s32 s18, $0x9880;
	_ =	swait.ge [sflag:s28], $0x1400  }
0x67: {  	[sflag:s28] =	ssyncset.done $0x0  }
0x68: {  	s18 =	sadd.s32 $0x2710, s17;
	[sflag:s28] =	ssyncadd.s32 $0xFFFFEC00  }
0x69: {  	[spmem:s3] =	stream.indirect.scatter.add.f32 [tilespmem:s31], [sflag:$0x3], $0x40, s18, s30, $0xb8;
	[tilespmem:$0x12660] =	vst v63  }
0x6a: {  	_ =	swait.ge [sflag:s26], $0x1400  }
0x6b: {  	[sflag:s26] =	ssyncset.done $0x0  }
0x6c: {  	s18 =	sadd.s32 $0xA0, s17;
	[sflag:s26] =	ssyncadd.s32 $0xFFFFEC00  }
0x6d: {  	[tilespmem:s31], [sflag:$0x1] =	stream.indirect.gather [hbm4b:s0+s30], $0x40, s18, s30, $0xb8;
	[tilespmem:$0x12660] =	vst v63  }
0x6e: {  	_ =	swait.ge [sflag:s4], $0x1400  }
.Ltmp1:
0x6f: {  	[sflag:s4] =	ssyncset.done $0x0;
	(pc) =	sbr.rel @p5 .LBB2_4-.Ltmp1, $4  }
0x70: {  	s17 =	sadd.s32 $0x2760, s17;
	[sflag:s4] =	ssyncadd.s32 $0xFFFFEC00  }
0x71: {  	[spmem:s3] =	stream.indirect.scatter.add.f32 [tilespmem:s1], [sflag:$0x3], $0x40, s17, s30, $0xb8;
	[tilespmem:$0x12660] =	vst v63  }
0x72: {  	_ =	swait.ge [sflag:s26], $0x1400  }
0x73: {  	s18 =	smov.u32 s21;
	s17 =	sshra.s32 s20, $0x2;
	[sflag:s26] =	ssyncset.done $0x0  }
0x74: {  	s18 =	sadd.s32 $0x50, s17;
	[sflag:s26] =	ssyncadd.s32 $0xFFFFEC00  }
0x75: {  	[tilespmem:s1], [sflag:$0x2] =	stream.indirect.gather [hbm4b:s0+s30], $0x40, s18, s30, $0xb8;
	[tilespmem:$0x12660] =	vst v63  }
0x76: {  	_ =	swait.ge [sflag:s28], $0x1400  }
0x77: {  	[sflag:s28] =	ssyncset.done $0x0  }
0x78: {  	s21 =	sadd.s32 $0x2710, s17;
	[sflag:s28] =	ssyncadd.s32 $0xFFFFEC00  }
0x79: {  	[spmem:s3] =	stream.indirect.scatter.add.f32 [tilespmem:s31], [sflag:$0x3], $0x40, s21, s30, $0xb8;
	[tilespmem:$0x12660] =	vst v63  }
0x7a: {  	_ =	swait.ge [sflag:s26], $0x1400  }
0x7b: {  	[sflag:s26] =	ssyncset.done $0x0  }
0x7c: {  	s22 =	sadd.s32 $0xA0, s17;
	[sflag:s26] =	ssyncadd.s32 $0xFFFFEC00  }
0x7d: {  	[tilespmem:s31], [sflag:$0x1] =	stream.indirect.gather [hbm4b:s0+s30], $0x40, s22, s30, $0xb8;
	[tilespmem:$0x12660] =	vst v63  }
0x7e: {  	_ =	swait.ge [sflag:s4], $0x1400  }
0x7f: {  	[sflag:s4] =	ssyncset.done $0x0  }
0x80: {  	s23 =	sadd.s32 $0x2760, s17;
	[sflag:s4] =	ssyncadd.s32 $0xFFFFEC00  }
0x81: {  	[spmem:s3] =	stream.indirect.scatter.add.f32 [tilespmem:s1], [sflag:$0x3], $0x40, s23, s30, $0xb8;
	[tilespmem:$0x12660] =	vst v63  }
0x82: {  	_ =	swait.ge [sflag:s26], $0x1400  }
0x83: {  	[sflag:s26] =	ssyncset.done $0x0  }
0x84: {  	[sflag:s26] =	ssyncadd.s32 $0xFFFFEC00  }
0x85: {  	_ =	swait.ge [sflag:s28], $0x1400  }
0x86: {  	[sflag:s28] =	ssyncset.done $0x0  }
0x87: {  	[sflag:s28] =	ssyncadd.s32 $0xFFFFEC00  }
0x88: {  	[spmem:s3] =	stream.indirect.scatter.add.f32 [tilespmem:s31], [sflag:$0x3], $0x40, s24, s30, $0xb8;
	[tilespmem:$0x12660] =	vst v63  }
0x89: {  	_ =	swait.ge [sflag:s26], $0x1400  }
0x8a: {  	[sflag:s26] =	ssyncset.done $0x0  }
0x8b: {  	s2 =	stileid.u32;
	[sflag:s26] =	ssyncadd.s32 $0xFFFFEC00  }
0x8c: {  	s19 =	simm.s32 @!p2 $0x3;
	s17 =	sshll.u32 @!p2 s2, $0x6;
	[bflag:$0x0] =	sbarrier.arrive $0xFFFF  }
0x8d: {  	s18 =	sshrl.u32 @!p2 s8, $0x3;
	s17 =	sor.u32 @!p2 $0x1C03, s17;
	s6 =	rddreg [dreg:$0x7]  }
0x8e: {  	[hbm:s6], [sflag:s17] =	dma.local @!p2 [spmem:s18], $0x1380  }
0x8f: {  	s20 =	sshll.u32 @p0 s2, $0x6;
	_ =	swait.ge @!p2 [sflag:s19], $0x1380  }
0x90: {  	s21 =	simm.s32 @p0 $0x3;
	[sflag:s19] =	ssyncset.done @!p2 $0x0;
	s6 =	rddreg [dreg:$0x8]  }
0x91: {  	[sflag:s19] =	ssyncadd.s32 @!p2 $0xFFFFEC80;
	s19 =	sor.u32 @p0 $0x1C03, s20;
	s20 =	sshrl.u32 @p0 s8, $0x3  }
0x92: {  	[hbm:s6], [sflag:s19] =	dma.local @p0 [spmem:s20], $0x1380  }
0x93: {  	s22 =	sshll.u32 @!p4 s2, $0x6;
	_ =	swait.ge @p0 [sflag:s21], $0x1380  }
0x94: {  	s23 =	simm.s32 @!p4 $0x3;
	[sflag:s21] =	ssyncset.done @p0 $0x0;
	s2 =	rddreg [dreg:$0x9]  }
0x95: {  	[sflag:s21] =	ssyncadd.s32 @p0 $0xFFFFEC80;
	s21 =	sor.u32 @!p4 $0x1C03, s22;
	s22 =	sshrl.u32 @!p4 s16, $0x3  }
0x96: {  	[hbm:s2], [sflag:s21] =	dma.local @!p4 [spmem:s22], $0x80  }
0x97: {  	_ =	swait.ge @!p4 [sflag:s23], $0x80  }
0x98: {  	s24 =	simm.s32 @p1 $0x1C03;
	[sflag:s23] =	ssyncset.done @!p4 $0x0  }
0x99: {  	s2 =	rddreg [dreg:$0xa];
	[sflag:s23] =	ssyncadd.s32 @!p4 $0xFFFFFF80;
	s23 =	sshrl.u32 @p1 s16, $0x3  }
0x9a: {  	[hbm:s2], [sflag:s24] =	dma.local @p1 [spmem:s23], $0x80  }
0x9b: {  	s24 =	simm.s32 @p1 $0x3  }
0x9c: {  	_ =	swait.ge @p1 [sflag:s24], $0x80  }
0x9d: {  	[sflag:s24] =	ssyncset.done @p1 $0x0  }
0x9e: {  	[sflag:s24] =	ssyncadd.s32 @p1 $0xFFFFFF80  }
0x9f: {  	[spmem:s8] =	stream.linear.scatter [tilespmem:s29], [sflag:$0x3], $0x1400, $0x38;
	[tilespmem:$0x12660] =	vst v63  }
0xa0: {  	_ =	swait.ge [sflag:s26], $0x1400  }
0xa1: {  	[sflag:s26] =	ssyncset.done $0x0  }
0xa2: {  	[sflag:s26] =	ssyncadd.s32 $0xFFFFEC00  }
0xa3: {  	[spmem:s9] =	stream.linear.scatter [tilespmem:s29], [sflag:$0x3], $0x1400, $0x38;
	[tilespmem:$0x12660] =	vst v63  }
0xa4: {  	_ =	swait.ge [sflag:s26], $0x1400  }
0xa5: {  	[sflag:s26] =	ssyncset.done $0x0  }
0xa6: {  	[sflag:s26] =	ssyncadd.s32 $0xFFFFEC00  }
0xa7: {  	[spmem:s25] =	stream.linear.scatter [tilespmem:s29], [sflag:$0x3], $0x1400, $0x38;
	[tilespmem:$0x12660] =	vst v63  }
0xa8: {  	_ =	swait.ge [sflag:s26], $0x1400  }
0xa9: {  	[sflag:s26] =	ssyncset.done $0x0  }
0xaa: {  	s24 =	rddreg [dreg:$0x6];
	[sflag:s26] =	ssyncadd.s32 $0xFFFFEC00  }
0xab: {  	[spmem:s24] =	stream.linear.scatter [tilespmem:s29], [sflag:$0x3], $0x1400, $0x38;
	[tilespmem:$0x12660] =	vst v63  }
0xac: {  	_ =	swait.ge [sflag:s26], $0x1400  }
0xad: {  	[sflag:s26] =	ssyncset.done $0x0  }
0xae: {  	[sflag:s26] =	ssyncadd.s32 $0xFFFFEC00  }
0xaf: {  	[spmem:s12] =	stream.linear.scatter [tilespmem:s29], [sflag:$0x3], $0x1400, $0x38;
	[tilespmem:$0x12660] =	vst v63  }
0xb0: {  	_ =	swait.ge [sflag:s26], $0x1400  }
0xb1: {  	[sflag:s26] =	ssyncset.done $0x0  }
0xb2: {  	[sflag:s26] =	ssyncadd.s32 $0xFFFFEC00  }
0xb3: {  	[spmem:s13] =	stream.linear.scatter [tilespmem:s29], [sflag:$0x3], $0x1400, $0x38;
	[tilespmem:$0x12660] =	vst v63  }
0xb4: {  	_ =	swait.ge [sflag:s26], $0x1400  }
0xb5: {  	[sflag:s26] =	ssyncset.done $0x0  }
0xb6: {  	[sflag:s26] =	ssyncadd.s32 $0xFFFFEC00  }
0xb7: {  	[spmem:s14] =	stream.linear.scatter [tilespmem:s29], [sflag:$0x3], $0x1400, $0x38;
	[tilespmem:$0x12660] =	vst v63  }
0xb8: {  	_ =	swait.ge [sflag:s26], $0x1400  }
0xb9: {  	[sflag:s26] =	ssyncset.done $0x0  }
0xba: {  	[sflag:s26] =	ssyncadd.s32 $0xFFFFEC00  }
0xbb: {  	[spmem:s15] =	stream.linear.scatter [tilespmem:s29], [sflag:$0x3], $0x1000, $0x38;
	[tilespmem:$0x12660] =	vst v63  }
0xbc: {  	_ =	swait.ge [sflag:s26], $0x1000  }
0xbd: {  	[sflag:s26] =	ssyncset.done $0x0  }
0xbe: {  	s24 =	simm.s32 @!p3 $0x7620;
	[sflag:s26] =	ssyncadd.s32 $0xFFFFF000  }
0xbf: {  	[spmem:s16] =	stream.linear.scatter @!p3 [tilespmem:s24], [sflag:$0x3], $0x400, $0x38;
	[tilespmem:$0x12660] =	vst v63  }
0xc0: {  	s24 =	simm.s32 @!p3 $0x3  }
0xc1: {  	_ =	swait.ge @!p3 [sflag:s24], $0x400  }
0xc2: {  	[sflag:s24] =	ssyncset.done @!p3 $0x0  }
0xc3: {  	[sflag:s24] =	ssyncadd.s32 @!p3 $0xFFFFFC00  }
0xc4: {  	s11 =	smov.u32 s25;
	s25 =	simm.s32 $0x0;
	[bflag:$0x0] =	sbarrier.arrive $0xFFFF  }
0xc5: {  	[tilespmem:s31], [sflag:$0x1] =	stream.indirect.gather [hbm4b:s5+s30], $0x40, s25, s30, $0xb8;
	[tilespmem:$0x12660] =	vst v63  }
0xc6: {  	s2 =	simm.s32 $0x50  }
0xc7: {  	[tilespmem:s1], [sflag:$0x2] =	stream.indirect.gather [hbm4b:s5+s30], $0x40, s2, s30, $0xb8;
	[tilespmem:$0x12660] =	vst v63  }
0xc8: {  	_ =	swait.ge [sflag:s28], $0x1400  }
0xc9: {  	[sflag:s28] =	ssyncset.done $0x0  }
0xca: {  	s6 =	simm.s32 $0x2710;
	[sflag:s28] =	ssyncadd.s32 $0xFFFFEC00  }
0xcb: {  	[spmem:s3] =	stream.indirect.scatter.add.f32 [tilespmem:s31], [sflag:$0x3], $0x40, s6, s30, $0xb8;
	[tilespmem:$0x12660] =	vst v63  }
0xcc: {  	_ =	swait.ge [sflag:s26], $0x1400  }
0xcd: {  	[sflag:s26] =	ssyncset.done $0x0  }
0xce: {  	s10 =	smov.u32 s9;
	s9 =	simm.s32 $0xA0;
	[sflag:s26] =	ssyncadd.s32 $0xFFFFEC00  }
0xcf: {  	[tilespmem:s31], [sflag:$0x1] =	stream.indirect.gather [hbm4b:s5+s30], $0x40, s9, s30, $0xb8;
	[tilespmem:$0x12660] =	vst v63  }
0xd0: {  	_ =	swait.ge [sflag:s4], $0x1400  }
0xd1: {  	[sflag:s4] =	ssyncset.done $0x0  }
0xd2: {  	s25 =	simm.s32 $0x2760;
	[sflag:s4] =	ssyncadd.s32 $0xFFFFEC00  }
0xd3: {  	[spmem:s3] =	stream.indirect.scatter.add.f32 [tilespmem:s1], [sflag:$0x3], $0x40, s25, s30, $0xb8;
	[tilespmem:$0x12660] =	vst v63  }
0xd4: {  	_ =	swait.ge [sflag:s26], $0x1400  }
0xd5: {  	s24 =	simm.s32 $0xA0;
	s25 =	simm.s32 $0x500;
	[sflag:s26] =	ssyncset.done $0x0  }
.LBB2_6:
0xd6: {  	s6 =	sadd.s32 $0x50, s24  }
0xd7: {  	[sflag:s26] =	ssyncadd.s32 $0xFFFFEC00;
	s2 =	smov.u32 s25;
	s9 =	sadd.s32 $0x280, s25  }
0xd8: {  	[tilespmem:s1], [sflag:$0x2] =	stream.indirect.gather [hbm4b:s5+s30], $0x40, s6, s30, $0xb8;
	[tilespmem:$0x12660] =	vst v63  }
0xd9: {  	p5 =	sne.s32 s25, $0x9880;
	_ =	swait.ge [sflag:s28], $0x1400  }
0xda: {  	[sflag:s28] =	ssyncset.done $0x0  }
0xdb: {  	s6 =	sadd.s32 $0x2710, s24;
	[sflag:s28] =	ssyncadd.s32 $0xFFFFEC00  }
0xdc: {  	[spmem:s3] =	stream.indirect.scatter.add.f32 [tilespmem:s31], [sflag:$0x3], $0x40, s6, s30, $0xb8;
	[tilespmem:$0x12660] =	vst v63  }
0xdd: {  	_ =	swait.ge [sflag:s26], $0x1400  }
0xde: {  	[sflag:s26] =	ssyncset.done $0x0  }
0xdf: {  	s6 =	sadd.s32 $0xA0, s24;
	[sflag:s26] =	ssyncadd.s32 $0xFFFFEC00  }
0xe0: {  	[tilespmem:s31], [sflag:$0x1] =	stream.indirect.gather [hbm4b:s5+s30], $0x40, s6, s30, $0xb8;
	[tilespmem:$0x12660] =	vst v63  }
0xe1: {  	_ =	swait.ge [sflag:s4], $0x1400  }
.Ltmp2:
0xe2: {  	[sflag:s4] =	ssyncset.done $0x0;
	(pc) =	sbr.rel @p5 .LBB2_6-.Ltmp2, $4  }
0xe3: {  	s6 =	sadd.s32 $0x2760, s24;
	[sflag:s4] =	ssyncadd.s32 $0xFFFFEC00  }
0xe4: {  	[spmem:s3] =	stream.indirect.scatter.add.f32 [tilespmem:s1], [sflag:$0x3], $0x40, s6, s30, $0xb8;
	[tilespmem:$0x12660] =	vst v63  }
0xe5: {  	_ =	swait.ge [sflag:s26], $0x1400  }
0xe6: {  	s25 =	smov.u32 s9;
	s24 =	sshra.s32 s2, $0x2;
	[sflag:s26] =	ssyncset.done $0x0  }
0xe7: {  	s2 =	sadd.s32 $0x50, s24;
	[sflag:s26] =	ssyncadd.s32 $0xFFFFEC00  }
0xe8: {  	[tilespmem:s1], [sflag:$0x2] =	stream.indirect.gather [hbm4b:s5+s30], $0x40, s2, s30, $0xb8;
	[tilespmem:$0x12660] =	vst v63  }
0xe9: {  	_ =	swait.ge [sflag:s28], $0x1400  }
0xea: {  	[sflag:s28] =	ssyncset.done $0x0  }
0xeb: {  	s6 =	sadd.s32 $0x2710, s24;
	[sflag:s28] =	ssyncadd.s32 $0xFFFFEC00  }
0xec: {  	[spmem:s3] =	stream.indirect.scatter.add.f32 [tilespmem:s31], [sflag:$0x3], $0x40, s6, s30, $0xb8;
	[tilespmem:$0x12660] =	vst v63  }
0xed: {  	_ =	swait.ge [sflag:s26], $0x1400  }
0xee: {  	[sflag:s26] =	ssyncset.done $0x0  }
0xef: {  	s9 =	sadd.s32 $0xA0, s24;
	[sflag:s26] =	ssyncadd.s32 $0xFFFFEC00  }
0xf0: {  	[tilespmem:s31], [sflag:$0x1] =	stream.indirect.gather [hbm4b:s5+s30], $0x40, s9, s30, $0xb8;
	[tilespmem:$0x12660] =	vst v63  }
0xf1: {  	_ =	swait.ge [sflag:s4], $0x1400  }
0xf2: {  	[sflag:s4] =	ssyncset.done $0x0  }
0xf3: {  	s24 =	sadd.s32 $0x2760, s24;
	[sflag:s4] =	ssyncadd.s32 $0xFFFFEC00  }
0xf4: {  	[spmem:s3] =	stream.indirect.scatter.add.f32 [tilespmem:s1], [sflag:$0x3], $0x40, s24, s30, $0xb8;
	[tilespmem:$0x12660] =	vst v63  }
0xf5: {  	_ =	swait.ge [sflag:s26], $0x1400  }
0xf6: {  	[sflag:s26] =	ssyncset.done $0x0  }
0xf7: {  	[sflag:s26] =	ssyncadd.s32 $0xFFFFEC00  }
0xf8: {  	_ =	swait.ge [sflag:s28], $0x1400  }
0xf9: {  	[sflag:s28] =	ssyncset.done $0x0  }
0xfa: {  	s24 =	simm.s32 $0x4DD0;
	[sflag:s28] =	ssyncadd.s32 $0xFFFFEC00  }
0xfb: {  	[spmem:s3] =	stream.indirect.scatter.add.f32 [tilespmem:s31], [sflag:$0x3], $0x40, s24, s30, $0xb8;
	[tilespmem:$0x12660] =	vst v63  }
0xfc: {  	_ =	swait.ge [sflag:s26], $0x1400  }
0xfd: {  	[sflag:s26] =	ssyncset.done $0x0  }
0xfe: {  	[sflag:s26] =	ssyncadd.s32 $0xFFFFEC00  }
0xff: {  	[bflag:$0x0] =	sbarrier.arrive $0xFFFF  }
0x100: {  	s2 =	rddreg [dreg:$0xb]  }
0x101: {  	[hbm:s2], [sflag:s17] =	dma.local @!p2 [spmem:s18], $0x1380  }
0x102: {  	s2 =	simm.s32 @!p2 $0x3  }
0x103: {  	_ =	swait.ge @!p2 [sflag:s2], $0x1380  }
0x104: {  	[sflag:s2] =	ssyncset.done @!p2 $0x0  }
0x105: {  	[sflag:s2] =	ssyncadd.s32 @!p2 $0xFFFFEC80;
	s2 =	rddreg [dreg:$0xc]  }
0x106: {  	[hbm:s2], [sflag:s19] =	dma.local @p0 [spmem:s20], $0x1380  }
0x107: {  	s2 =	simm.s32 @p0 $0x3  }
0x108: {  	_ =	swait.ge @p0 [sflag:s2], $0x1380  }
0x109: {  	[sflag:s2] =	ssyncset.done @p0 $0x0  }
0x10a: {  	[sflag:s2] =	ssyncadd.s32 @p0 $0xFFFFEC80;
	s2 =	rddreg [dreg:$0xd]  }
0x10b: {  	[hbm:s2], [sflag:s21] =	dma.local @!p4 [spmem:s22], $0x80  }
0x10c: {  	s2 =	simm.s32 @!p4 $0x3  }
0x10d: {  	_ =	swait.ge @!p4 [sflag:s2], $0x80  }
0x10e: {  	[sflag:s2] =	ssyncset.done @!p4 $0x0  }
0x10f: {  	s6 =	rddreg [dreg:$0xe];
	[sflag:s2] =	ssyncadd.s32 @!p4 $0xFFFFFF80;
	s2 =	simm.s32 @p1 $0x1C03  }
0x110: {  	[hbm:s6], [sflag:s2] =	dma.local @p1 [spmem:s23], $0x80  }
0x111: {  	s2 =	simm.s32 @p1 $0x3  }
0x112: {  	_ =	swait.ge @p1 [sflag:s2], $0x80  }
0x113: {  	s7 =	sadd.s32 $0x1, s7;
	s25 =	rddreg [dreg:$0xf]  }
0x114: {  	p5 =	sne.s32 s7, s25  }
.Ltmp3:
0x115: {  	_ = 	snop;
	(pc) =	sbr.rel @p5 .LBB2_1-.Ltmp3, $3  }
0x116: {  	_ =	sdelay $0x1  }
0x117: {  	[sflag:s2] =	ssyncset.done @p1 $0x0  }
0x118: {  	s9 =	smov.u32 s10;
	[sflag:s2] =	ssyncadd.s32 @p1 $0xFFFFFF80;
	s25 =	smov.u32 s11  }
0x119: {  	_ =	sfence.sel $0x180000  }
0x11a: {  	[bflag:$0x0] =	sbarrier.arrive $0xFFFF  }
0x11b: {  	_ =	strace $0x9000004D  }
0x11c: {  	[bflag:$0x2] =	sbarrier.arrive $0xFFFF  }
0x11d: {  	s0 =	rddreg [dreg:$0x3]  }
0x11e: {  	s0 =	sadd.s32 @!p3 $0x100000, s0  }
0x11f: {  	[sflag:s0] =	ssyncadd.tile.s32 @!p3 $0x1;
	_ =	shalt  }
.Lfunc_end2:
_tile_overlayer_lowered:
.L_overlay_start_2:
0x120: {  	(tag) =	ssettag $0x2  }
0x121: {  	s0 =	rddreg [dreg:$0x0];
	s2 =	stileid.u32  }
0x122: {  	s1 =	rddreg [dreg:$0x1];
	p0 =	sne.s32 s2, $0x0  }
0x123: {  	s3 =	rddreg [dreg:$0x2];
	[bflag:$0x3] =	sbarrier.arrive $0xFFFF;
	s2 =	simm.s32 @!p0 $0x1C03  }
0x124: {  	[timem:s3], [sflag:s2] =	dma.local @!p0 [hbm:s0], s1  }
0x125: {  	s0 =	simm.s32 @!p0 $0x3  }
0x126: {  	_ =	swait.ge @!p0 [sflag:s0], s1  }
0x127: {  	s1 =	ssub.s32 @!p0 $0x0, s1;
	[sflag:s0] =	ssyncset.done @!p0 $0x0  }
0x128: {  	[sflag:s0] =	ssyncadd.s32 @!p0 s1  }
0x129: {  	[bflag:$0x3] =	sbarrier.arrive $0xFFFF  }
0x12a: {  	_ =	shalt  }

// kernel: kernel.8.cloned.1.call-start
scs
__scs_entry_jumppad:
0x0: {  	(pc) =	sbr.rel $0x88, $3  }
0x1: {  	(tag) =	ssettag $0x0;
	lr =	simm.s32 $0x1  }
0x2: {  	[smem:$0x3F9D] =	sst lr;
	_ =	strace $0xD0000000  }
0x3: {  	_ = 	snop  }
0x4: {  	_ = 	snop  }
0x5: {  	_ = 	snop  }
0x6: {  	_ = 	snop  }
0x7: {  	_ = 	snop  }
__scs_overlays_trampoline_lowered:
0x8: {  	[smem:$0x3FAC] =	sst s0  }
0x9: {  	[smem:$0x3FAD] =	sst s1  }
0xa: {  	[smem:$0x3FAE] =	sst s2  }
0xb: {  	[smem:$0x3FAF] =	sst s3  }
0xc: {  	[smem:$0x3FB0] =	sst s4  }
0xd: {  	[smem:$0x3FB1] =	sst s5  }
0xe: {  	[smem:$0x3FB2] =	sst s6  }
0xf: {  	[smem:$0x3FB3] =	sst s7  }
0x10: {  	[smem:$0x3FB4] =	sst s8  }
0x11: {  	[smem:$0x3FB5] =	sst s9;
	s0 =	simm.s32 @!p0 $0x0  }
0x12: {  	s1 =	sld [smem:$0x3F9B];
	s0 =	simm.s32 @p0 $0x1  }
0x13: {  	[smem:$0x3FB6] =	sst s0;
	s0 =	simm.s32 @!p1 $0x0  }
0x14: {  	s2 =	sld [smem:$0x3F9A];
	s0 =	simm.s32 @p1 $0x1  }
0x15: {  	[smem:$0x3FB7] =	sst s0;
	s0 =	simm.s32 @!p2 $0x0  }
0x16: {  	s3 =	sld [smem:$0x3FDB];
	s0 =	simm.s32 @p2 $0x1  }
0x17: {  	s4 =	simm.s32 $0x1BF5;
	[smem:$0x3FB9] =	sst s0  }
0x18: {  	s0 =	sld [smem:$0x3F9C];
	_ =	swait.ge [sflag:s4], $0x0  }
0x19: {  	s7 =	sld [smem:$0x3F9D]  }
0x1a: {  	s8 =	sadd.s32 $0xFFFFE003, lr  }
0x1b: {  	s9 =	sadd.s32 $0xFFFFFEF7, lr;
	s5 =	simm.s32 $0xFFFFFFFF;
	p2 =	slt.u32 s8, $0xFFFFF086  }
0x1c: {  	p1 =	slt.u32 s9, $0xF7A;
	s5 =	simm.s32 @!p2 $0x0  }
0x1d: {  	s5 =	simm.s32 @p1 $0x1;
	p0 =	seq.s32 s7, s2  }
0x1e: {  	s7 =	smul.u32 @!p0 $0xF7A, s2;
	p2 =	seq.s32 @!p0 s5, $0x0  }
0x1f: {  	s9 =	smul.u32 $0xF7A, s1;
	s8 =	simm.s32 @!p0 $0x1BF5;
	p2 =	por !p2, p0  }
0x20: {  	[sflag:s8] =	ssyncset.s32 @!p0 $0xFFFFF086;
	s6 =	sadd.s32 @!p0 s3, s7;
	s7 =	simm.s32 @!p0 $0x108  }
0x21: {  	s3 =	sadd.s32 s3, s9;
	s6 =	sadd.s32 @!p0 $0x88, s6;
	s7 =	simm.s32 @p2 $0x1082  }
0x22: {  	[simem:s7], [sflag:s8] =	dma.local @!p0 [hbm:s6], $0xF7A  }
0x23: {  	s9 =	sor.u32 $0xD0000000, s2;
	s6 =	simm.s32 $0x108;
	_ =	swait.ge @!p0 [sflag:s8], $0x0  }
0x24: {  	s3 =	sadd.s32 $0x88, s3;
	s6 =	simm.s32 @!p1 $0x1082;
	[sflag:s4] =	ssyncset.s32 $0xFFFFF086  }
0x25: {  	[simem:s6], [sflag:s4] =	dma.local [hbm:s3], $0xF7A  }
0x26: {  	[smem:$0x3F9D] =	sst s1;
	(tag) =	ssettag s2;
	_ =	strace s9  }
0x27: {  	s1 =	sld [smem:$0x3FAD]  }
0x28: {  	s2 =	sld [smem:$0x3FAE]  }
0x29: {  	s4 =	sld [smem:$0x3FB0]  }
0x2a: {  	p0 =	seq.s32 s5, $0x0;
	s5 =	sld [smem:$0x3FB1]  }
0x2b: {  	s6 =	sld [smem:$0x3FB2]  }
0x2c: {  	s7 =	sld [smem:$0x3FB3]  }
0x2d: {  	s3 =	simm.s32 $0x108;
	s8 =	sld [smem:$0x3FB4]  }
0x2e: {  	s3 =	simm.s32 @!p0 $0x1082;
	s9 =	sld [smem:$0x3FB5]  }
0x2f: {  	lr =	sadd.s32 s0, s3;
	s0 =	sld [smem:$0x3FAC]  }
0x30: {  	s3 =	sld [smem:$0x3FAF]  }
0x31: {  	[smem:$0x3FB8] =	sst s10  }
0x32: {  	s10 =	sld [smem:$0x3FB6];
	_ =	sdelay $0x3  }
0x33: {  	p0 =	seq.s32 s10, $0x1;
	s10 =	sld [smem:$0x3FB8];
	_ =	sdelay $0x3  }
0x34: {  	[smem:$0x3FB8] =	sst s10  }
0x35: {  	s10 =	sld [smem:$0x3FB7];
	_ =	sdelay $0x3  }
0x36: {  	p1 =	seq.s32 s10, $0x1;
	s10 =	sld [smem:$0x3FB8];
	_ =	sdelay $0x3  }
0x37: {  	[smem:$0x3FB8] =	sst s10  }
0x38: {  	s10 =	sld [smem:$0x3FB9]  }
0x39: {  	_ = 	snop;
	(pc) =	sbr.ind lr, $3  }
0x3a: {  	_ = 	snop  }
0x3b: {  	_ = 	snop  }
0x3c: {  	p2 =	seq.s32 s10, $0x1;
	s10 =	sld [smem:$0x3FB8]  }
0x3d: {  	_ =	shalt  }
0x3e: {  	_ =	shalt  }
0x3f: {  	_ =	shalt  }
0x40: {  	_ =	shalt  }
0x41: {  	_ =	shalt  }
0x42: {  	_ =	shalt  }
0x43: {  	_ =	shalt  }
0x44: {  	_ =	shalt  }
0x45: {  	_ =	shalt  }
0x46: {  	_ =	shalt  }
0x47: {  	_ =	shalt  }
0x48: {  	_ =	shalt  }
0x49: {  	_ =	shalt  }
0x4a: {  	_ =	shalt  }
0x4b: {  	_ =	shalt  }
0x4c: {  	_ =	shalt  }
0x4d: {  	_ =	shalt  }
0x4e: {  	_ =	shalt  }
0x4f: {  	_ =	shalt  }
0x50: {  	_ =	shalt  }
0x51: {  	_ =	shalt  }
0x52: {  	_ =	shalt  }
0x53: {  	_ =	shalt  }
0x54: {  	_ =	shalt  }
0x55: {  	_ =	shalt  }
0x56: {  	_ =	shalt  }
0x57: {  	_ =	shalt  }
0x58: {  	_ =	shalt  }
0x59: {  	_ =	shalt  }
0x5a: {  	_ =	shalt  }
0x5b: {  	_ =	shalt  }
0x5c: {  	_ =	shalt  }
0x5d: {  	_ =	shalt  }
0x5e: {  	_ =	shalt  }
0x5f: {  	_ =	shalt  }
0x60: {  	_ =	shalt  }
0x61: {  	_ =	shalt  }
0x62: {  	_ =	shalt  }
0x63: {  	_ =	shalt  }
0x64: {  	_ =	shalt  }
0x65: {  	_ =	shalt  }
0x66: {  	_ =	shalt  }
0x67: {  	_ =	shalt  }
0x68: {  	_ =	shalt  }
0x69: {  	_ =	shalt  }
0x6a: {  	_ =	shalt  }
0x6b: {  	_ =	shalt  }
0x6c: {  	_ =	shalt  }
0x6d: {  	_ =	shalt  }
0x6e: {  	_ =	shalt  }
0x6f: {  	_ =	shalt  }
0x70: {  	_ =	shalt  }
0x71: {  	_ =	shalt  }
0x72: {  	_ =	shalt  }
0x73: {  	_ =	shalt  }
0x74: {  	_ =	shalt  }
0x75: {  	_ =	shalt  }
0x76: {  	_ =	shalt  }
0x77: {  	_ =	shalt  }
0x78: {  	_ =	shalt  }
0x79: {  	_ =	shalt  }
0x7a: {  	_ =	shalt  }
0x7b: {  	_ =	shalt  }
0x7c: {  	_ =	shalt  }
0x7d: {  	_ =	shalt  }
0x7e: {  	_ =	shalt  }
0x7f: {  	_ =	shalt  }
0x80: {  	_ =	shalt  }
0x81: {  	_ =	shalt  }
0x82: {  	_ =	shalt  }
0x83: {  	_ =	shalt  }
0x84: {  	_ =	shalt  }
0x85: {  	_ =	shalt  }
0x86: {  	_ =	shalt  }
0x87: {  	_ =	shalt  }
.Lfunc_end0:
.L_simem_size_0:
called_computation_lowered:
.L_overlay_start_0:
0x88: {  	s2 =	sld [smem:$0x3FD9]  }
0x89: {  	s3 =	sld [smem:$0x3FFE];
	_ =	sdelay $0x1  }
0x8a: {  	s1 =	srdreg.scid  }
0x8b: {  	s0 =	sand.u32 $0x1, s1  }
0x8c: {  	s17 =	sshll.u32 s0, $0xA;
	s2 =	sadd.s32 s3, s2  }
0x8d: {  	s2 =	sadd.s32 s2, s17  }
0x8e: {  	[smem:$0x3FC4] =	sst s2  }
0x8f: {  	_ = 	snop  }
0x90: {  	s2 =	sld [smem:$0x3FD0];
	(tm) =	ssettm $0x1  }
0x91: {  	s18 =	sld [smem:$0x3FFB];
	_ =	sdelay $0x3  }
0x92: {  	_ =	strace s18  }
0x93: {  	s3 =	sld [smem:$0x3FFC];
	_ =	sdelay $0x3  }
0x94: {  	_ =	strace s3  }
0x95: {  	s3 =	sld [smem:$0x3FFD];
	_ =	sdelay $0x3  }
0x96: {  	_ =	strace s3  }
0x97: {  	_ =	strace $0x8FFFFFFF  }
0x98: {  	s19 =	sld [smem:$0x3FDB];
	_ =	sdelay $0x1  }
0x99: {  	s4 =	simm.s32 $_scs_section_size  }
0x9a: {  	s5 =	simm.s32 $_size__tile_overlayer_lowered;
	s6 =	simm.s32 $_tile_overlayer_lowered  }
0x9b: {  	s22 =	simm.s32 $0x1BFF;
	s21 =	sshll.u32 s6, $0x1;
	s3 =	sadd.s32 s4, s19  }
0x9c: {  	s7 =	simm.s32 $0x0;
	s20 =	sshll.u32 s5, $0x1;
	s5 =	sadd.s32 s21, s3  }
0x9d: {  	[timem:s7], [sflag:s22] =	dma.local [hbm:s5], s20  }
0x9e: {  	_ =	swait.ge [sflag:s22], s20  }
0x9f: {  	s4 =	ssub.s32 $0x0, s20;
	[sflag:s22] =	ssyncset.done $0x0  }
0xa0: {  	[sflag:s22] =	ssyncadd.s32 s4;
	_ =	sdelay $0x1  }
0xa1: {  	s23 =	simm.s32 $0x1B8B  }
0xa2: {  	_ =	swait.ge [sflag:s23], $0x1  }
0xa3: {  	[sflag:s23] =	ssyncset.done $0x0  }
0xa4: {  	s25 =	simm.s32 $0x1B8E;
	s24 =	sld [smem:$0x3FFE];
	[sflag:s23] =	ssyncadd.s32 $0xFFFFFFFF  }
0xa5: {  	s26 =	simm.s32 $execute0_lowered;
	[smem:$0x3FD2] =	sst s25  }
0xa6: {  	s5 =	sshll.u32 s26, $0x1;
	_ =	strace $0x80000046;
	[dreg:$0x1] =	wrdreg $0xFFFFFFFF  }
0xa7: {  	s28 =	simm.s32 $_size_execute0_lowered;
	s3 =	sadd.s32 s3, s5;
	[dreg:$0x0] =	wrdreg $0x0  }
0xa8: {  	s5 =	sshll.u32 s28, $0x1;
	[dreg:$0x2] =	wrdreg s3  }
0xa9: {  	[dreg:$0x3] =	wrdreg s5  }
0xaa: {  	[dreg:$0x4] =	wrdreg $0xC0  }
0xab: {  	_ =	task [dreg:s7], $0x5FFFF  }
0xac: {  	[dreg:$0x1] =	wrdreg $0xFFFFFFFF  }
0xad: {  	[dreg:$0x0] =	wrdreg $0x60  }
0xae: {  	[dreg:$0x2] =	wrdreg s24  }
0xaf: {  	[dreg:$0x3] =	wrdreg s2  }
0xb0: {  	[dreg:$0x4] =	wrdreg $0x4E700  }
0xb1: {  	[dreg:$0x5] =	wrdreg $0x9  }
0xb2: {  	_ =	task.clear_ibuf [dreg:s7], $0x6FFFF;
	_ =	strace $0x90000046  }
0xb3: {  	s29 =	simm.s32 $0x9;
	_ =	strace $0x80000048  }
0xb4: {  	_ =	swait.ge [sflag:s29], $0x1  }
0xb5: {  	[sflag:s29] =	ssyncadd.s32 $0xFFFFFFFF  }
0xb6: {  	_ =	strace $0x90000048  }
0xb7: {  	_ =	sfence  }
0xb8: {  	s30 =	sld [smem:$0x0];
	_ =	sdelay $0x2  }
0xb9: {  	s31 =	sshll.u32 s1, $0xD;
	s1 =	sshrl.u32 s1, $0x2  }
0xba: {  	s3 =	sand.u32 $0x4000, s31;
	s1 =	sadd.s32 s1, s30  }
0xbb: {  	s0 =	sor.u32 s3, s0;
	s1 =	sshll.u32 s1, $0x11  }
0xbc: {  	s0 =	sor.u32 s1, s0  }
0xbd: {  	s0 =	sadd.s32 $0x8F2B, s0  }
0xbe: {  	[sflag:s0] =	ssyncadd.remote.s32 $0x1  }
0xbf: {  	_ =	sfence.sel $0xFFFF  }
0xc0: {  	[dreg:$0x0] =	wrdreg $0xFFFFFFFF;
	(pc) =	sbr.abs _section_cstart, $3  }
0xc1: {  	[dreg:$0x1] =	wrdreg $0xFFFFFFFF  }
0xc2: {  	_ =	task.clear_ibuf [dreg:s7], $0x2FFFF;
	_ =	strace $0x9FFFFFFF  }
0xc3: {  	(tm) =	ssettm $0x7FFFFFFF  }
tec
execute0_lowered:
.L_overlay_start_1:
0x0: {  	(tag) =	ssettag $0x1  }
0x1: {  	s4 =	rddreg [dreg:$0x0]  }
0x2: {  	s0 =	srdreg.scid;
	s1 =	rddreg [dreg:$0x1]  }
0x3: {  	s9 =	stileid.u32;
	s2 =	rddreg [dreg:$0x2];
	s3 =	simm.s32 $0x0  }
0x4: {  	s10 =	simm.s32 $0x2710;
	s6 =	sand.u32 $0x1, s0;
	s0 =	rddreg [dreg:$0x3]  }
0x5: {  	s14 =	simm.s32 $0x0;
	s30 =	sshll.u32 s9, $0x1;
	[smem:$0x7FF] =	sst s3  }
0x6: {  	p0 =	seq.s32 s9, $0x0;
	s5 =	sor.u32 s6, s30;
	_ =	strace $0x80000047  }
0x7: {  	s7 =	ssub.s32 $0x2, s6;
	p1 =	seq.s32 s6, $0x1;
	s31 =	sor.u32 s6, s9  }
0x8: {  	s5 =	smul.u32 $0x4E2, s5;
	s8 =	sshrl.u32 s7, $0x1;
	p0 =	por !p0, !p1  }
0x9: {  	p2 =	sne.s32 s31, $0x0;
	s7 =	ssub.s32 s7, s8;
	p1 =	por !p0, !p0  }
0xa: {  	p0 =	sne.s32 s9, $0x0;
	s8 =	simm.s32 $0x2760;
	s11 =	sshll.u32 @!p2 s9, $0x6  }
0xb: {  	s9 =	simm.s32 $0x50;
	s12 =	sshrl.u32 @!p2 s2, $0x3;
	s5 =	sadd.s32 s5, s4  }
0xc: {  	s4 =	sadd.s32 $0x16C00, s4;
	s6 =	smax.u32 s7, $0x1;
	s7 =	simm.s32 $0x1  }
0xd: {  	v0 =	vimm.f32 $1.000000000e+00;
	v1 =	vimm.f32 $0.0e+00;
	s11 =	sor.u32 @!p2 $0x1C01, s11;
	s13 =	sshrl.u32 @p1 s2, $0x3;
	s5 =	sadd.s32 $0xCE00, s5  }
.LBB2_1:
0xe: {  	[tilespmem:s3], [sflag:$0x1] =	stream.linear.gather [hbm4b:s5+s3], $0x2710, $0x38;
	[tilespmem:$0x50E8] =	vst v63  }
0xf: {  	_ =	swait.ge [sflag:s7], $0x2710  }
0x10: {  	[sflag:s7] =	ssyncset.done $0x0  }
0x11: {  	[sflag:s7] =	ssyncadd.s32 $0xFFFFD8F0  }
.Ltmp0:
0x12: {  	[tilespmem:$0x2710] =	vst v0;
	(pc) =	sbr.rel @p0 .LBB2_5-.Ltmp0, $4  }
0x13: {  	[tilespmem:$0x2720] =	vst v0  }
0x14: {  	[tilespmem:$0x2730] =	vst v0  }
0x15: {  	[tilespmem:$0x2740] =	vst v0  }
0x16: {  	[tilespmem:$0x2750] =	vst v0  }
0x17: {  	s15 =	simm.s32 $0x40;
	s16 =	simm.s32 $0x0  }
.LBB2_3:
0x18: {  	p3 =	sne.s32 s15, $0x9C00;
	[tilespmem:s16+$0x2760] =	vst v1;
	s16 =	smov.u32 s15;
	s15 =	sadd.s32 $0x40, s15  }
.Ltmp1:
0x19: {  	(pc) =	sbr.rel @p3 .LBB2_3-.Ltmp1, $2  }
0x1a: {  	_ =	sdelay $0x2  }
0x1b: {  	s16 =	sshra.s32 s16, $0x2  }
0x1c: {  	[tilespmem:s16+$0x2760] =	vst v1  }
0x1d: {  	[spmem:s2] =	stream.linear.scatter [tilespmem:s8], [sflag:$0x1], $0x2710, $0x38;
	[tilespmem:$0x50E8] =	vst v63  }
0x1e: {  	_ =	swait.ge [sflag:s7], $0x2710  }
0x1f: {  	[sflag:s7] =	ssyncset.done $0x0  }
0x20: {  	[sflag:s7] =	ssyncadd.s32 $0xFFFFD8F0  }
.LBB2_5:
0x21: {  	[bflag:$0x0] =	sbarrier.arrive $0xFFFF;
	s15 =	simm.s32 $0x0  }
0x22: {  	[spmem:s2] =	stream.indirect.scatter.add.f32 [tilespmem:s10], [sflag:$0x1], $0x1, s15, s9, $0xb8;
	[tilespmem:$0x50E8] =	vst v63  }
0x23: {  	_ =	swait.ge [sflag:s7], $0x50  }
0x24: {  	s15 =	simm.s32 $0x140;
	[sflag:s7] =	ssyncset.done $0x0  }
.LBB2_6:
0x25: {  	s16 =	sshra.s32 s15, $0x2;
	[sflag:s7] =	ssyncadd.s32 $0xFFFFFFB0;
	p3 =	sne.s32 s15, $0x9B00  }
0x26: {  	[spmem:s2] =	stream.indirect.scatter.add.f32 [tilespmem:s10], [sflag:$0x1], $0x1, s16, s9, $0xb8;
	[tilespmem:$0x50E8] =	vst v63  }
.Ltmp2:
0x27: {  	_ = 	snop;
	(pc) =	sbr.rel @p3 .LBB2_6-.Ltmp2, $4  }
0x28: {  	_ = 	snop  }
0x29: {  	s15 =	sadd.s32 $0x140, s15  }
0x2a: {  	_ =	swait.ge [sflag:s7], $0x50  }
0x2b: {  	[sflag:s7] =	ssyncset.done $0x0  }
0x2c: {  	[sflag:s7] =	ssyncadd.s32 $0xFFFFFFB0  }
0x2d: {  	s15 =	simm.s32 @!p2 $0x1;
	[bflag:$0x0] =	sbarrier.arrive $0xFFFF  }
0x2e: {  	[hbm:s1], [sflag:s11] =	dma.local @!p2 [spmem:s12], $0x4E2  }
0x2f: {  	_ =	swait.ge @!p2 [sflag:s15], $0x4E2  }
0x30: {  	s14 =	sadd.s32 $0x1, s14;
	[sflag:s15] =	ssyncset.done @!p2 $0x0  }
0x31: {  	p3 =	sne.s32 s14, s6;
	[sflag:s15] =	ssyncadd.s32 @!p2 $0xFFFFFB1E;
	s15 =	simm.s32 @p1 $0x1C01  }
0x32: {  	[hbm:s4], [sflag:s15] =	dma.local @p1 [spmem:s13], $0x4E2  }
.Ltmp3:
0x33: {  	_ = 	snop;
	(pc) =	sbr.rel @p3 .LBB2_1-.Ltmp3, $4  }
0x34: {  	s15 =	simm.s32 @p1 $0x1  }
0x35: {  	_ =	swait.ge @p1 [sflag:s15], $0x4E2  }
0x36: {  	[sflag:s15] =	ssyncset.done @p1 $0x0  }
0x37: {  	[sflag:s15] =	ssyncadd.s32 @p1 $0xFFFFFB1E  }
0x38: {  	_ =	sfence.sel $0x180000  }
0x39: {  	[bflag:$0x0] =	sbarrier.arrive $0xFFFF  }
0x3a: {  	_ =	strace $0x90000047  }
0x3b: {  	s0 =	sadd.s32 @!p0 $0x100000, s0;
	[bflag:$0x2] =	sbarrier.arrive $0xFFFF  }
0x3c: {  	[sflag:s0] =	ssyncadd.tile.s32 @!p0 $0x1;
	_ =	shalt  }
.Lfunc_end2:
_tile_overlayer_lowered:
.L_overlay_start_2:
0x3d: {  	(tag) =	ssettag $0x2  }
0x3e: {  	s0 =	rddreg [dreg:$0x0];
	s2 =	stileid.u32  }
0x3f: {  	s1 =	rddreg [dreg:$0x1];
	p0 =	sne.s32 s2, $0x0  }
0x40: {  	s3 =	rddreg [dreg:$0x2];
	[bflag:$0x3] =	sbarrier.arrive $0xFFFF;
	s2 =	simm.s32 @!p0 $0x1C01  }
0x41: {  	[timem:s3], [sflag:s2] =	dma.local @!p0 [hbm:s0], s1  }
0x42: {  	s0 =	simm.s32 @!p0 $0x1  }
0x43: {  	_ =	swait.ge @!p0 [sflag:s0], s1  }
0x44: {  	s1 =	ssub.s32 @!p0 $0x0, s1;
	[sflag:s0] =	ssyncset.done @!p0 $0x0  }
0x45: {  	[sflag:s0] =	ssyncadd.s32 @!p0 s1  }
0x46: {  	[bflag:$0x3] =	sbarrier.arrive $0xFFFF  }
0x47: {  	_ =	shalt  }

</sc_bundles>
